<compile_context>
chip_gen: v7x
topology: tpu7x:2x2x1
jax: 0.10.2.dev20260603
libtpu: 0.0.44.dev20260713+nightly
codegen_flags: <defaults>
</compile_context>

<pallas_src>
import jax
import jax.numpy as jnp
from jax import lax
from jax.experimental import pallas as pl
from jax.experimental.pallas import tpu as pltpu
from jax.experimental.pallas import tpu_sc as plsc

_NC = 2
_NS = 16
_NW = _NC * _NS
_L = 16
_CHUNK = 128
_NBUF = 4

_TC_COLS = 16384



def _repack_tc_body(tt_ref, t2_ref):
    for s in range(_TC_COLS // 2048):
        x = tt_ref[:, pl.ds(s * 2048, 2048)]
        t2_ref[pl.ds(s * 1024, 1024), :] = jnp.concatenate(
            [x[:, :1024], x[:, 1024:]], axis=0
        ).T



def _iota():
    return lax.iota(jnp.int32, _L)


def _gather_body(item_idx, user_idx, t2, ttu, out_t, outu_t,
                 idx_v, pidx_v, rows_v, oblk_v, uidx_v, ublk_v, ttu_v,
                 gsem, osem):
    wid = lax.axis_index("s") * _NC + lax.axis_index("c")
    per_w = idx_v.shape[0]
    n_chunks = per_w // _CHUNK
    base_w = wid * per_w

    iot = _iota()

    pltpu.sync_copy(item_idx.at[pl.ds(base_w, per_w)], idx_v)

    def mk_pidx(v, cry):
        x = idx_v[pl.ds(v * _L, _L)]
        pidx_v[pl.ds(v * _L, _L)] = (
            lax.shift_left(lax.shift_right_logical(x, 11), 10) + (x & 1023)
        )
        return cry

    lax.fori_loop(0, per_w // _L, mk_pidx, 0)

    pltpu.sync_copy(ttu, ttu_v)
    per_w_user = uidx_v.shape[0]
    pltpu.sync_copy(user_idx.at[pl.ds(wid * per_w_user, per_w_user)], uidx_v)

    def gather(j, b):
        return pltpu.make_async_copy(
            t2.at[pidx_v.at[pl.ds(j * _CHUNK, _CHUNK)]],
            rows_v.at[b],
            gsem.at[b],
        )

    def select_t(j, b):
        def one16(v, cry):
            kk0 = v * _L
            sels = (lax.shift_right_logical(idx_v[pl.ds(j * _CHUNK + kk0, _L)], 10) & 1) * 64
            kvec = iot + kk0

            def one_diag(d, cry2):
                for u in range(4):
                    jj = (iot + (4 * d + u)) & 63
                    vals = plsc.load_gather(rows_v.at[b], [kvec, sels + jj])
                    plsc.store_scatter(oblk_v.at[b], [jj, kvec], vals)
                return cry2

            lax.fori_loop(0, 16, one_diag, 0)
            return cry

        lax.fori_loop(0, _CHUNK // _L, one16, 0)

    def store(j, b):
        m = wid * n_chunks + j
        return pltpu.make_async_copy(
            oblk_v.at[b],
            out_t.at[:, pl.ds(pl.multiple_of(m * _CHUNK, _CHUNK), _CHUNK)],
            osem.at[b],
        )

    for b in range(_NBUF):
        gather(b, b).start()

    def lap_body(lap, carry):
        jj = lap * _NBUF
        for b in range(_NBUF):
            j = jj + b
            gather(j, b).wait()

            @pl.when(lap > 0)
            def _():
                store(j - _NBUF, b).wait()

            select_t(j, b)
            store(j, b).start()

            @pl.when(j + _NBUF < n_chunks)
            def _():
                gather(j + _NBUF, b).start()

        return carry

    n_laps = n_chunks // _NBUF
    lax.fori_loop(0, n_laps, lap_body, 0)
    for b in range(n_chunks - n_laps * _NBUF):
        j = n_laps * _NBUF + b
        gather(j, b).wait()
        store(j - _NBUF, b).wait()
        select_t(j, b)
        store(j, b).start()
    for j in range(n_chunks - _NBUF, n_chunks):
        store(j, j % _NBUF).wait()

    def uone16(v, cry):
        uis = uidx_v[pl.ds(v * _L, _L)]
        for i in range(_L):
            kk = v * _L + i
            kvec = jnp.full((_L,), 0, jnp.int32) + kk
            vals = plsc.load_gather(ttu_v, [iot, jnp.full((_L,), 0, jnp.int32) + uis[i]])
            plsc.store_scatter(ublk_v, [iot, kvec], vals)
        return cry

    lax.fori_loop(0, per_w_user // _L, uone16, 0)
    pltpu.sync_copy(
        ublk_v,
        outu_t.at[:, pl.ds(pl.multiple_of(wid * per_w_user, _CHUNK), per_w_user)],
    )


def kernel(values_item_hist, values_user_cat, table_item, table_user):
    n_hist = values_item_hist.shape[0]
    n_user = values_user_cat.shape[0]
    dim_item = table_item.shape[1]
    dim_user = table_user.shape[1]
    vocab_item = table_item.shape[0]
    vocab_user = table_user.shape[0]

    per_w = n_hist // _NW
    per_w_user = n_user // _NW

    tt = table_item.T
    ttu = table_user.T

    n_blocks = (vocab_item + _TC_COLS - 1) // _TC_COLS
    t2 = pl.pallas_call(
        _repack_tc_body,
        grid=(n_blocks,),
        in_specs=[pl.BlockSpec((dim_item, _TC_COLS), lambda i: (0, i))],
        out_specs=pl.BlockSpec((_TC_COLS // 2, 128), lambda i: (i, 0)),
        out_shape=jax.ShapeDtypeStruct((n_blocks * (_TC_COLS // 2), 128), jnp.float32),
    )(tt)

    mesh = plsc.VectorSubcoreMesh(core_axis_name="c", subcore_axis_name="s")
    gather = pl.kernel(
        _gather_body,
        out_type=(
            jax.ShapeDtypeStruct((dim_item, n_hist), jnp.float32),
            jax.ShapeDtypeStruct((dim_user, n_user), jnp.float32),
        ),
        mesh=mesh,
        compiler_params=pltpu.CompilerParams(needs_layout_passes=False),
        scratch_types=[
            pltpu.VMEM((per_w,), jnp.int32),
            pltpu.VMEM((per_w,), jnp.int32),
            pltpu.VMEM((_NBUF, _CHUNK, 128), jnp.float32),
            pltpu.VMEM((_NBUF, dim_item, _CHUNK), jnp.float32),
            pltpu.VMEM((per_w_user,), jnp.int32),
            pltpu.VMEM((dim_user, per_w_user), jnp.float32),
            pltpu.VMEM((dim_user, vocab_user), jnp.float32),
            pltpu.SemaphoreType.DMA((_NBUF,)),
            pltpu.SemaphoreType.DMA((_NBUF,)),
        ],
    )
    out_t, outu_t = gather(values_item_hist, values_user_cat, t2, ttu)
    return (out_t.T, outu_t.T)

# --- scband reference (transcript-rebuilt; emitter-appended) ---
"""Pipeline reference for scband-inference-embedding-87763361726749 (READ-ONLY COPY).

The authoritative reference and input builder live on the scoring server;
editing this copy changes nothing except your own understanding.
"""

import jax, jax.numpy as jnp
import numpy as np

VOCAB_ITEM = 1000000
DIM_ITEM = 64
VOCAB_USER = 1000
DIM_USER = 16
N_HIST = 204800  # batch 4096 * hist_len 50
N_USER = 4096


def setup_inputs(seed: int = 0) -> dict:
    key = jax.random.key(seed)
    k1, k2, k3, k4 = jax.random.split(key, 4)
    values_item_hist = jax.random.randint(k1, (N_HIST,), 0, VOCAB_ITEM, dtype=jnp.int32)
    values_user_cat = jax.random.randint(k2, (N_USER,), 0, VOCAB_USER, dtype=jnp.int32)
    # truncated normal init (std=0.02, clipped to +/-2 sigma), matching to_empty() init
    table_item = jax.random.truncated_normal(k3, -2.0, 2.0, (VOCAB_ITEM, DIM_ITEM), dtype=jnp.float32) * 0.02
    table_user = jax.random.truncated_normal(k4, -2.0, 2.0, (VOCAB_USER, DIM_USER), dtype=jnp.float32) * 0.02
    return {
        "values_item_hist": values_item_hist,
        "values_user_cat": values_user_cat,
        "table_item": table_item,
        "table_user": table_user,
    }


def reference(values_item_hist, values_user_cat, table_item, table_user):
    # InferenceEmbedding.forward with embed_tp_size=1: each feature's jagged values
    # are looked up in its mapped table (plain nn.Embedding path, no sharding comms).
    emb_item_hist = jnp.take(table_item, values_item_hist, axis=0)
    emb_user_cat = jnp.take(table_user, values_user_cat, axis=0)
    return (emb_item_hist, emb_user_cat)

if __name__ == "__main__":
    import jax
    _d = setup_inputs()
    print(jax.jit(kernel)(*tuple(_d.values())))

</pallas_src>

<mosaic_0001>
#map = affine_map<(d0, d1) -> (0)>
#map1 = affine_map<(d0, d1) -> (0, 0)>
module attributes {stable_mosaic.version = 14 : i64} {
  func.func @_gather_body(%arg0: i32, %arg1: i32, %arg2: memref<204800xi32, #tpu.memory_space<hbm>>, %arg3: memref<4096xi32, #tpu.memory_space<hbm>>, %arg4: memref<507904x128xf32, #tpu.memory_space<hbm>>, %arg5: memref<16x1000xf32, #tpu.memory_space<hbm>>, %arg6: memref<64x204800xf32, #tpu.memory_space<hbm>>, %arg7: memref<16x4096xf32, #tpu.memory_space<hbm>>, %arg8: memref<6400xi32, #tpu.memory_space<vmem>>, %arg9: memref<6400xi32, #tpu.memory_space<vmem>>, %arg10: memref<4x128x128xf32, #tpu.memory_space<vmem>>, %arg11: memref<4x64x128xf32, #tpu.memory_space<vmem>>, %arg12: memref<128xi32, #tpu.memory_space<vmem>>, %arg13: memref<16x128xf32, #tpu.memory_space<vmem>>, %arg14: memref<16x1000xf32, #tpu.memory_space<vmem>>, %arg15: memref<4x!tpu.dma_semaphore, #tpu.memory_space<semaphore_mem>>, %arg16: memref<4x!tpu.dma_semaphore, #tpu.memory_space<semaphore_mem>>) attributes {dimension_semantics = [#tpu.dimension_semantics<core_parallel>, #tpu.dimension_semantics<subcore_parallel>], iteration_bounds = array<i64: 2, 16>, scalar_prefetch = 0 : i64, scratch_operands = 9 : i64, tpu.core_type = #tpu.core_type<sc_vector_subcore>, window_params = [{transform_indices = #map}, {transform_indices = #map}, {transform_indices = #map1}, {transform_indices = #map1}, {transform_indices = #map1}, {transform_indices = #map1}]} {
    %mul3A = arith.constant 2 : i32
    %mul3A_0 = arith.muli %arg1, %mul3A : i32
    %add3A = arith.addi %mul3A_0, %arg0 : i32
    %mul3A_1 = arith.constant 6400 : i32
    %mul3A_2 = arith.muli %add3A, %mul3A_1 : i32
    %iota3A = tpu.iota {dimensions = array<i32: 0>} : vector<16xi32>
    "tpu.region"() ({
      %run_scoped3A = tpu.sem_alloc : memref<!tpu.dma_semaphore, #tpu.memory_space<semaphore_mem>>
      %dma_start3A_296 = tpu.memref_slice %arg2[%mul3A_2] : memref<204800xi32, #tpu.memory_space<hbm>> -> memref<6400xi32, #tpu.memory_space<hbm>>
      %dma_start3A_297 = tpu.memref_slice %arg2[%mul3A_2] : memref<204800xi32, #tpu.memory_space<hbm>> -> memref<6400xi32, #tpu.memory_space<hbm>>
      tpu.enqueue_dma source(%dma_start3A_297 : memref<6400xi32, #tpu.memory_space<hbm>>) target(%arg8 : memref<6400xi32, #tpu.memory_space<vmem>>) target_semaphore(%run_scoped3A : memref<!tpu.dma_semaphore, #tpu.memory_space<semaphore_mem>>)
      %dma_wait3A_298 = tpu.memref_slice %arg2[%mul3A_2] : memref<204800xi32, #tpu.memory_space<hbm>> -> memref<6400xi32, #tpu.memory_space<hbm>>
      %dma_wait3A_299 = tpu.memref_slice %arg2[%mul3A_2] : memref<204800xi32, #tpu.memory_space<hbm>> -> memref<6400xi32, #tpu.memory_space<hbm>>
      tpu.wait_dma2 semaphore(%run_scoped3A : memref<!tpu.dma_semaphore, #tpu.memory_space<semaphore_mem>>) src(%dma_wait3A_299 : memref<6400xi32, #tpu.memory_space<hbm>>) dst(%arg8 : memref<6400xi32, #tpu.memory_space<vmem>>)
      tpu.yield
    }) : () -> ()
    %scan3A = arith.constant 0 : i32
    %scan3A_3 = arith.constant 0 : i32
    %scan3A_4 = arith.constant 400 : i32
    %scan3A_5 = arith.addi %scan3A_3, %scan3A_4 : i32
    %scan3A_6 = arith.constant 1 : i32
    scf.for %scan3A_296 = %scan3A_3 to %scan3A_5 step %scan3A_6  : i32 {
      %mul3A_297 = arith.constant 16 : i32
      %mul3A_298 = arith.muli %scan3A_296, %mul3A_297 : i32
      %get3A = arith.index_cast %mul3A_298 : i32 to index
      %get3A_299 = tpu.vector_load %arg8[%get3A] {strides = array<i32>} : memref<6400xi32, #tpu.memory_space<vmem>>, vector<16xi32>,
      %shift_right_logical3A = arith.constant 11 : i32
      %shift_right_logical3A_300 = vector.broadcast %shift_right_logical3A : i32 to vector<16xi32>
      %shift_right_logical3A_301 = arith.shrui %get3A_299, %shift_right_logical3A_300 : vector<16xi32>
      %shift_left3A = arith.constant 10 : i32
      %shift_left3A_302 = vector.broadcast %shift_left3A : i32 to vector<16xi32>
      %shift_left3A_303 = arith.shli %shift_right_logical3A_301, %shift_left3A_302 : vector<16xi32>
      %and3A = arith.constant 1023 : i32
      %and3A_304 = vector.broadcast %and3A : i32 to vector<16xi32>
      %and3A_305 = arith.andi %get3A_299, %and3A_304 : vector<16xi32>
      %add3A_306 = arith.addi %shift_left3A_303, %and3A_305 : vector<16xi32>
      %mul3A_307 = arith.constant 16 : i32
      %mul3A_308 = arith.muli %scan3A_296, %mul3A_307 : i32
      %swap3A = arith.index_cast %mul3A_308 : i32 to index
      %swap3A_309 = tpu.vector_load %arg9[%swap3A] {strides = array<i32>} : memref<6400xi32, #tpu.memory_space<vmem>>, vector<16xi32>,
      tpu.vector_store %arg9[%swap3A], %add3A_306 {strides = array<i32>} : memref<6400xi32, #tpu.memory_space<vmem>>, vector<16xi32>,
    }
    %scan3A_7 = arith.constant 400 : i32
    "tpu.region"() ({
      %run_scoped3A = tpu.sem_alloc : memref<!tpu.dma_semaphore, #tpu.memory_space<semaphore_mem>>
      tpu.enqueue_dma source(%arg5 : memref<16x1000xf32, #tpu.memory_space<hbm>>) target(%arg14 : memref<16x1000xf32, #tpu.memory_space<vmem>>) target_semaphore(%run_scoped3A : memref<!tpu.dma_semaphore, #tpu.memory_space<semaphore_mem>>)
      tpu.wait_dma2 semaphore(%run_scoped3A : memref<!tpu.dma_semaphore, #tpu.memory_space<semaphore_mem>>) src(%arg5 : memref<16x1000xf32, #tpu.memory_space<hbm>>) dst(%arg14 : memref<16x1000xf32, #tpu.memory_space<vmem>>)
      tpu.yield
    }) : () -> ()
    %mul3A_8 = arith.constant 128 : i32
    %mul3A_9 = arith.muli %add3A, %mul3A_8 : i32
    "tpu.region"() ({
      %run_scoped3A = tpu.sem_alloc : memref<!tpu.dma_semaphore, #tpu.memory_space<semaphore_mem>>
      %dma_start3A_296 = tpu.memref_slice %arg3[%mul3A_9] : memref<4096xi32, #tpu.memory_space<hbm>> -> memref<128xi32, #tpu.memory_space<hbm>>
      %dma_start3A_297 = tpu.memref_slice %arg3[%mul3A_9] : memref<4096xi32, #tpu.memory_space<hbm>> -> memref<128xi32, #tpu.memory_space<hbm>>
      tpu.enqueue_dma source(%dma_start3A_297 : memref<128xi32, #tpu.memory_space<hbm>>) target(%arg12 : memref<128xi32, #tpu.memory_space<vmem>>) target_semaphore(%run_scoped3A : memref<!tpu.dma_semaphore, #tpu.memory_space<semaphore_mem>>)
      %dma_wait3A_298 = tpu.memref_slice %arg3[%mul3A_9] : memref<4096xi32, #tpu.memory_space<hbm>> -> memref<128xi32, #tpu.memory_space<hbm>>
      %dma_wait3A_299 = tpu.memref_slice %arg3[%mul3A_9] : memref<4096xi32, #tpu.memory_space<hbm>> -> memref<128xi32, #tpu.memory_space<hbm>>
      tpu.wait_dma2 semaphore(%run_scoped3A : memref<!tpu.dma_semaphore, #tpu.memory_space<semaphore_mem>>) src(%dma_wait3A_299 : memref<128xi32, #tpu.memory_space<hbm>>) dst(%arg12 : memref<128xi32, #tpu.memory_space<vmem>>)
      tpu.yield
    }) : () -> ()
    %dma_start3A = arith.constant 0 : i32
    %dma_start3A_10 = arith.constant 0 : i32
    %dma_start3A_11 = arith.constant 0 : i32
    %dma_start3A_12 = arith.constant 0 : i32
    %dma_start3A_13 = tpu.memref_slice %arg10[%dma_start3A, %dma_start3A_11, %dma_start3A_12] : memref<4x128x128xf32, #tpu.memory_space<vmem>> -> memref<1x128x128xf32, #tpu.memory_space<vmem>>
    %dma_start3A_14 = tpu.memref_squeeze %dma_start3A_13 : memref<1x128x128xf32, #tpu.memory_space<vmem>> -> memref<128x128xf32, #tpu.memory_space<vmem>>
    %dma_start3A_15 = arith.constant 0 : i32
    %dma_start3A_16 = tpu.memref_slice %arg9[%dma_start3A_15] : memref<6400xi32, #tpu.memory_space<vmem>> -> memref<128xi32, #tpu.memory_space<vmem>>
    %dma_start3A_17 = arith.constant 0 : i32
    %dma_start3A_18 = arith.constant 0 : i32
    %dma_start3A_19 = tpu.memref_slice %arg4[%dma_start3A_17, %dma_start3A_18] : memref<507904x128xf32, #tpu.memory_space<hbm>> -> memref<507904x128xf32, #tpu.memory_space<hbm>>
    %dma_start3A_20 = tpu.memref_slice %arg15[%dma_start3A_10] : memref<4x!tpu.dma_semaphore, #tpu.memory_space<semaphore_mem>> -> memref<1x!tpu.dma_semaphore, #tpu.memory_space<semaphore_mem>>
    %dma_start3A_21 = tpu.memref_squeeze %dma_start3A_20 : memref<1x!tpu.dma_semaphore, #tpu.memory_space<semaphore_mem>> -> memref<!tpu.dma_semaphore, #tpu.memory_space<semaphore_mem>>
    tpu.enqueue_indirect_dma source(%dma_start3A_19 : memref<507904x128xf32, #tpu.memory_space<hbm>>) target(%dma_start3A_14 : memref<128x128xf32, #tpu.memory_space<vmem>>) offsets(%dma_start3A_16 : memref<128xi32, #tpu.memory_space<vmem>>) semaphore(%dma_start3A_21 : memref<!tpu.dma_semaphore, #tpu.memory_space<semaphore_mem>>)
    %dma_start3A_22 = arith.constant 1 : i32
    %dma_start3A_23 = arith.constant 1 : i32
    %dma_start3A_24 = arith.constant 0 : i32
    %dma_start3A_25 = arith.constant 0 : i32
    %dma_start3A_26 = tpu.memref_slice %arg10[%dma_start3A_22, %dma_start3A_24, %dma_start3A_25] : memref<4x128x128xf32, #tpu.memory_space<vmem>> -> memref<1x128x128xf32, #tpu.memory_space<vmem>>
    %dma_start3A_27 = tpu.memref_squeeze %dma_start3A_26 : memref<1x128x128xf32, #tpu.memory_space<vmem>> -> memref<128x128xf32, #tpu.memory_space<vmem>>
    %dma_start3A_28 = arith.constant 128 : i32
    %dma_start3A_29 = tpu.memref_slice %arg9[%dma_start3A_28] : memref<6400xi32, #tpu.memory_space<vmem>> -> memref<128xi32, #tpu.memory_space<vmem>>
    %dma_start3A_30 = arith.constant 0 : i32
    %dma_start3A_31 = arith.constant 0 : i32
    %dma_start3A_32 = tpu.memref_slice %arg4[%dma_start3A_30, %dma_start3A_31] : memref<507904x128xf32, #tpu.memory_space<hbm>> -> memref<507904x128xf32, #tpu.memory_space<hbm>>
    %dma_start3A_33 = tpu.memref_slice %arg15[%dma_start3A_23] : memref<4x!tpu.dma_semaphore, #tpu.memory_space<semaphore_mem>> -> memref<1x!tpu.dma_semaphore, #tpu.memory_space<semaphore_mem>>
    %dma_start3A_34 = tpu.memref_squeeze %dma_start3A_33 : memref<1x!tpu.dma_semaphore, #tpu.memory_space<semaphore_mem>> -> memref<!tpu.dma_semaphore, #tpu.memory_space<semaphore_mem>>
    tpu.enqueue_indirect_dma source(%dma_start3A_32 : memref<507904x128xf32, #tpu.memory_space<hbm>>) target(%dma_start3A_27 : memref<128x128xf32, #tpu.memory_space<vmem>>) offsets(%dma_start3A_29 : memref<128xi32, #tpu.memory_space<vmem>>) semaphore(%dma_start3A_34 : memref<!tpu.dma_semaphore, #tpu.memory_space<semaphore_mem>>)
    %dma_start3A_35 = arith.constant 2 : i32
    %dma_start3A_36 = arith.constant 2 : i32
    %dma_start3A_37 = arith.constant 0 : i32
    %dma_start3A_38 = arith.constant 0 : i32
    %dma_start3A_39 = tpu.memref_slice %arg10[%dma_start3A_35, %dma_start3A_37, %dma_start3A_38] : memref<4x128x128xf32, #tpu.memory_space<vmem>> -> memref<1x128x128xf32, #tpu.memory_space<vmem>>
    %dma_start3A_40 = tpu.memref_squeeze %dma_start3A_39 : memref<1x128x128xf32, #tpu.memory_space<vmem>> -> memref<128x128xf32, #tpu.memory_space<vmem>>
    %dma_start3A_41 = arith.constant 256 : i32
    %dma_start3A_42 = tpu.memref_slice %arg9[%dma_start3A_41] : memref<6400xi32, #tpu.memory_space<vmem>> -> memref<128xi32, #tpu.memory_space<vmem>>
    %dma_start3A_43 = arith.constant 0 : i32
    %dma_start3A_44 = arith.constant 0 : i32
    %dma_start3A_45 = tpu.memref_slice %arg4[%dma_start3A_43, %dma_start3A_44] : memref<507904x128xf32, #tpu.memory_space<hbm>> -> memref<507904x128xf32, #tpu.memory_space<hbm>>
    %dma_start3A_46 = tpu.memref_slice %arg15[%dma_start3A_36] : memref<4x!tpu.dma_semaphore, #tpu.memory_space<semaphore_mem>> -> memref<1x!tpu.dma_semaphore, #tpu.memory_space<semaphore_mem>>
    %dma_start3A_47 = tpu.memref_squeeze %dma_start3A_46 : memref<1x!tpu.dma_semaphore, #tpu.memory_space<semaphore_mem>> -> memref<!tpu.dma_semaphore, #tpu.memory_space<semaphore_mem>>
    tpu.enqueue_indirect_dma source(%dma_start3A_45 : memref<507904x128xf32, #tpu.memory_space<hbm>>) target(%dma_start3A_40 : memref<128x128xf32, #tpu.memory_space<vmem>>) offsets(%dma_start3A_42 : memref<128xi32, #tpu.memory_space<vmem>>) semaphore(%dma_start3A_47 : memref<!tpu.dma_semaphore, #tpu.memory_space<semaphore_mem>>)
    %dma_start3A_48 = arith.constant 3 : i32
    %dma_start3A_49 = arith.constant 3 : i32
    %dma_start3A_50 = arith.constant 0 : i32
    %dma_start3A_51 = arith.constant 0 : i32
    %dma_start3A_52 = tpu.memref_slice %arg10[%dma_start3A_48, %dma_start3A_50, %dma_start3A_51] : memref<4x128x128xf32, #tpu.memory_space<vmem>> -> memref<1x128x128xf32, #tpu.memory_space<vmem>>
    %dma_start3A_53 = tpu.memref_squeeze %dma_start3A_52 : memref<1x128x128xf32, #tpu.memory_space<vmem>> -> memref<128x128xf32, #tpu.memory_space<vmem>>
    %dma_start3A_54 = arith.constant 384 : i32
    %dma_start3A_55 = tpu.memref_slice %arg9[%dma_start3A_54] : memref<6400xi32, #tpu.memory_space<vmem>> -> memref<128xi32, #tpu.memory_space<vmem>>
    %dma_start3A_56 = arith.constant 0 : i32
    %dma_start3A_57 = arith.constant 0 : i32
    %dma_start3A_58 = tpu.memref_slice %arg4[%dma_start3A_56, %dma_start3A_57] : memref<507904x128xf32, #tpu.memory_space<hbm>> -> memref<507904x128xf32, #tpu.memory_space<hbm>>
    %dma_start3A_59 = tpu.memref_slice %arg15[%dma_start3A_49] : memref<4x!tpu.dma_semaphore, #tpu.memory_space<semaphore_mem>> -> memref<1x!tpu.dma_semaphore, #tpu.memory_space<semaphore_mem>>
    %dma_start3A_60 = tpu.memref_squeeze %dma_start3A_59 : memref<1x!tpu.dma_semaphore, #tpu.memory_space<semaphore_mem>> -> memref<!tpu.dma_semaphore, #tpu.memory_space<semaphore_mem>>
    tpu.enqueue_indirect_dma source(%dma_start3A_58 : memref<507904x128xf32, #tpu.memory_space<hbm>>) target(%dma_start3A_53 : memref<128x128xf32, #tpu.memory_space<vmem>>) offsets(%dma_start3A_55 : memref<128xi32, #tpu.memory_space<vmem>>) semaphore(%dma_start3A_60 : memref<!tpu.dma_semaphore, #tpu.memory_space<semaphore_mem>>)
    %scan3A_61 = arith.constant 0 : i32
    %scan3A_62 = arith.constant 0 : i32
    %scan3A_63 = arith.constant 12 : i32
    %scan3A_64 = arith.addi %scan3A_62, %scan3A_63 : i32
    %scan3A_65 = arith.constant 1 : i32
    scf.for %scan3A_296 = %scan3A_62 to %scan3A_64 step %scan3A_65  : i32 {
      %mul3A_297 = arith.constant 4 : i32
      %mul3A_298 = arith.muli %scan3A_296, %mul3A_297 : i32
      %add3A_299 = arith.constant 0 : i32
      %add3A_300 = arith.addi %mul3A_298, %add3A_299 : i32
      %mul3A_301 = arith.constant 128 : i32
      %mul3A_302 = arith.muli %add3A_300, %mul3A_301 : i32
      %dma_wait3A_303 = arith.constant 0 : i32
      %dma_wait3A_304 = arith.constant 0 : i32
      %dma_wait3A_305 = arith.constant 0 : i32
      %dma_wait3A_306 = arith.constant 0 : i32
      %dma_wait3A_307 = tpu.memref_slice %arg10[%dma_wait3A_303, %dma_wait3A_305, %dma_wait3A_306] : memref<4x128x128xf32, #tpu.memory_space<vmem>> -> memref<1x128x128xf32, #tpu.memory_space<vmem>>
      %dma_wait3A_308 = tpu.memref_squeeze %dma_wait3A_307 : memref<1x128x128xf32, #tpu.memory_space<vmem>> -> memref<128x128xf32, #tpu.memory_space<vmem>>
      %dma_wait3A_309 = tpu.memref_slice %arg9[%mul3A_302] : memref<6400xi32, #tpu.memory_space<vmem>> -> memref<128xi32, #tpu.memory_space<vmem>>
      %dma_wait3A_310 = arith.constant 0 : i32
      %dma_wait3A_311 = arith.constant 0 : i32
      %dma_wait3A_312 = tpu.memref_slice %arg4[%dma_wait3A_310, %dma_wait3A_311] : memref<507904x128xf32, #tpu.memory_space<hbm>> -> memref<507904x128xf32, #tpu.memory_space<hbm>>
      %dma_wait3A_313 = tpu.memref_slice %arg15[%dma_wait3A_304] : memref<4x!tpu.dma_semaphore, #tpu.memory_space<semaphore_mem>> -> memref<1x!tpu.dma_semaphore, #tpu.memory_space<semaphore_mem>>
      %dma_wait3A_314 = tpu.memref_squeeze %dma_wait3A_313 : memref<1x!tpu.dma_semaphore, #tpu.memory_space<semaphore_mem>> -> memref<!tpu.dma_semaphore, #tpu.memory_space<semaphore_mem>>
      tpu.wait_indirect_dma semaphore(%dma_wait3A_314 : memref<!tpu.dma_semaphore, #tpu.memory_space<semaphore_mem>>) src(%dma_wait3A_312 : memref<507904x128xf32, #tpu.memory_space<hbm>>) dst(%dma_wait3A_308 : memref<128x128xf32, #tpu.memory_space<vmem>>)
      %gt3A = arith.constant 0 : i32
      %gt3A_315 = arith.cmpi sgt, %scan3A_296, %gt3A : i32
      %convert_element_type3A = arith.extui %gt3A_315 : i1 to i32
      %cond3A = arith.constant 0 : i32
      %cond3A_316 = arith.cmpi ne, %convert_element_type3A, %cond3A : i32
      scf.if %cond3A_316 {
        %sub3A = arith.constant 4 : i32
        %sub3A_519 = arith.subi %add3A_300, %sub3A : i32
        %mul3A_520 = arith.constant 50 : i32
        %mul3A_521 = arith.muli %add3A, %mul3A_520 : i32
        %add3A_522 = arith.addi %mul3A_521, %sub3A_519 : i32
        %mul3A_523 = arith.constant 128 : i32
        %mul3A_524 = arith.muli %add3A_522, %mul3A_523 : i32
        %multiple_of3A_525 = tpu.assume_multiple %mul3A_524, 128 : i32
        %dma_wait3A_526 = arith.constant 0 : i32
        %dma_wait3A_527 = arith.constant 0 : i32
        %dma_wait3A_528 = arith.constant 0 : i32
        %dma_wait3A_529 = arith.constant 0 : i32
        %dma_wait3A_530 = tpu.memref_slice %arg11[%dma_wait3A_526, %dma_wait3A_528, %dma_wait3A_529] : memref<4x64x128xf32, #tpu.memory_space<vmem>> -> memref<1x64x128xf32, #tpu.memory_space<vmem>>
        %dma_wait3A_531 = tpu.memref_squeeze %dma_wait3A_530 : memref<1x64x128xf32, #tpu.memory_space<vmem>> -> memref<64x128xf32, #tpu.memory_space<vmem>>
        %dma_wait3A_532 = arith.constant 0 : i32
        %dma_wait3A_533 = tpu.memref_slice %arg6[%dma_wait3A_532, %multiple_of3A_525] : memref<64x204800xf32, #tpu.memory_space<hbm>> -> memref<64x128xf32, #tpu.memory_space<hbm>>
        %dma_wait3A_534 = tpu.memref_slice %arg16[%dma_wait3A_527] : memref<4x!tpu.dma_semaphore, #tpu.memory_space<semaphore_mem>> -> memref<1x!tpu.dma_semaphore, #tpu.memory_space<semaphore_mem>>
        %dma_wait3A_535 = tpu.memref_squeeze %dma_wait3A_534 : memref<1x!tpu.dma_semaphore, #tpu.memory_space<semaphore_mem>> -> memref<!tpu.dma_semaphore, #tpu.memory_space<semaphore_mem>>
        %dma_wait3A_536 = arith.constant 0 : i32
        %dma_wait3A_537 = tpu.memref_slice %arg6[%dma_wait3A_536, %multiple_of3A_525] : memref<64x204800xf32, #tpu.memory_space<hbm>> -> memref<64x128xf32, #tpu.memory_space<hbm>>
        %dma_wait3A_538 = arith.constant 0 : i32
        %dma_wait3A_539 = arith.constant 0 : i32
        %dma_wait3A_540 = tpu.memref_slice %arg11[%dma_wait3A_526, %dma_wait3A_538, %dma_wait3A_539] : memref<4x64x128xf32, #tpu.memory_space<vmem>> -> memref<1x64x128xf32, #tpu.memory_space<vmem>>
        %dma_wait3A_541 = tpu.memref_squeeze %dma_wait3A_540 : memref<1x64x128xf32, #tpu.memory_space<vmem>> -> memref<64x128xf32, #tpu.memory_space<vmem>>
        tpu.wait_dma2 semaphore(%dma_wait3A_535 : memref<!tpu.dma_semaphore, #tpu.memory_space<semaphore_mem>>) src(%dma_wait3A_541 : memref<64x128xf32, #tpu.memory_space<vmem>>) dst(%dma_wait3A_537 : memref<64x128xf32, #tpu.memory_space<hbm>>)
      } else {
      }
      %scan3A_317 = arith.constant 0 : i32
      %scan3A_318 = arith.constant 0 : i32
      %scan3A_319 = arith.constant 8 : i32
      %scan3A_320 = arith.addi %scan3A_318, %scan3A_319 : i32
      %scan3A_321 = arith.constant 1 : i32
      scf.for %scan3A_519 = %scan3A_318 to %scan3A_320 step %scan3A_321  : i32 {
        %mul3A_520 = arith.constant 16 : i32
        %mul3A_521 = arith.muli %scan3A_519, %mul3A_520 : i32
        %mul3A_522 = arith.constant 128 : i32
        %mul3A_523 = arith.muli %add3A_300, %mul3A_522 : i32
        %add3A_524 = arith.addi %mul3A_523, %mul3A_521 : i32
        %get3A = arith.index_cast %add3A_524 : i32 to index
        %get3A_525 = tpu.vector_load %arg8[%get3A] {strides = array<i32>} : memref<6400xi32, #tpu.memory_space<vmem>>, vector<16xi32>,
        %shift_right_logical3A = arith.constant 10 : i32
        %shift_right_logical3A_526 = vector.broadcast %shift_right_logical3A : i32 to vector<16xi32>
        %shift_right_logical3A_527 = arith.shrui %get3A_525, %shift_right_logical3A_526 : vector<16xi32>
        %and3A = arith.constant 1 : i32
        %and3A_528 = vector.broadcast %and3A : i32 to vector<16xi32>
        %and3A_529 = arith.andi %shift_right_logical3A_527, %and3A_528 : vector<16xi32>
        %mul3A_530 = arith.constant 64 : i32
        %mul3A_531 = vector.broadcast %mul3A_530 : i32 to vector<16xi32>
        %mul3A_532 = arith.muli %and3A_529, %mul3A_531 : vector<16xi32>
        %add3A_533 = vector.broadcast %mul3A_521 : i32 to vector<16xi32>
        %add3A_534 = arith.addi %iota3A, %add3A_533 : vector<16xi32>
        %scan3A_535 = arith.constant 0 : i32
        %scan3A_536 = arith.constant 0 : i32
        %scan3A_537 = arith.constant 16 : i32
        %scan3A_538 = arith.addi %scan3A_536, %scan3A_537 : i32
        %scan3A_539 = arith.constant 1 : i32
        scf.for %scan3A_541 = %scan3A_536 to %scan3A_538 step %scan3A_539  : i32 {
          %mul3A_542 = arith.constant 4 : i32
          %mul3A_543 = arith.muli %mul3A_542, %scan3A_541 : i32
          %add3A_544 = arith.constant 0 : i32
          %add3A_545 = arith.addi %mul3A_543, %add3A_544 : i32
          %add3A_546 = vector.broadcast %add3A_545 : i32 to vector<16xi32>
          %add3A_547 = arith.addi %iota3A, %add3A_546 : vector<16xi32>
          %and3A_548 = arith.constant 63 : i32
          %and3A_549 = vector.broadcast %and3A_548 : i32 to vector<16xi32>
          %and3A_550 = arith.andi %add3A_547, %and3A_549 : vector<16xi32>
          %add3A_551 = arith.addi %mul3A_532, %and3A_550 : vector<16xi32>
          %gather3A = arith.constant 0 : i32
          %gather3A_552 = arith.constant 0 : i32
          %gather3A_553 = arith.constant 0 : i32
          %gather3A_554 = tpu.memref_slice %arg10[%gather3A, %gather3A_552, %gather3A_553] : memref<4x128x128xf32, #tpu.memory_space<vmem>> -> memref<1x128x128xf32, #tpu.memory_space<vmem>>
          %gather3A_555 = tpu.memref_squeeze %gather3A_554 : memref<1x128x128xf32, #tpu.memory_space<vmem>> -> memref<128x128xf32, #tpu.memory_space<vmem>>
          %gather3A_556 = tpu.vector_load_idx %gather3A_555[%add3A_534, %add3A_551] : memref<128x128xf32, #tpu.memory_space<vmem>>[vector<16xi32>, vector<16xi32>], vector<16xf32>,
          %scatter3A = arith.constant 0 : i32
          %scatter3A_557 = arith.constant 0 : i32
          %scatter3A_558 = arith.constant 0 : i32
          %scatter3A_559 = tpu.memref_slice %arg11[%scatter3A, %scatter3A_557, %scatter3A_558] : memref<4x64x128xf32, #tpu.memory_space<vmem>> -> memref<1x64x128xf32, #tpu.memory_space<vmem>>
          %scatter3A_560 = tpu.memref_squeeze %scatter3A_559 : memref<1x64x128xf32, #tpu.memory_space<vmem>> -> memref<64x128xf32, #tpu.memory_space<vmem>>
          tpu.vector_store_idx %scatter3A_560[%and3A_550, %add3A_534], %gather3A_556 : memref<64x128xf32, #tpu.memory_space<vmem>>[vector<16xi32>, vector<16xi32>], vector<16xf32>,
          %mul3A_561 = arith.constant 4 : i32
          %mul3A_562 = arith.muli %mul3A_561, %scan3A_541 : i32
          %add3A_563 = arith.constant 1 : i32
          %add3A_564 = arith.addi %mul3A_562, %add3A_563 : i32
          %add3A_565 = vector.broadcast %add3A_564 : i32 to vector<16xi32>
          %add3A_566 = arith.addi %iota3A, %add3A_565 : vector<16xi32>
          %and3A_567 = arith.constant 63 : i32
          %and3A_568 = vector.broadcast %and3A_567 : i32 to vector<16xi32>
          %and3A_569 = arith.andi %add3A_566, %and3A_568 : vector<16xi32>
          %add3A_570 = arith.addi %mul3A_532, %and3A_569 : vector<16xi32>
          %gather3A_571 = arith.constant 0 : i32
          %gather3A_572 = arith.constant 0 : i32
          %gather3A_573 = arith.constant 0 : i32
          %gather3A_574 = tpu.memref_slice %arg10[%gather3A_571, %gather3A_572, %gather3A_573] : memref<4x128x128xf32, #tpu.memory_space<vmem>> -> memref<1x128x128xf32, #tpu.memory_space<vmem>>
          %gather3A_575 = tpu.memref_squeeze %gather3A_574 : memref<1x128x128xf32, #tpu.memory_space<vmem>> -> memref<128x128xf32, #tpu.memory_space<vmem>>
          %gather3A_576 = tpu.vector_load_idx %gather3A_575[%add3A_534, %add3A_570] : memref<128x128xf32, #tpu.memory_space<vmem>>[vector<16xi32>, vector<16xi32>], vector<16xf32>,
          %scatter3A_577 = arith.constant 0 : i32
          %scatter3A_578 = arith.constant 0 : i32
          %scatter3A_579 = arith.constant 0 : i32
          %scatter3A_580 = tpu.memref_slice %arg11[%scatter3A_577, %scatter3A_578, %scatter3A_579] : memref<4x64x128xf32, #tpu.memory_space<vmem>> -> memref<1x64x128xf32, #tpu.memory_space<vmem>>
          %scatter3A_581 = tpu.memref_squeeze %scatter3A_580 : memref<1x64x128xf32, #tpu.memory_space<vmem>> -> memref<64x128xf32, #tpu.memory_space<vmem>>
          tpu.vector_store_idx %scatter3A_581[%and3A_569, %add3A_534], %gather3A_576 : memref<64x128xf32, #tpu.memory_space<vmem>>[vector<16xi32>, vector<16xi32>], vector<16xf32>,
          %mul3A_582 = arith.constant 4 : i32
          %mul3A_583 = arith.muli %mul3A_582, %scan3A_541 : i32
          %add3A_584 = arith.constant 2 : i32
          %add3A_585 = arith.addi %mul3A_583, %add3A_584 : i32
          %add3A_586 = vector.broadcast %add3A_585 : i32 to vector<16xi32>
          %add3A_587 = arith.addi %iota3A, %add3A_586 : vector<16xi32>
          %and3A_588 = arith.constant 63 : i32
          %and3A_589 = vector.broadcast %and3A_588 : i32 to vector<16xi32>
          %and3A_590 = arith.andi %add3A_587, %and3A_589 : vector<16xi32>
          %add3A_591 = arith.addi %mul3A_532, %and3A_590 : vector<16xi32>
          %gather3A_592 = arith.constant 0 : i32
          %gather3A_593 = arith.constant 0 : i32
          %gather3A_594 = arith.constant 0 : i32
          %gather3A_595 = tpu.memref_slice %arg10[%gather3A_592, %gather3A_593, %gather3A_594] : memref<4x128x128xf32, #tpu.memory_space<vmem>> -> memref<1x128x128xf32, #tpu.memory_space<vmem>>
          %gather3A_596 = tpu.memref_squeeze %gather3A_595 : memref<1x128x128xf32, #tpu.memory_space<vmem>> -> memref<128x128xf32, #tpu.memory_space<vmem>>
          %gather3A_597 = tpu.vector_load_idx %gather3A_596[%add3A_534, %add3A_591] : memref<128x128xf32, #tpu.memory_space<vmem>>[vector<16xi32>, vector<16xi32>], vector<16xf32>,
          %scatter3A_598 = arith.constant 0 : i32
          %scatter3A_599 = arith.constant 0 : i32
          %scatter3A_600 = arith.constant 0 : i32
          %scatter3A_601 = tpu.memref_slice %arg11[%scatter3A_598, %scatter3A_599, %scatter3A_600] : memref<4x64x128xf32, #tpu.memory_space<vmem>> -> memref<1x64x128xf32, #tpu.memory_space<vmem>>
          %scatter3A_602 = tpu.memref_squeeze %scatter3A_601 : memref<1x64x128xf32, #tpu.memory_space<vmem>> -> memref<64x128xf32, #tpu.memory_space<vmem>>
          tpu.vector_store_idx %scatter3A_602[%and3A_590, %add3A_534], %gather3A_597 : memref<64x128xf32, #tpu.memory_space<vmem>>[vector<16xi32>, vector<16xi32>], vector<16xf32>,
          %mul3A_603 = arith.constant 4 : i32
          %mul3A_604 = arith.muli %mul3A_603, %scan3A_541 : i32
          %add3A_605 = arith.constant 3 : i32
          %add3A_606 = arith.addi %mul3A_604, %add3A_605 : i32
          %add3A_607 = vector.broadcast %add3A_606 : i32 to vector<16xi32>
          %add3A_608 = arith.addi %iota3A, %add3A_607 : vector<16xi32>
          %and3A_609 = arith.constant 63 : i32
          %and3A_610 = vector.broadcast %and3A_609 : i32 to vector<16xi32>
          %and3A_611 = arith.andi %add3A_608, %and3A_610 : vector<16xi32>
          %add3A_612 = arith.addi %mul3A_532, %and3A_611 : vector<16xi32>
          %gather3A_613 = arith.constant 0 : i32
          %gather3A_614 = arith.constant 0 : i32
          %gather3A_615 = arith.constant 0 : i32
          %gather3A_616 = tpu.memref_slice %arg10[%gather3A_613, %gather3A_614, %gather3A_615] : memref<4x128x128xf32, #tpu.memory_space<vmem>> -> memref<1x128x128xf32, #tpu.memory_space<vmem>>
          %gather3A_617 = tpu.memref_squeeze %gather3A_616 : memref<1x128x128xf32, #tpu.memory_space<vmem>> -> memref<128x128xf32, #tpu.memory_space<vmem>>
          %gather3A_618 = tpu.vector_load_idx %gather3A_617[%add3A_534, %add3A_612] : memref<128x128xf32, #tpu.memory_space<vmem>>[vector<16xi32>, vector<16xi32>], vector<16xf32>,
          %scatter3A_619 = arith.constant 0 : i32
          %scatter3A_620 = arith.constant 0 : i32
          %scatter3A_621 = arith.constant 0 : i32
          %scatter3A_622 = tpu.memref_slice %arg11[%scatter3A_619, %scatter3A_620, %scatter3A_621] : memref<4x64x128xf32, #tpu.memory_space<vmem>> -> memref<1x64x128xf32, #tpu.memory_space<vmem>>
          %scatter3A_623 = tpu.memref_squeeze %scatter3A_622 : memref<1x64x128xf32, #tpu.memory_space<vmem>> -> memref<64x128xf32, #tpu.memory_space<vmem>>
          tpu.vector_store_idx %scatter3A_623[%and3A_611, %add3A_534], %gather3A_618 : memref<64x128xf32, #tpu.memory_space<vmem>>[vector<16xi32>, vector<16xi32>], vector<16xf32>,
        }
        %scan3A_540 = arith.constant 16 : i32
      }
      %scan3A_322 = arith.constant 8 : i32
      %mul3A_323 = arith.constant 50 : i32
      %mul3A_324 = arith.muli %add3A, %mul3A_323 : i32
      %add3A_325 = arith.addi %mul3A_324, %add3A_300 : i32
      %mul3A_326 = arith.constant 128 : i32
      %mul3A_327 = arith.muli %add3A_325, %mul3A_326 : i32
      %multiple_of3A_328 = tpu.assume_multiple %mul3A_327, 128 : i32
      %dma_start3A_329 = arith.constant 0 : i32
      %dma_start3A_330 = arith.constant 0 : i32
      %dma_start3A_331 = arith.constant 0 : i32
      %dma_start3A_332 = arith.constant 0 : i32
      %dma_start3A_333 = tpu.memref_slice %arg11[%dma_start3A_329, %dma_start3A_331, %dma_start3A_332] : memref<4x64x128xf32, #tpu.memory_space<vmem>> -> memref<1x64x128xf32, #tpu.memory_space<vmem>>
      %dma_start3A_334 = tpu.memref_squeeze %dma_start3A_333 : memref<1x64x128xf32, #tpu.memory_space<vmem>> -> memref<64x128xf32, #tpu.memory_space<vmem>>
      %dma_start3A_335 = arith.constant 0 : i32
      %dma_start3A_336 = tpu.memref_slice %arg6[%dma_start3A_335, %multiple_of3A_328] : memref<64x204800xf32, #tpu.memory_space<hbm>> -> memref<64x128xf32, #tpu.memory_space<hbm>>
      %dma_start3A_337 = tpu.memref_slice %arg16[%dma_start3A_330] : memref<4x!tpu.dma_semaphore, #tpu.memory_space<semaphore_mem>> -> memref<1x!tpu.dma_semaphore, #tpu.memory_space<semaphore_mem>>
      %dma_start3A_338 = tpu.memref_squeeze %dma_start3A_337 : memref<1x!tpu.dma_semaphore, #tpu.memory_space<semaphore_mem>> -> memref<!tpu.dma_semaphore, #tpu.memory_space<semaphore_mem>>
      %dma_start3A_339 = arith.constant 0 : i32
      %dma_start3A_340 = tpu.memref_slice %arg6[%dma_start3A_339, %multiple_of3A_328] : memref<64x204800xf32, #tpu.memory_space<hbm>> -> memref<64x128xf32, #tpu.memory_space<hbm>>
      %dma_start3A_341 = arith.constant 0 : i32
      %dma_start3A_342 = arith.constant 0 : i32
      %dma_start3A_343 = tpu.memref_slice %arg11[%dma_start3A_329, %dma_start3A_341, %dma_start3A_342] : memref<4x64x128xf32, #tpu.memory_space<vmem>> -> memref<1x64x128xf32, #tpu.memory_space<vmem>>
      %dma_start3A_344 = tpu.memref_squeeze %dma_start3A_343 : memref<1x64x128xf32, #tpu.memory_space<vmem>> -> memref<64x128xf32, #tpu.memory_space<vmem>>
      tpu.enqueue_dma source(%dma_start3A_344 : memref<64x128xf32, #tpu.memory_space<vmem>>) target(%dma_start3A_340 : memref<64x128xf32, #tpu.memory_space<hbm>>) target_semaphore(%dma_start3A_338 : memref<!tpu.dma_semaphore, #tpu.memory_space<semaphore_mem>>)
      %add3A_345 = arith.constant 4 : i32
      %add3A_346 = arith.addi %add3A_300, %add3A_345 : i32
      %lt3A = arith.constant 50 : i32
      %lt3A_347 = arith.cmpi slt, %add3A_346, %lt3A : i32
      %convert_element_type3A_348 = arith.extui %lt3A_347 : i1 to i32
      %cond3A_349 = arith.constant 0 : i32
      %cond3A_350 = arith.cmpi ne, %convert_element_type3A_348, %cond3A_349 : i32
      scf.if %cond3A_350 {
        %add3A_519 = arith.constant 4 : i32
        %add3A_520 = arith.addi %add3A_300, %add3A_519 : i32
        %mul3A_521 = arith.constant 128 : i32
        %mul3A_522 = arith.muli %add3A_520, %mul3A_521 : i32
        %dma_start3A_523 = arith.constant 0 : i32
        %dma_start3A_524 = arith.constant 0 : i32
        %dma_start3A_525 = arith.constant 0 : i32
        %dma_start3A_526 = arith.constant 0 : i32
        %dma_start3A_527 = tpu.memref_slice %arg10[%dma_start3A_523, %dma_start3A_525, %dma_start3A_526] : memref<4x128x128xf32, #tpu.memory_space<vmem>> -> memref<1x128x128xf32, #tpu.memory_space<vmem>>
        %dma_start3A_528 = tpu.memref_squeeze %dma_start3A_527 : memref<1x128x128xf32, #tpu.memory_space<vmem>> -> memref<128x128xf32, #tpu.memory_space<vmem>>
        %dma_start3A_529 = tpu.memref_slice %arg9[%mul3A_522] : memref<6400xi32, #tpu.memory_space<vmem>> -> memref<128xi32, #tpu.memory_space<vmem>>
        %dma_start3A_530 = arith.constant 0 : i32
        %dma_start3A_531 = arith.constant 0 : i32
        %dma_start3A_532 = tpu.memref_slice %arg4[%dma_start3A_530, %dma_start3A_531] : memref<507904x128xf32, #tpu.memory_space<hbm>> -> memref<507904x128xf32, #tpu.memory_space<hbm>>
        %dma_start3A_533 = tpu.memref_slice %arg15[%dma_start3A_524] : memref<4x!tpu.dma_semaphore, #tpu.memory_space<semaphore_mem>> -> memref<1x!tpu.dma_semaphore, #tpu.memory_space<semaphore_mem>>
        %dma_start3A_534 = tpu.memref_squeeze %dma_start3A_533 : memref<1x!tpu.dma_semaphore, #tpu.memory_space<semaphore_mem>> -> memref<!tpu.dma_semaphore, #tpu.memory_space<semaphore_mem>>
        tpu.enqueue_indirect_dma source(%dma_start3A_532 : memref<507904x128xf32, #tpu.memory_space<hbm>>) target(%dma_start3A_528 : memref<128x128xf32, #tpu.memory_space<vmem>>) offsets(%dma_start3A_529 : memref<128xi32, #tpu.memory_space<vmem>>) semaphore(%dma_start3A_534 : memref<!tpu.dma_semaphore, #tpu.memory_space<semaphore_mem>>)
      } else {
      }
      %add3A_351 = arith.constant 1 : i32
      %add3A_352 = arith.addi %mul3A_298, %add3A_351 : i32
      %mul3A_353 = arith.constant 128 : i32
      %mul3A_354 = arith.muli %add3A_352, %mul3A_353 : i32
      %dma_wait3A_355 = arith.constant 1 : i32
      %dma_wait3A_356 = arith.constant 1 : i32
      %dma_wait3A_357 = arith.constant 0 : i32
      %dma_wait3A_358 = arith.constant 0 : i32
      %dma_wait3A_359 = tpu.memref_slice %arg10[%dma_wait3A_355, %dma_wait3A_357, %dma_wait3A_358] : memref<4x128x128xf32, #tpu.memory_space<vmem>> -> memref<1x128x128xf32, #tpu.memory_space<vmem>>
      %dma_wait3A_360 = tpu.memref_squeeze %dma_wait3A_359 : memref<1x128x128xf32, #tpu.memory_space<vmem>> -> memref<128x128xf32, #tpu.memory_space<vmem>>
      %dma_wait3A_361 = tpu.memref_slice %arg9[%mul3A_354] : memref<6400xi32, #tpu.memory_space<vmem>> -> memref<128xi32, #tpu.memory_space<vmem>>
      %dma_wait3A_362 = arith.constant 0 : i32
      %dma_wait3A_363 = arith.constant 0 : i32
      %dma_wait3A_364 = tpu.memref_slice %arg4[%dma_wait3A_362, %dma_wait3A_363] : memref<507904x128xf32, #tpu.memory_space<hbm>> -> memref<507904x128xf32, #tpu.memory_space<hbm>>
      %dma_wait3A_365 = tpu.memref_slice %arg15[%dma_wait3A_356] : memref<4x!tpu.dma_semaphore, #tpu.memory_space<semaphore_mem>> -> memref<1x!tpu.dma_semaphore, #tpu.memory_space<semaphore_mem>>
      %dma_wait3A_366 = tpu.memref_squeeze %dma_wait3A_365 : memref<1x!tpu.dma_semaphore, #tpu.memory_space<semaphore_mem>> -> memref<!tpu.dma_semaphore, #tpu.memory_space<semaphore_mem>>
      tpu.wait_indirect_dma semaphore(%dma_wait3A_366 : memref<!tpu.dma_semaphore, #tpu.memory_space<semaphore_mem>>) src(%dma_wait3A_364 : memref<507904x128xf32, #tpu.memory_space<hbm>>) dst(%dma_wait3A_360 : memref<128x128xf32, #tpu.memory_space<vmem>>)
      %gt3A_367 = arith.constant 0 : i32
      %gt3A_368 = arith.cmpi sgt, %scan3A_296, %gt3A_367 : i32
      %convert_element_type3A_369 = arith.extui %gt3A_368 : i1 to i32
      %cond3A_370 = arith.constant 0 : i32
      %cond3A_371 = arith.cmpi ne, %convert_element_type3A_369, %cond3A_370 : i32
      scf.if %cond3A_371 {
        %sub3A = arith.constant 4 : i32
        %sub3A_519 = arith.subi %add3A_352, %sub3A : i32
        %mul3A_520 = arith.constant 50 : i32
        %mul3A_521 = arith.muli %add3A, %mul3A_520 : i32
        %add3A_522 = arith.addi %mul3A_521, %sub3A_519 : i32
        %mul3A_523 = arith.constant 128 : i32
        %mul3A_524 = arith.muli %add3A_522, %mul3A_523 : i32
        %multiple_of3A_525 = tpu.assume_multiple %mul3A_524, 128 : i32
        %dma_wait3A_526 = arith.constant 1 : i32
        %dma_wait3A_527 = arith.constant 1 : i32
        %dma_wait3A_528 = arith.constant 0 : i32
        %dma_wait3A_529 = arith.constant 0 : i32
        %dma_wait3A_530 = tpu.memref_slice %arg11[%dma_wait3A_526, %dma_wait3A_528, %dma_wait3A_529] : memref<4x64x128xf32, #tpu.memory_space<vmem>> -> memref<1x64x128xf32, #tpu.memory_space<vmem>>
        %dma_wait3A_531 = tpu.memref_squeeze %dma_wait3A_530 : memref<1x64x128xf32, #tpu.memory_space<vmem>> -> memref<64x128xf32, #tpu.memory_space<vmem>>
        %dma_wait3A_532 = arith.constant 0 : i32
        %dma_wait3A_533 = tpu.memref_slice %arg6[%dma_wait3A_532, %multiple_of3A_525] : memref<64x204800xf32, #tpu.memory_space<hbm>> -> memref<64x128xf32, #tpu.memory_space<hbm>>
        %dma_wait3A_534 = tpu.memref_slice %arg16[%dma_wait3A_527] : memref<4x!tpu.dma_semaphore, #tpu.memory_space<semaphore_mem>> -> memref<1x!tpu.dma_semaphore, #tpu.memory_space<semaphore_mem>>
        %dma_wait3A_535 = tpu.memref_squeeze %dma_wait3A_534 : memref<1x!tpu.dma_semaphore, #tpu.memory_space<semaphore_mem>> -> memref<!tpu.dma_semaphore, #tpu.memory_space<semaphore_mem>>
        %dma_wait3A_536 = arith.constant 0 : i32
        %dma_wait3A_537 = tpu.memref_slice %arg6[%dma_wait3A_536, %multiple_of3A_525] : memref<64x204800xf32, #tpu.memory_space<hbm>> -> memref<64x128xf32, #tpu.memory_space<hbm>>
        %dma_wait3A_538 = arith.constant 0 : i32
        %dma_wait3A_539 = arith.constant 0 : i32
        %dma_wait3A_540 = tpu.memref_slice %arg11[%dma_wait3A_526, %dma_wait3A_538, %dma_wait3A_539] : memref<4x64x128xf32, #tpu.memory_space<vmem>> -> memref<1x64x128xf32, #tpu.memory_space<vmem>>
        %dma_wait3A_541 = tpu.memref_squeeze %dma_wait3A_540 : memref<1x64x128xf32, #tpu.memory_space<vmem>> -> memref<64x128xf32, #tpu.memory_space<vmem>>
        tpu.wait_dma2 semaphore(%dma_wait3A_535 : memref<!tpu.dma_semaphore, #tpu.memory_space<semaphore_mem>>) src(%dma_wait3A_541 : memref<64x128xf32, #tpu.memory_space<vmem>>) dst(%dma_wait3A_537 : memref<64x128xf32, #tpu.memory_space<hbm>>)
      } else {
      }
      %scan3A_372 = arith.constant 0 : i32
      %scan3A_373 = arith.constant 0 : i32
      %scan3A_374 = arith.constant 8 : i32
      %scan3A_375 = arith.addi %scan3A_373, %scan3A_374 : i32
      %scan3A_376 = arith.constant 1 : i32
      scf.for %scan3A_519 = %scan3A_373 to %scan3A_375 step %scan3A_376  : i32 {
        %mul3A_520 = arith.constant 16 : i32
        %mul3A_521 = arith.muli %scan3A_519, %mul3A_520 : i32
        %mul3A_522 = arith.constant 128 : i32
        %mul3A_523 = arith.muli %add3A_352, %mul3A_522 : i32
        %add3A_524 = arith.addi %mul3A_523, %mul3A_521 : i32
        %get3A = arith.index_cast %add3A_524 : i32 to index
        %get3A_525 = tpu.vector_load %arg8[%get3A] {strides = array<i32>} : memref<6400xi32, #tpu.memory_space<vmem>>, vector<16xi32>,
        %shift_right_logical3A = arith.constant 10 : i32
        %shift_right_logical3A_526 = vector.broadcast %shift_right_logical3A : i32 to vector<16xi32>
        %shift_right_logical3A_527 = arith.shrui %get3A_525, %shift_right_logical3A_526 : vector<16xi32>
        %and3A = arith.constant 1 : i32
        %and3A_528 = vector.broadcast %and3A : i32 to vector<16xi32>
        %and3A_529 = arith.andi %shift_right_logical3A_527, %and3A_528 : vector<16xi32>
        %mul3A_530 = arith.constant 64 : i32
        %mul3A_531 = vector.broadcast %mul3A_530 : i32 to vector<16xi32>
        %mul3A_532 = arith.muli %and3A_529, %mul3A_531 : vector<16xi32>
        %add3A_533 = vector.broadcast %mul3A_521 : i32 to vector<16xi32>
        %add3A_534 = arith.addi %iota3A, %add3A_533 : vector<16xi32>
        %scan3A_535 = arith.constant 0 : i32
        %scan3A_536 = arith.constant 0 : i32
        %scan3A_537 = arith.constant 16 : i32
        %scan3A_538 = arith.addi %scan3A_536, %scan3A_537 : i32
        %scan3A_539 = arith.constant 1 : i32
        scf.for %scan3A_541 = %scan3A_536 to %scan3A_538 step %scan3A_539  : i32 {
          %mul3A_542 = arith.constant 4 : i32
          %mul3A_543 = arith.muli %mul3A_542, %scan3A_541 : i32
          %add3A_544 = arith.constant 0 : i32
          %add3A_545 = arith.addi %mul3A_543, %add3A_544 : i32
          %add3A_546 = vector.broadcast %add3A_545 : i32 to vector<16xi32>
          %add3A_547 = arith.addi %iota3A, %add3A_546 : vector<16xi32>
          %and3A_548 = arith.constant 63 : i32
          %and3A_549 = vector.broadcast %and3A_548 : i32 to vector<16xi32>
          %and3A_550 = arith.andi %add3A_547, %and3A_549 : vector<16xi32>
          %add3A_551 = arith.addi %mul3A_532, %and3A_550 : vector<16xi32>
          %gather3A = arith.constant 1 : i32
          %gather3A_552 = arith.constant 0 : i32
          %gather3A_553 = arith.constant 0 : i32
          %gather3A_554 = tpu.memref_slice %arg10[%gather3A, %gather3A_552, %gather3A_553] : memref<4x128x128xf32, #tpu.memory_space<vmem>> -> memref<1x128x128xf32, #tpu.memory_space<vmem>>
          %gather3A_555 = tpu.memref_squeeze %gather3A_554 : memref<1x128x128xf32, #tpu.memory_space<vmem>> -> memref<128x128xf32, #tpu.memory_space<vmem>>
          %gather3A_556 = tpu.vector_load_idx %gather3A_555[%add3A_534, %add3A_551] : memref<128x128xf32, #tpu.memory_space<vmem>>[vector<16xi32>, vector<16xi32>], vector<16xf32>,
          %scatter3A = arith.constant 1 : i32
          %scatter3A_557 = arith.constant 0 : i32
          %scatter3A_558 = arith.constant 0 : i32
          %scatter3A_559 = tpu.memref_slice %arg11[%scatter3A, %scatter3A_557, %scatter3A_558] : memref<4x64x128xf32, #tpu.memory_space<vmem>> -> memref<1x64x128xf32, #tpu.memory_space<vmem>>
          %scatter3A_560 = tpu.memref_squeeze %scatter3A_559 : memref<1x64x128xf32, #tpu.memory_space<vmem>> -> memref<64x128xf32, #tpu.memory_space<vmem>>
          tpu.vector_store_idx %scatter3A_560[%and3A_550, %add3A_534], %gather3A_556 : memref<64x128xf32, #tpu.memory_space<vmem>>[vector<16xi32>, vector<16xi32>], vector<16xf32>,
          %mul3A_561 = arith.constant 4 : i32
          %mul3A_562 = arith.muli %mul3A_561, %scan3A_541 : i32
          %add3A_563 = arith.constant 1 : i32
          %add3A_564 = arith.addi %mul3A_562, %add3A_563 : i32
          %add3A_565 = vector.broadcast %add3A_564 : i32 to vector<16xi32>
          %add3A_566 = arith.addi %iota3A, %add3A_565 : vector<16xi32>
          %and3A_567 = arith.constant 63 : i32
          %and3A_568 = vector.broadcast %and3A_567 : i32 to vector<16xi32>
          %and3A_569 = arith.andi %add3A_566, %and3A_568 : vector<16xi32>
          %add3A_570 = arith.addi %mul3A_532, %and3A_569 : vector<16xi32>
          %gather3A_571 = arith.constant 1 : i32
          %gather3A_572 = arith.constant 0 : i32
          %gather3A_573 = arith.constant 0 : i32
          %gather3A_574 = tpu.memref_slice %arg10[%gather3A_571, %gather3A_572, %gather3A_573] : memref<4x128x128xf32, #tpu.memory_space<vmem>> -> memref<1x128x128xf32, #tpu.memory_space<vmem>>
          %gather3A_575 = tpu.memref_squeeze %gather3A_574 : memref<1x128x128xf32, #tpu.memory_space<vmem>> -> memref<128x128xf32, #tpu.memory_space<vmem>>
          %gather3A_576 = tpu.vector_load_idx %gather3A_575[%add3A_534, %add3A_570] : memref<128x128xf32, #tpu.memory_space<vmem>>[vector<16xi32>, vector<16xi32>], vector<16xf32>,
          %scatter3A_577 = arith.constant 1 : i32
          %scatter3A_578 = arith.constant 0 : i32
          %scatter3A_579 = arith.constant 0 : i32
          %scatter3A_580 = tpu.memref_slice %arg11[%scatter3A_577, %scatter3A_578, %scatter3A_579] : memref<4x64x128xf32, #tpu.memory_space<vmem>> -> memref<1x64x128xf32, #tpu.memory_space<vmem>>
          %scatter3A_581 = tpu.memref_squeeze %scatter3A_580 : memref<1x64x128xf32, #tpu.memory_space<vmem>> -> memref<64x128xf32, #tpu.memory_space<vmem>>
          tpu.vector_store_idx %scatter3A_581[%and3A_569, %add3A_534], %gather3A_576 : memref<64x128xf32, #tpu.memory_space<vmem>>[vector<16xi32>, vector<16xi32>], vector<16xf32>,
          %mul3A_582 = arith.constant 4 : i32
          %mul3A_583 = arith.muli %mul3A_582, %scan3A_541 : i32
          %add3A_584 = arith.constant 2 : i32
          %add3A_585 = arith.addi %mul3A_583, %add3A_584 : i32
          %add3A_586 = vector.broadcast %add3A_585 : i32 to vector<16xi32>
          %add3A_587 = arith.addi %iota3A, %add3A_586 : vector<16xi32>
          %and3A_588 = arith.constant 63 : i32
          %and3A_589 = vector.broadcast %and3A_588 : i32 to vector<16xi32>
          %and3A_590 = arith.andi %add3A_587, %and3A_589 : vector<16xi32>
          %add3A_591 = arith.addi %mul3A_532, %and3A_590 : vector<16xi32>
          %gather3A_592 = arith.constant 1 : i32
          %gather3A_593 = arith.constant 0 : i32
          %gather3A_594 = arith.constant 0 : i32
          %gather3A_595 = tpu.memref_slice %arg10[%gather3A_592, %gather3A_593, %gather3A_594] : memref<4x128x128xf32, #tpu.memory_space<vmem>> -> memref<1x128x128xf32, #tpu.memory_space<vmem>>
          %gather3A_596 = tpu.memref_squeeze %gather3A_595 : memref<1x128x128xf32, #tpu.memory_space<vmem>> -> memref<128x128xf32, #tpu.memory_space<vmem>>
          %gather3A_597 = tpu.vector_load_idx %gather3A_596[%add3A_534, %add3A_591] : memref<128x128xf32, #tpu.memory_space<vmem>>[vector<16xi32>, vector<16xi32>], vector<16xf32>,
          %scatter3A_598 = arith.constant 1 : i32
          %scatter3A_599 = arith.constant 0 : i32
          %scatter3A_600 = arith.constant 0 : i32
          %scatter3A_601 = tpu.memref_slice %arg11[%scatter3A_598, %scatter3A_599, %scatter3A_600] : memref<4x64x128xf32, #tpu.memory_space<vmem>> -> memref<1x64x128xf32, #tpu.memory_space<vmem>>
          %scatter3A_602 = tpu.memref_squeeze %scatter3A_601 : memref<1x64x128xf32, #tpu.memory_space<vmem>> -> memref<64x128xf32, #tpu.memory_space<vmem>>
          tpu.vector_store_idx %scatter3A_602[%and3A_590, %add3A_534], %gather3A_597 : memref<64x128xf32, #tpu.memory_space<vmem>>[vector<16xi32>, vector<16xi32>], vector<16xf32>,
          %mul3A_603 = arith.constant 4 : i32
          %mul3A_604 = arith.muli %mul3A_603, %scan3A_541 : i32
          %add3A_605 = arith.constant 3 : i32
          %add3A_606 = arith.addi %mul3A_604, %add3A_605 : i32
          %add3A_607 = vector.broadcast %add3A_606 : i32 to vector<16xi32>
          %add3A_608 = arith.addi %iota3A, %add3A_607 : vector<16xi32>
          %and3A_609 = arith.constant 63 : i32
          %and3A_610 = vector.broadcast %and3A_609 : i32 to vector<16xi32>
          %and3A_611 = arith.andi %add3A_608, %and3A_610 : vector<16xi32>
          %add3A_612 = arith.addi %mul3A_532, %and3A_611 : vector<16xi32>
          %gather3A_613 = arith.constant 1 : i32
          %gather3A_614 = arith.constant 0 : i32
          %gather3A_615 = arith.constant 0 : i32
          %gather3A_616 = tpu.memref_slice %arg10[%gather3A_613, %gather3A_614, %gather3A_615] : memref<4x128x128xf32, #tpu.memory_space<vmem>> -> memref<1x128x128xf32, #tpu.memory_space<vmem>>
          %gather3A_617 = tpu.memref_squeeze %gather3A_616 : memref<1x128x128xf32, #tpu.memory_space<vmem>> -> memref<128x128xf32, #tpu.memory_space<vmem>>
          %gather3A_618 = tpu.vector_load_idx %gather3A_617[%add3A_534, %add3A_612] : memref<128x128xf32, #tpu.memory_space<vmem>>[vector<16xi32>, vector<16xi32>], vector<16xf32>,
          %scatter3A_619 = arith.constant 1 : i32
          %scatter3A_620 = arith.constant 0 : i32
          %scatter3A_621 = arith.constant 0 : i32
          %scatter3A_622 = tpu.memref_slice %arg11[%scatter3A_619, %scatter3A_620, %scatter3A_621] : memref<4x64x128xf32, #tpu.memory_space<vmem>> -> memref<1x64x128xf32, #tpu.memory_space<vmem>>
          %scatter3A_623 = tpu.memref_squeeze %scatter3A_622 : memref<1x64x128xf32, #tpu.memory_space<vmem>> -> memref<64x128xf32, #tpu.memory_space<vmem>>
          tpu.vector_store_idx %scatter3A_623[%and3A_611, %add3A_534], %gather3A_618 : memref<64x128xf32, #tpu.memory_space<vmem>>[vector<16xi32>, vector<16xi32>], vector<16xf32>,
        }
        %scan3A_540 = arith.constant 16 : i32
      }
      %scan3A_377 = arith.constant 8 : i32
      %mul3A_378 = arith.constant 50 : i32
      %mul3A_379 = arith.muli %add3A, %mul3A_378 : i32
      %add3A_380 = arith.addi %mul3A_379, %add3A_352 : i32
      %mul3A_381 = arith.constant 128 : i32
      %mul3A_382 = arith.muli %add3A_380, %mul3A_381 : i32
      %multiple_of3A_383 = tpu.assume_multiple %mul3A_382, 128 : i32
      %dma_start3A_384 = arith.constant 1 : i32
      %dma_start3A_385 = arith.constant 1 : i32
      %dma_start3A_386 = arith.constant 0 : i32
      %dma_start3A_387 = arith.constant 0 : i32
      %dma_start3A_388 = tpu.memref_slice %arg11[%dma_start3A_384, %dma_start3A_386, %dma_start3A_387] : memref<4x64x128xf32, #tpu.memory_space<vmem>> -> memref<1x64x128xf32, #tpu.memory_space<vmem>>
      %dma_start3A_389 = tpu.memref_squeeze %dma_start3A_388 : memref<1x64x128xf32, #tpu.memory_space<vmem>> -> memref<64x128xf32, #tpu.memory_space<vmem>>
      %dma_start3A_390 = arith.constant 0 : i32
      %dma_start3A_391 = tpu.memref_slice %arg6[%dma_start3A_390, %multiple_of3A_383] : memref<64x204800xf32, #tpu.memory_space<hbm>> -> memref<64x128xf32, #tpu.memory_space<hbm>>
      %dma_start3A_392 = tpu.memref_slice %arg16[%dma_start3A_385] : memref<4x!tpu.dma_semaphore, #tpu.memory_space<semaphore_mem>> -> memref<1x!tpu.dma_semaphore, #tpu.memory_space<semaphore_mem>>
      %dma_start3A_393 = tpu.memref_squeeze %dma_start3A_392 : memref<1x!tpu.dma_semaphore, #tpu.memory_space<semaphore_mem>> -> memref<!tpu.dma_semaphore, #tpu.memory_space<semaphore_mem>>
      %dma_start3A_394 = arith.constant 0 : i32
      %dma_start3A_395 = tpu.memref_slice %arg6[%dma_start3A_394, %multiple_of3A_383] : memref<64x204800xf32, #tpu.memory_space<hbm>> -> memref<64x128xf32, #tpu.memory_space<hbm>>
      %dma_start3A_396 = arith.constant 0 : i32
      %dma_start3A_397 = arith.constant 0 : i32
      %dma_start3A_398 = tpu.memref_slice %arg11[%dma_start3A_384, %dma_start3A_396, %dma_start3A_397] : memref<4x64x128xf32, #tpu.memory_space<vmem>> -> memref<1x64x128xf32, #tpu.memory_space<vmem>>
      %dma_start3A_399 = tpu.memref_squeeze %dma_start3A_398 : memref<1x64x128xf32, #tpu.memory_space<vmem>> -> memref<64x128xf32, #tpu.memory_space<vmem>>
      tpu.enqueue_dma source(%dma_start3A_399 : memref<64x128xf32, #tpu.memory_space<vmem>>) target(%dma_start3A_395 : memref<64x128xf32, #tpu.memory_space<hbm>>) target_semaphore(%dma_start3A_393 : memref<!tpu.dma_semaphore, #tpu.memory_space<semaphore_mem>>)
      %add3A_400 = arith.constant 4 : i32
      %add3A_401 = arith.addi %add3A_352, %add3A_400 : i32
      %lt3A_402 = arith.constant 50 : i32
      %lt3A_403 = arith.cmpi slt, %add3A_401, %lt3A_402 : i32
      %convert_element_type3A_404 = arith.extui %lt3A_403 : i1 to i32
      %cond3A_405 = arith.constant 0 : i32
      %cond3A_406 = arith.cmpi ne, %convert_element_type3A_404, %cond3A_405 : i32
      scf.if %cond3A_406 {
        %add3A_519 = arith.constant 4 : i32
        %add3A_520 = arith.addi %add3A_352, %add3A_519 : i32
        %mul3A_521 = arith.constant 128 : i32
        %mul3A_522 = arith.muli %add3A_520, %mul3A_521 : i32
        %dma_start3A_523 = arith.constant 1 : i32
        %dma_start3A_524 = arith.constant 1 : i32
        %dma_start3A_525 = arith.constant 0 : i32
        %dma_start3A_526 = arith.constant 0 : i32
        %dma_start3A_527 = tpu.memref_slice %arg10[%dma_start3A_523, %dma_start3A_525, %dma_start3A_526] : memref<4x128x128xf32, #tpu.memory_space<vmem>> -> memref<1x128x128xf32, #tpu.memory_space<vmem>>
        %dma_start3A_528 = tpu.memref_squeeze %dma_start3A_527 : memref<1x128x128xf32, #tpu.memory_space<vmem>> -> memref<128x128xf32, #tpu.memory_space<vmem>>
        %dma_start3A_529 = tpu.memref_slice %arg9[%mul3A_522] : memref<6400xi32, #tpu.memory_space<vmem>> -> memref<128xi32, #tpu.memory_space<vmem>>
        %dma_start3A_530 = arith.constant 0 : i32
        %dma_start3A_531 = arith.constant 0 : i32
        %dma_start3A_532 = tpu.memref_slice %arg4[%dma_start3A_530, %dma_start3A_531] : memref<507904x128xf32, #tpu.memory_space<hbm>> -> memref<507904x128xf32, #tpu.memory_space<hbm>>
        %dma_start3A_533 = tpu.memref_slice %arg15[%dma_start3A_524] : memref<4x!tpu.dma_semaphore, #tpu.memory_space<semaphore_mem>> -> memref<1x!tpu.dma_semaphore, #tpu.memory_space<semaphore_mem>>
        %dma_start3A_534 = tpu.memref_squeeze %dma_start3A_533 : memref<1x!tpu.dma_semaphore, #tpu.memory_space<semaphore_mem>> -> memref<!tpu.dma_semaphore, #tpu.memory_space<semaphore_mem>>
        tpu.enqueue_indirect_dma source(%dma_start3A_532 : memref<507904x128xf32, #tpu.memory_space<hbm>>) target(%dma_start3A_528 : memref<128x128xf32, #tpu.memory_space<vmem>>) offsets(%dma_start3A_529 : memref<128xi32, #tpu.memory_space<vmem>>) semaphore(%dma_start3A_534 : memref<!tpu.dma_semaphore, #tpu.memory_space<semaphore_mem>>)
      } else {
      }
      %add3A_407 = arith.constant 2 : i32
      %add3A_408 = arith.addi %mul3A_298, %add3A_407 : i32
      %mul3A_409 = arith.constant 128 : i32
      %mul3A_410 = arith.muli %add3A_408, %mul3A_409 : i32
      %dma_wait3A_411 = arith.constant 2 : i32
      %dma_wait3A_412 = arith.constant 2 : i32
      %dma_wait3A_413 = arith.constant 0 : i32
      %dma_wait3A_414 = arith.constant 0 : i32
      %dma_wait3A_415 = tpu.memref_slice %arg10[%dma_wait3A_411, %dma_wait3A_413, %dma_wait3A_414] : memref<4x128x128xf32, #tpu.memory_space<vmem>> -> memref<1x128x128xf32, #tpu.memory_space<vmem>>
      %dma_wait3A_416 = tpu.memref_squeeze %dma_wait3A_415 : memref<1x128x128xf32, #tpu.memory_space<vmem>> -> memref<128x128xf32, #tpu.memory_space<vmem>>
      %dma_wait3A_417 = tpu.memref_slice %arg9[%mul3A_410] : memref<6400xi32, #tpu.memory_space<vmem>> -> memref<128xi32, #tpu.memory_space<vmem>>
      %dma_wait3A_418 = arith.constant 0 : i32
      %dma_wait3A_419 = arith.constant 0 : i32
      %dma_wait3A_420 = tpu.memref_slice %arg4[%dma_wait3A_418, %dma_wait3A_419] : memref<507904x128xf32, #tpu.memory_space<hbm>> -> memref<507904x128xf32, #tpu.memory_space<hbm>>
      %dma_wait3A_421 = tpu.memref_slice %arg15[%dma_wait3A_412] : memref<4x!tpu.dma_semaphore, #tpu.memory_space<semaphore_mem>> -> memref<1x!tpu.dma_semaphore, #tpu.memory_space<semaphore_mem>>
      %dma_wait3A_422 = tpu.memref_squeeze %dma_wait3A_421 : memref<1x!tpu.dma_semaphore, #tpu.memory_space<semaphore_mem>> -> memref<!tpu.dma_semaphore, #tpu.memory_space<semaphore_mem>>
      tpu.wait_indirect_dma semaphore(%dma_wait3A_422 : memref<!tpu.dma_semaphore, #tpu.memory_space<semaphore_mem>>) src(%dma_wait3A_420 : memref<507904x128xf32, #tpu.memory_space<hbm>>) dst(%dma_wait3A_416 : memref<128x128xf32, #tpu.memory_space<vmem>>)
      %gt3A_423 = arith.constant 0 : i32
      %gt3A_424 = arith.cmpi sgt, %scan3A_296, %gt3A_423 : i32
      %convert_element_type3A_425 = arith.extui %gt3A_424 : i1 to i32
      %cond3A_426 = arith.constant 0 : i32
      %cond3A_427 = arith.cmpi ne, %convert_element_type3A_425, %cond3A_426 : i32
      scf.if %cond3A_427 {
        %sub3A = arith.constant 4 : i32
        %sub3A_519 = arith.subi %add3A_408, %sub3A : i32
        %mul3A_520 = arith.constant 50 : i32
        %mul3A_521 = arith.muli %add3A, %mul3A_520 : i32
        %add3A_522 = arith.addi %mul3A_521, %sub3A_519 : i32
        %mul3A_523 = arith.constant 128 : i32
        %mul3A_524 = arith.muli %add3A_522, %mul3A_523 : i32
        %multiple_of3A_525 = tpu.assume_multiple %mul3A_524, 128 : i32
        %dma_wait3A_526 = arith.constant 2 : i32
        %dma_wait3A_527 = arith.constant 2 : i32
        %dma_wait3A_528 = arith.constant 0 : i32
        %dma_wait3A_529 = arith.constant 0 : i32
        %dma_wait3A_530 = tpu.memref_slice %arg11[%dma_wait3A_526, %dma_wait3A_528, %dma_wait3A_529] : memref<4x64x128xf32, #tpu.memory_space<vmem>> -> memref<1x64x128xf32, #tpu.memory_space<vmem>>
        %dma_wait3A_531 = tpu.memref_squeeze %dma_wait3A_530 : memref<1x64x128xf32, #tpu.memory_space<vmem>> -> memref<64x128xf32, #tpu.memory_space<vmem>>
        %dma_wait3A_532 = arith.constant 0 : i32
        %dma_wait3A_533 = tpu.memref_slice %arg6[%dma_wait3A_532, %multiple_of3A_525] : memref<64x204800xf32, #tpu.memory_space<hbm>> -> memref<64x128xf32, #tpu.memory_space<hbm>>
        %dma_wait3A_534 = tpu.memref_slice %arg16[%dma_wait3A_527] : memref<4x!tpu.dma_semaphore, #tpu.memory_space<semaphore_mem>> -> memref<1x!tpu.dma_semaphore, #tpu.memory_space<semaphore_mem>>
        %dma_wait3A_535 = tpu.memref_squeeze %dma_wait3A_534 : memref<1x!tpu.dma_semaphore, #tpu.memory_space<semaphore_mem>> -> memref<!tpu.dma_semaphore, #tpu.memory_space<semaphore_mem>>
        %dma_wait3A_536 = arith.constant 0 : i32
        %dma_wait3A_537 = tpu.memref_slice %arg6[%dma_wait3A_536, %multiple_of3A_525] : memref<64x204800xf32, #tpu.memory_space<hbm>> -> memref<64x128xf32, #tpu.memory_space<hbm>>
        %dma_wait3A_538 = arith.constant 0 : i32
        %dma_wait3A_539 = arith.constant 0 : i32
        %dma_wait3A_540 = tpu.memref_slice %arg11[%dma_wait3A_526, %dma_wait3A_538, %dma_wait3A_539] : memref<4x64x128xf32, #tpu.memory_space<vmem>> -> memref<1x64x128xf32, #tpu.memory_space<vmem>>
        %dma_wait3A_541 = tpu.memref_squeeze %dma_wait3A_540 : memref<1x64x128xf32, #tpu.memory_space<vmem>> -> memref<64x128xf32, #tpu.memory_space<vmem>>
        tpu.wait_dma2 semaphore(%dma_wait3A_535 : memref<!tpu.dma_semaphore, #tpu.memory_space<semaphore_mem>>) src(%dma_wait3A_541 : memref<64x128xf32, #tpu.memory_space<vmem>>) dst(%dma_wait3A_537 : memref<64x128xf32, #tpu.memory_space<hbm>>)
      } else {
      }
      %scan3A_428 = arith.constant 0 : i32
      %scan3A_429 = arith.constant 0 : i32
      %scan3A_430 = arith.constant 8 : i32
      %scan3A_431 = arith.addi %scan3A_429, %scan3A_430 : i32
      %scan3A_432 = arith.constant 1 : i32
      scf.for %scan3A_519 = %scan3A_429 to %scan3A_431 step %scan3A_432  : i32 {
        %mul3A_520 = arith.constant 16 : i32
        %mul3A_521 = arith.muli %scan3A_519, %mul3A_520 : i32
        %mul3A_522 = arith.constant 128 : i32
        %mul3A_523 = arith.muli %add3A_408, %mul3A_522 : i32
        %add3A_524 = arith.addi %mul3A_523, %mul3A_521 : i32
        %get3A = arith.index_cast %add3A_524 : i32 to index
        %get3A_525 = tpu.vector_load %arg8[%get3A] {strides = array<i32>} : memref<6400xi32, #tpu.memory_space<vmem>>, vector<16xi32>,
        %shift_right_logical3A = arith.constant 10 : i32
        %shift_right_logical3A_526 = vector.broadcast %shift_right_logical3A : i32 to vector<16xi32>
        %shift_right_logical3A_527 = arith.shrui %get3A_525, %shift_right_logical3A_526 : vector<16xi32>
        %and3A = arith.constant 1 : i32
        %and3A_528 = vector.broadcast %and3A : i32 to vector<16xi32>
        %and3A_529 = arith.andi %shift_right_logical3A_527, %and3A_528 : vector<16xi32>
        %mul3A_530 = arith.constant 64 : i32
        %mul3A_531 = vector.broadcast %mul3A_530 : i32 to vector<16xi32>
        %mul3A_532 = arith.muli %and3A_529, %mul3A_531 : vector<16xi32>
        %add3A_533 = vector.broadcast %mul3A_521 : i32 to vector<16xi32>
        %add3A_534 = arith.addi %iota3A, %add3A_533 : vector<16xi32>
        %scan3A_535 = arith.constant 0 : i32
        %scan3A_536 = arith.constant 0 : i32
        %scan3A_537 = arith.constant 16 : i32
        %scan3A_538 = arith.addi %scan3A_536, %scan3A_537 : i32
        %scan3A_539 = arith.constant 1 : i32
        scf.for %scan3A_541 = %scan3A_536 to %scan3A_538 step %scan3A_539  : i32 {
          %mul3A_542 = arith.constant 4 : i32
          %mul3A_543 = arith.muli %mul3A_542, %scan3A_541 : i32
          %add3A_544 = arith.constant 0 : i32
          %add3A_545 = arith.addi %mul3A_543, %add3A_544 : i32
          %add3A_546 = vector.broadcast %add3A_545 : i32 to vector<16xi32>
          %add3A_547 = arith.addi %iota3A, %add3A_546 : vector<16xi32>
          %and3A_548 = arith.constant 63 : i32
          %and3A_549 = vector.broadcast %and3A_548 : i32 to vector<16xi32>
          %and3A_550 = arith.andi %add3A_547, %and3A_549 : vector<16xi32>
          %add3A_551 = arith.addi %mul3A_532, %and3A_550 : vector<16xi32>
          %gather3A = arith.constant 2 : i32
          %gather3A_552 = arith.constant 0 : i32
          %gather3A_553 = arith.constant 0 : i32
          %gather3A_554 = tpu.memref_slice %arg10[%gather3A, %gather3A_552, %gather3A_553] : memref<4x128x128xf32, #tpu.memory_space<vmem>> -> memref<1x128x128xf32, #tpu.memory_space<vmem>>
          %gather3A_555 = tpu.memref_squeeze %gather3A_554 : memref<1x128x128xf32, #tpu.memory_space<vmem>> -> memref<128x128xf32, #tpu.memory_space<vmem>>
          %gather3A_556 = tpu.vector_load_idx %gather3A_555[%add3A_534, %add3A_551] : memref<128x128xf32, #tpu.memory_space<vmem>>[vector<16xi32>, vector<16xi32>], vector<16xf32>,
          %scatter3A = arith.constant 2 : i32
          %scatter3A_557 = arith.constant 0 : i32
          %scatter3A_558 = arith.constant 0 : i32
          %scatter3A_559 = tpu.memref_slice %arg11[%scatter3A, %scatter3A_557, %scatter3A_558] : memref<4x64x128xf32, #tpu.memory_space<vmem>> -> memref<1x64x128xf32, #tpu.memory_space<vmem>>
          %scatter3A_560 = tpu.memref_squeeze %scatter3A_559 : memref<1x64x128xf32, #tpu.memory_space<vmem>> -> memref<64x128xf32, #tpu.memory_space<vmem>>
          tpu.vector_store_idx %scatter3A_560[%and3A_550, %add3A_534], %gather3A_556 : memref<64x128xf32, #tpu.memory_space<vmem>>[vector<16xi32>, vector<16xi32>], vector<16xf32>,
          %mul3A_561 = arith.constant 4 : i32
          %mul3A_562 = arith.muli %mul3A_561, %scan3A_541 : i32
          %add3A_563 = arith.constant 1 : i32
          %add3A_564 = arith.addi %mul3A_562, %add3A_563 : i32
          %add3A_565 = vector.broadcast %add3A_564 : i32 to vector<16xi32>
          %add3A_566 = arith.addi %iota3A, %add3A_565 : vector<16xi32>
          %and3A_567 = arith.constant 63 : i32
          %and3A_568 = vector.broadcast %and3A_567 : i32 to vector<16xi32>
          %and3A_569 = arith.andi %add3A_566, %and3A_568 : vector<16xi32>
          %add3A_570 = arith.addi %mul3A_532, %and3A_569 : vector<16xi32>
          %gather3A_571 = arith.constant 2 : i32
          %gather3A_572 = arith.constant 0 : i32
          %gather3A_573 = arith.constant 0 : i32
          %gather3A_574 = tpu.memref_slice %arg10[%gather3A_571, %gather3A_572, %gather3A_573] : memref<4x128x128xf32, #tpu.memory_space<vmem>> -> memref<1x128x128xf32, #tpu.memory_space<vmem>>
          %gather3A_575 = tpu.memref_squeeze %gather3A_574 : memref<1x128x128xf32, #tpu.memory_space<vmem>> -> memref<128x128xf32, #tpu.memory_space<vmem>>
          %gather3A_576 = tpu.vector_load_idx %gather3A_575[%add3A_534, %add3A_570] : memref<128x128xf32, #tpu.memory_space<vmem>>[vector<16xi32>, vector<16xi32>], vector<16xf32>,
          %scatter3A_577 = arith.constant 2 : i32
          %scatter3A_578 = arith.constant 0 : i32
          %scatter3A_579 = arith.constant 0 : i32
          %scatter3A_580 = tpu.memref_slice %arg11[%scatter3A_577, %scatter3A_578, %scatter3A_579] : memref<4x64x128xf32, #tpu.memory_space<vmem>> -> memref<1x64x128xf32, #tpu.memory_space<vmem>>
          %scatter3A_581 = tpu.memref_squeeze %scatter3A_580 : memref<1x64x128xf32, #tpu.memory_space<vmem>> -> memref<64x128xf32, #tpu.memory_space<vmem>>
          tpu.vector_store_idx %scatter3A_581[%and3A_569, %add3A_534], %gather3A_576 : memref<64x128xf32, #tpu.memory_space<vmem>>[vector<16xi32>, vector<16xi32>], vector<16xf32>,
          %mul3A_582 = arith.constant 4 : i32
          %mul3A_583 = arith.muli %mul3A_582, %scan3A_541 : i32
          %add3A_584 = arith.constant 2 : i32
          %add3A_585 = arith.addi %mul3A_583, %add3A_584 : i32
          %add3A_586 = vector.broadcast %add3A_585 : i32 to vector<16xi32>
          %add3A_587 = arith.addi %iota3A, %add3A_586 : vector<16xi32>
          %and3A_588 = arith.constant 63 : i32
          %and3A_589 = vector.broadcast %and3A_588 : i32 to vector<16xi32>
          %and3A_590 = arith.andi %add3A_587, %and3A_589 : vector<16xi32>
          %add3A_591 = arith.addi %mul3A_532, %and3A_590 : vector<16xi32>
          %gather3A_592 = arith.constant 2 : i32
          %gather3A_593 = arith.constant 0 : i32
          %gather3A_594 = arith.constant 0 : i32
          %gather3A_595 = tpu.memref_slice %arg10[%gather3A_592, %gather3A_593, %gather3A_594] : memref<4x128x128xf32, #tpu.memory_space<vmem>> -> memref<1x128x128xf32, #tpu.memory_space<vmem>>
          %gather3A_596 = tpu.memref_squeeze %gather3A_595 : memref<1x128x128xf32, #tpu.memory_space<vmem>> -> memref<128x128xf32, #tpu.memory_space<vmem>>
          %gather3A_597 = tpu.vector_load_idx %gather3A_596[%add3A_534, %add3A_591] : memref<128x128xf32, #tpu.memory_space<vmem>>[vector<16xi32>, vector<16xi32>], vector<16xf32>,
          %scatter3A_598 = arith.constant 2 : i32
          %scatter3A_599 = arith.constant 0 : i32
          %scatter3A_600 = arith.constant 0 : i32
          %scatter3A_601 = tpu.memref_slice %arg11[%scatter3A_598, %scatter3A_599, %scatter3A_600] : memref<4x64x128xf32, #tpu.memory_space<vmem>> -> memref<1x64x128xf32, #tpu.memory_space<vmem>>
          %scatter3A_602 = tpu.memref_squeeze %scatter3A_601 : memref<1x64x128xf32, #tpu.memory_space<vmem>> -> memref<64x128xf32, #tpu.memory_space<vmem>>
          tpu.vector_store_idx %scatter3A_602[%and3A_590, %add3A_534], %gather3A_597 : memref<64x128xf32, #tpu.memory_space<vmem>>[vector<16xi32>, vector<16xi32>], vector<16xf32>,
          %mul3A_603 = arith.constant 4 : i32
          %mul3A_604 = arith.muli %mul3A_603, %scan3A_541 : i32
          %add3A_605 = arith.constant 3 : i32
          %add3A_606 = arith.addi %mul3A_604, %add3A_605 : i32
          %add3A_607 = vector.broadcast %add3A_606 : i32 to vector<16xi32>
          %add3A_608 = arith.addi %iota3A, %add3A_607 : vector<16xi32>
          %and3A_609 = arith.constant 63 : i32
          %and3A_610 = vector.broadcast %and3A_609 : i32 to vector<16xi32>
          %and3A_611 = arith.andi %add3A_608, %and3A_610 : vector<16xi32>
          %add3A_612 = arith.addi %mul3A_532, %and3A_611 : vector<16xi32>
          %gather3A_613 = arith.constant 2 : i32
          %gather3A_614 = arith.constant 0 : i32
          %gather3A_615 = arith.constant 0 : i32
          %gather3A_616 = tpu.memref_slice %arg10[%gather3A_613, %gather3A_614, %gather3A_615] : memref<4x128x128xf32, #tpu.memory_space<vmem>> -> memref<1x128x128xf32, #tpu.memory_space<vmem>>
          %gather3A_617 = tpu.memref_squeeze %gather3A_616 : memref<1x128x128xf32, #tpu.memory_space<vmem>> -> memref<128x128xf32, #tpu.memory_space<vmem>>
          %gather3A_618 = tpu.vector_load_idx %gather3A_617[%add3A_534, %add3A_612] : memref<128x128xf32, #tpu.memory_space<vmem>>[vector<16xi32>, vector<16xi32>], vector<16xf32>,
          %scatter3A_619 = arith.constant 2 : i32
          %scatter3A_620 = arith.constant 0 : i32
          %scatter3A_621 = arith.constant 0 : i32
          %scatter3A_622 = tpu.memref_slice %arg11[%scatter3A_619, %scatter3A_620, %scatter3A_621] : memref<4x64x128xf32, #tpu.memory_space<vmem>> -> memref<1x64x128xf32, #tpu.memory_space<vmem>>
          %scatter3A_623 = tpu.memref_squeeze %scatter3A_622 : memref<1x64x128xf32, #tpu.memory_space<vmem>> -> memref<64x128xf32, #tpu.memory_space<vmem>>
          tpu.vector_store_idx %scatter3A_623[%and3A_611, %add3A_534], %gather3A_618 : memref<64x128xf32, #tpu.memory_space<vmem>>[vector<16xi32>, vector<16xi32>], vector<16xf32>,
        }
        %scan3A_540 = arith.constant 16 : i32
      }
      %scan3A_433 = arith.constant 8 : i32
      %mul3A_434 = arith.constant 50 : i32
      %mul3A_435 = arith.muli %add3A, %mul3A_434 : i32
      %add3A_436 = arith.addi %mul3A_435, %add3A_408 : i32
      %mul3A_437 = arith.constant 128 : i32
      %mul3A_438 = arith.muli %add3A_436, %mul3A_437 : i32
      %multiple_of3A_439 = tpu.assume_multiple %mul3A_438, 128 : i32
      %dma_start3A_440 = arith.constant 2 : i32
      %dma_start3A_441 = arith.constant 2 : i32
      %dma_start3A_442 = arith.constant 0 : i32
      %dma_start3A_443 = arith.constant 0 : i32
      %dma_start3A_444 = tpu.memref_slice %arg11[%dma_start3A_440, %dma_start3A_442, %dma_start3A_443] : memref<4x64x128xf32, #tpu.memory_space<vmem>> -> memref<1x64x128xf32, #tpu.memory_space<vmem>>
      %dma_start3A_445 = tpu.memref_squeeze %dma_start3A_444 : memref<1x64x128xf32, #tpu.memory_space<vmem>> -> memref<64x128xf32, #tpu.memory_space<vmem>>
      %dma_start3A_446 = arith.constant 0 : i32
      %dma_start3A_447 = tpu.memref_slice %arg6[%dma_start3A_446, %multiple_of3A_439] : memref<64x204800xf32, #tpu.memory_space<hbm>> -> memref<64x128xf32, #tpu.memory_space<hbm>>
      %dma_start3A_448 = tpu.memref_slice %arg16[%dma_start3A_441] : memref<4x!tpu.dma_semaphore, #tpu.memory_space<semaphore_mem>> -> memref<1x!tpu.dma_semaphore, #tpu.memory_space<semaphore_mem>>
      %dma_start3A_449 = tpu.memref_squeeze %dma_start3A_448 : memref<1x!tpu.dma_semaphore, #tpu.memory_space<semaphore_mem>> -> memref<!tpu.dma_semaphore, #tpu.memory_space<semaphore_mem>>
      %dma_start3A_450 = arith.constant 0 : i32
      %dma_start3A_451 = tpu.memref_slice %arg6[%dma_start3A_450, %multiple_of3A_439] : memref<64x204800xf32, #tpu.memory_space<hbm>> -> memref<64x128xf32, #tpu.memory_space<hbm>>
      %dma_start3A_452 = arith.constant 0 : i32
      %dma_start3A_453 = arith.constant 0 : i32
      %dma_start3A_454 = tpu.memref_slice %arg11[%dma_start3A_440, %dma_start3A_452, %dma_start3A_453] : memref<4x64x128xf32, #tpu.memory_space<vmem>> -> memref<1x64x128xf32, #tpu.memory_space<vmem>>
      %dma_start3A_455 = tpu.memref_squeeze %dma_start3A_454 : memref<1x64x128xf32, #tpu.memory_space<vmem>> -> memref<64x128xf32, #tpu.memory_space<vmem>>
      tpu.enqueue_dma source(%dma_start3A_455 : memref<64x128xf32, #tpu.memory_space<vmem>>) target(%dma_start3A_451 : memref<64x128xf32, #tpu.memory_space<hbm>>) target_semaphore(%dma_start3A_449 : memref<!tpu.dma_semaphore, #tpu.memory_space<semaphore_mem>>)
      %add3A_456 = arith.constant 4 : i32
      %add3A_457 = arith.addi %add3A_408, %add3A_456 : i32
      %lt3A_458 = arith.constant 50 : i32
      %lt3A_459 = arith.cmpi slt, %add3A_457, %lt3A_458 : i32
      %convert_element_type3A_460 = arith.extui %lt3A_459 : i1 to i32
      %cond3A_461 = arith.constant 0 : i32
      %cond3A_462 = arith.cmpi ne, %convert_element_type3A_460, %cond3A_461 : i32
      scf.if %cond3A_462 {
        %add3A_519 = arith.constant 4 : i32
        %add3A_520 = arith.addi %add3A_408, %add3A_519 : i32
        %mul3A_521 = arith.constant 128 : i32
        %mul3A_522 = arith.muli %add3A_520, %mul3A_521 : i32
        %dma_start3A_523 = arith.constant 2 : i32
        %dma_start3A_524 = arith.constant 2 : i32
        %dma_start3A_525 = arith.constant 0 : i32
        %dma_start3A_526 = arith.constant 0 : i32
        %dma_start3A_527 = tpu.memref_slice %arg10[%dma_start3A_523, %dma_start3A_525, %dma_start3A_526] : memref<4x128x128xf32, #tpu.memory_space<vmem>> -> memref<1x128x128xf32, #tpu.memory_space<vmem>>
        %dma_start3A_528 = tpu.memref_squeeze %dma_start3A_527 : memref<1x128x128xf32, #tpu.memory_space<vmem>> -> memref<128x128xf32, #tpu.memory_space<vmem>>
        %dma_start3A_529 = tpu.memref_slice %arg9[%mul3A_522] : memref<6400xi32, #tpu.memory_space<vmem>> -> memref<128xi32, #tpu.memory_space<vmem>>
        %dma_start3A_530 = arith.constant 0 : i32
        %dma_start3A_531 = arith.constant 0 : i32
        %dma_start3A_532 = tpu.memref_slice %arg4[%dma_start3A_530, %dma_start3A_531] : memref<507904x128xf32, #tpu.memory_space<hbm>> -> memref<507904x128xf32, #tpu.memory_space<hbm>>
        %dma_start3A_533 = tpu.memref_slice %arg15[%dma_start3A_524] : memref<4x!tpu.dma_semaphore, #tpu.memory_space<semaphore_mem>> -> memref<1x!tpu.dma_semaphore, #tpu.memory_space<semaphore_mem>>
        %dma_start3A_534 = tpu.memref_squeeze %dma_start3A_533 : memref<1x!tpu.dma_semaphore, #tpu.memory_space<semaphore_mem>> -> memref<!tpu.dma_semaphore, #tpu.memory_space<semaphore_mem>>
        tpu.enqueue_indirect_dma source(%dma_start3A_532 : memref<507904x128xf32, #tpu.memory_space<hbm>>) target(%dma_start3A_528 : memref<128x128xf32, #tpu.memory_space<vmem>>) offsets(%dma_start3A_529 : memref<128xi32, #tpu.memory_space<vmem>>) semaphore(%dma_start3A_534 : memref<!tpu.dma_semaphore, #tpu.memory_space<semaphore_mem>>)
      } else {
      }
      %add3A_463 = arith.constant 3 : i32
      %add3A_464 = arith.addi %mul3A_298, %add3A_463 : i32
      %mul3A_465 = arith.constant 128 : i32
      %mul3A_466 = arith.muli %add3A_464, %mul3A_465 : i32
      %dma_wait3A_467 = arith.constant 3 : i32
      %dma_wait3A_468 = arith.constant 3 : i32
      %dma_wait3A_469 = arith.constant 0 : i32
      %dma_wait3A_470 = arith.constant 0 : i32
      %dma_wait3A_471 = tpu.memref_slice %arg10[%dma_wait3A_467, %dma_wait3A_469, %dma_wait3A_470] : memref<4x128x128xf32, #tpu.memory_space<vmem>> -> memref<1x128x128xf32, #tpu.memory_space<vmem>>
      %dma_wait3A_472 = tpu.memref_squeeze %dma_wait3A_471 : memref<1x128x128xf32, #tpu.memory_space<vmem>> -> memref<128x128xf32, #tpu.memory_space<vmem>>
      %dma_wait3A_473 = tpu.memref_slice %arg9[%mul3A_466] : memref<6400xi32, #tpu.memory_space<vmem>> -> memref<128xi32, #tpu.memory_space<vmem>>
      %dma_wait3A_474 = arith.constant 0 : i32
      %dma_wait3A_475 = arith.constant 0 : i32
      %dma_wait3A_476 = tpu.memref_slice %arg4[%dma_wait3A_474, %dma_wait3A_475] : memref<507904x128xf32, #tpu.memory_space<hbm>> -> memref<507904x128xf32, #tpu.memory_space<hbm>>
      %dma_wait3A_477 = tpu.memref_slice %arg15[%dma_wait3A_468] : memref<4x!tpu.dma_semaphore, #tpu.memory_space<semaphore_mem>> -> memref<1x!tpu.dma_semaphore, #tpu.memory_space<semaphore_mem>>
      %dma_wait3A_478 = tpu.memref_squeeze %dma_wait3A_477 : memref<1x!tpu.dma_semaphore, #tpu.memory_space<semaphore_mem>> -> memref<!tpu.dma_semaphore, #tpu.memory_space<semaphore_mem>>
      tpu.wait_indirect_dma semaphore(%dma_wait3A_478 : memref<!tpu.dma_semaphore, #tpu.memory_space<semaphore_mem>>) src(%dma_wait3A_476 : memref<507904x128xf32, #tpu.memory_space<hbm>>) dst(%dma_wait3A_472 : memref<128x128xf32, #tpu.memory_space<vmem>>)
      %gt3A_479 = arith.constant 0 : i32
      %gt3A_480 = arith.cmpi sgt, %scan3A_296, %gt3A_479 : i32
      %convert_element_type3A_481 = arith.extui %gt3A_480 : i1 to i32
      %cond3A_482 = arith.constant 0 : i32
      %cond3A_483 = arith.cmpi ne, %convert_element_type3A_481, %cond3A_482 : i32
      scf.if %cond3A_483 {
        %sub3A = arith.constant 4 : i32
        %sub3A_519 = arith.subi %add3A_464, %sub3A : i32
        %mul3A_520 = arith.constant 50 : i32
        %mul3A_521 = arith.muli %add3A, %mul3A_520 : i32
        %add3A_522 = arith.addi %mul3A_521, %sub3A_519 : i32
        %mul3A_523 = arith.constant 128 : i32
        %mul3A_524 = arith.muli %add3A_522, %mul3A_523 : i32
        %multiple_of3A_525 = tpu.assume_multiple %mul3A_524, 128 : i32
        %dma_wait3A_526 = arith.constant 3 : i32
        %dma_wait3A_527 = arith.constant 3 : i32
        %dma_wait3A_528 = arith.constant 0 : i32
        %dma_wait3A_529 = arith.constant 0 : i32
        %dma_wait3A_530 = tpu.memref_slice %arg11[%dma_wait3A_526, %dma_wait3A_528, %dma_wait3A_529] : memref<4x64x128xf32, #tpu.memory_space<vmem>> -> memref<1x64x128xf32, #tpu.memory_space<vmem>>
        %dma_wait3A_531 = tpu.memref_squeeze %dma_wait3A_530 : memref<1x64x128xf32, #tpu.memory_space<vmem>> -> memref<64x128xf32, #tpu.memory_space<vmem>>
        %dma_wait3A_532 = arith.constant 0 : i32
        %dma_wait3A_533 = tpu.memref_slice %arg6[%dma_wait3A_532, %multiple_of3A_525] : memref<64x204800xf32, #tpu.memory_space<hbm>> -> memref<64x128xf32, #tpu.memory_space<hbm>>
        %dma_wait3A_534 = tpu.memref_slice %arg16[%dma_wait3A_527] : memref<4x!tpu.dma_semaphore, #tpu.memory_space<semaphore_mem>> -> memref<1x!tpu.dma_semaphore, #tpu.memory_space<semaphore_mem>>
        %dma_wait3A_535 = tpu.memref_squeeze %dma_wait3A_534 : memref<1x!tpu.dma_semaphore, #tpu.memory_space<semaphore_mem>> -> memref<!tpu.dma_semaphore, #tpu.memory_space<semaphore_mem>>
        %dma_wait3A_536 = arith.constant 0 : i32
        %dma_wait3A_537 = tpu.memref_slice %arg6[%dma_wait3A_536, %multiple_of3A_525] : memref<64x204800xf32, #tpu.memory_space<hbm>> -> memref<64x128xf32, #tpu.memory_space<hbm>>
        %dma_wait3A_538 = arith.constant 0 : i32
        %dma_wait3A_539 = arith.constant 0 : i32
        %dma_wait3A_540 = tpu.memref_slice %arg11[%dma_wait3A_526, %dma_wait3A_538, %dma_wait3A_539] : memref<4x64x128xf32, #tpu.memory_space<vmem>> -> memref<1x64x128xf32, #tpu.memory_space<vmem>>
        %dma_wait3A_541 = tpu.memref_squeeze %dma_wait3A_540 : memref<1x64x128xf32, #tpu.memory_space<vmem>> -> memref<64x128xf32, #tpu.memory_space<vmem>>
        tpu.wait_dma2 semaphore(%dma_wait3A_535 : memref<!tpu.dma_semaphore, #tpu.memory_space<semaphore_mem>>) src(%dma_wait3A_541 : memref<64x128xf32, #tpu.memory_space<vmem>>) dst(%dma_wait3A_537 : memref<64x128xf32, #tpu.memory_space<hbm>>)
      } else {
      }
      %scan3A_484 = arith.constant 0 : i32
      %scan3A_485 = arith.constant 0 : i32
      %scan3A_486 = arith.constant 8 : i32
      %scan3A_487 = arith.addi %scan3A_485, %scan3A_486 : i32
      %scan3A_488 = arith.constant 1 : i32
      scf.for %scan3A_519 = %scan3A_485 to %scan3A_487 step %scan3A_488  : i32 {
        %mul3A_520 = arith.constant 16 : i32
        %mul3A_521 = arith.muli %scan3A_519, %mul3A_520 : i32
        %mul3A_522 = arith.constant 128 : i32
        %mul3A_523 = arith.muli %add3A_464, %mul3A_522 : i32
        %add3A_524 = arith.addi %mul3A_523, %mul3A_521 : i32
        %get3A = arith.index_cast %add3A_524 : i32 to index
        %get3A_525 = tpu.vector_load %arg8[%get3A] {strides = array<i32>} : memref<6400xi32, #tpu.memory_space<vmem>>, vector<16xi32>,
        %shift_right_logical3A = arith.constant 10 : i32
        %shift_right_logical3A_526 = vector.broadcast %shift_right_logical3A : i32 to vector<16xi32>
        %shift_right_logical3A_527 = arith.shrui %get3A_525, %shift_right_logical3A_526 : vector<16xi32>
        %and3A = arith.constant 1 : i32
        %and3A_528 = vector.broadcast %and3A : i32 to vector<16xi32>
        %and3A_529 = arith.andi %shift_right_logical3A_527, %and3A_528 : vector<16xi32>
        %mul3A_530 = arith.constant 64 : i32
        %mul3A_531 = vector.broadcast %mul3A_530 : i32 to vector<16xi32>
        %mul3A_532 = arith.muli %and3A_529, %mul3A_531 : vector<16xi32>
        %add3A_533 = vector.broadcast %mul3A_521 : i32 to vector<16xi32>
        %add3A_534 = arith.addi %iota3A, %add3A_533 : vector<16xi32>
        %scan3A_535 = arith.constant 0 : i32
        %scan3A_536 = arith.constant 0 : i32
        %scan3A_537 = arith.constant 16 : i32
        %scan3A_538 = arith.addi %scan3A_536, %scan3A_537 : i32
        %scan3A_539 = arith.constant 1 : i32
        scf.for %scan3A_541 = %scan3A_536 to %scan3A_538 step %scan3A_539  : i32 {
          %mul3A_542 = arith.constant 4 : i32
          %mul3A_543 = arith.muli %mul3A_542, %scan3A_541 : i32
          %add3A_544 = arith.constant 0 : i32
          %add3A_545 = arith.addi %mul3A_543, %add3A_544 : i32
          %add3A_546 = vector.broadcast %add3A_545 : i32 to vector<16xi32>
          %add3A_547 = arith.addi %iota3A, %add3A_546 : vector<16xi32>
          %and3A_548 = arith.constant 63 : i32
          %and3A_549 = vector.broadcast %and3A_548 : i32 to vector<16xi32>
          %and3A_550 = arith.andi %add3A_547, %and3A_549 : vector<16xi32>
          %add3A_551 = arith.addi %mul3A_532, %and3A_550 : vector<16xi32>
          %gather3A = arith.constant 3 : i32
          %gather3A_552 = arith.constant 0 : i32
          %gather3A_553 = arith.constant 0 : i32
          %gather3A_554 = tpu.memref_slice %arg10[%gather3A, %gather3A_552, %gather3A_553] : memref<4x128x128xf32, #tpu.memory_space<vmem>> -> memref<1x128x128xf32, #tpu.memory_space<vmem>>
          %gather3A_555 = tpu.memref_squeeze %gather3A_554 : memref<1x128x128xf32, #tpu.memory_space<vmem>> -> memref<128x128xf32, #tpu.memory_space<vmem>>
          %gather3A_556 = tpu.vector_load_idx %gather3A_555[%add3A_534, %add3A_551] : memref<128x128xf32, #tpu.memory_space<vmem>>[vector<16xi32>, vector<16xi32>], vector<16xf32>,
          %scatter3A = arith.constant 3 : i32
          %scatter3A_557 = arith.constant 0 : i32
          %scatter3A_558 = arith.constant 0 : i32
          %scatter3A_559 = tpu.memref_slice %arg11[%scatter3A, %scatter3A_557, %scatter3A_558] : memref<4x64x128xf32, #tpu.memory_space<vmem>> -> memref<1x64x128xf32, #tpu.memory_space<vmem>>
          %scatter3A_560 = tpu.memref_squeeze %scatter3A_559 : memref<1x64x128xf32, #tpu.memory_space<vmem>> -> memref<64x128xf32, #tpu.memory_space<vmem>>
          tpu.vector_store_idx %scatter3A_560[%and3A_550, %add3A_534], %gather3A_556 : memref<64x128xf32, #tpu.memory_space<vmem>>[vector<16xi32>, vector<16xi32>], vector<16xf32>,
          %mul3A_561 = arith.constant 4 : i32
          %mul3A_562 = arith.muli %mul3A_561, %scan3A_541 : i32
          %add3A_563 = arith.constant 1 : i32
          %add3A_564 = arith.addi %mul3A_562, %add3A_563 : i32
          %add3A_565 = vector.broadcast %add3A_564 : i32 to vector<16xi32>
          %add3A_566 = arith.addi %iota3A, %add3A_565 : vector<16xi32>
          %and3A_567 = arith.constant 63 : i32
          %and3A_568 = vector.broadcast %and3A_567 : i32 to vector<16xi32>
          %and3A_569 = arith.andi %add3A_566, %and3A_568 : vector<16xi32>
          %add3A_570 = arith.addi %mul3A_532, %and3A_569 : vector<16xi32>
          %gather3A_571 = arith.constant 3 : i32
          %gather3A_572 = arith.constant 0 : i32
          %gather3A_573 = arith.constant 0 : i32
          %gather3A_574 = tpu.memref_slice %arg10[%gather3A_571, %gather3A_572, %gather3A_573] : memref<4x128x128xf32, #tpu.memory_space<vmem>> -> memref<1x128x128xf32, #tpu.memory_space<vmem>>
          %gather3A_575 = tpu.memref_squeeze %gather3A_574 : memref<1x128x128xf32, #tpu.memory_space<vmem>> -> memref<128x128xf32, #tpu.memory_space<vmem>>
          %gather3A_576 = tpu.vector_load_idx %gather3A_575[%add3A_534, %add3A_570] : memref<128x128xf32, #tpu.memory_space<vmem>>[vector<16xi32>, vector<16xi32>], vector<16xf32>,
          %scatter3A_577 = arith.constant 3 : i32
          %scatter3A_578 = arith.constant 0 : i32
          %scatter3A_579 = arith.constant 0 : i32
          %scatter3A_580 = tpu.memref_slice %arg11[%scatter3A_577, %scatter3A_578, %scatter3A_579] : memref<4x64x128xf32, #tpu.memory_space<vmem>> -> memref<1x64x128xf32, #tpu.memory_space<vmem>>
          %scatter3A_581 = tpu.memref_squeeze %scatter3A_580 : memref<1x64x128xf32, #tpu.memory_space<vmem>> -> memref<64x128xf32, #tpu.memory_space<vmem>>
          tpu.vector_store_idx %scatter3A_581[%and3A_569, %add3A_534], %gather3A_576 : memref<64x128xf32, #tpu.memory_space<vmem>>[vector<16xi32>, vector<16xi32>], vector<16xf32>,
          %mul3A_582 = arith.constant 4 : i32
          %mul3A_583 = arith.muli %mul3A_582, %scan3A_541 : i32
          %add3A_584 = arith.constant 2 : i32
          %add3A_585 = arith.addi %mul3A_583, %add3A_584 : i32
          %add3A_586 = vector.broadcast %add3A_585 : i32 to vector<16xi32>
          %add3A_587 = arith.addi %iota3A, %add3A_586 : vector<16xi32>
          %and3A_588 = arith.constant 63 : i32
          %and3A_589 = vector.broadcast %and3A_588 : i32 to vector<16xi32>
          %and3A_590 = arith.andi %add3A_587, %and3A_589 : vector<16xi32>
          %add3A_591 = arith.addi %mul3A_532, %and3A_590 : vector<16xi32>
          %gather3A_592 = arith.constant 3 : i32
          %gather3A_593 = arith.constant 0 : i32
          %gather3A_594 = arith.constant 0 : i32
          %gather3A_595 = tpu.memref_slice %arg10[%gather3A_592, %gather3A_593, %gather3A_594] : memref<4x128x128xf32, #tpu.memory_space<vmem>> -> memref<1x128x128xf32, #tpu.memory_space<vmem>>
          %gather3A_596 = tpu.memref_squeeze %gather3A_595 : memref<1x128x128xf32, #tpu.memory_space<vmem>> -> memref<128x128xf32, #tpu.memory_space<vmem>>
          %gather3A_597 = tpu.vector_load_idx %gather3A_596[%add3A_534, %add3A_591] : memref<128x128xf32, #tpu.memory_space<vmem>>[vector<16xi32>, vector<16xi32>], vector<16xf32>,
          %scatter3A_598 = arith.constant 3 : i32
          %scatter3A_599 = arith.constant 0 : i32
          %scatter3A_600 = arith.constant 0 : i32
          %scatter3A_601 = tpu.memref_slice %arg11[%scatter3A_598, %scatter3A_599, %scatter3A_600] : memref<4x64x128xf32, #tpu.memory_space<vmem>> -> memref<1x64x128xf32, #tpu.memory_space<vmem>>
          %scatter3A_602 = tpu.memref_squeeze %scatter3A_601 : memref<1x64x128xf32, #tpu.memory_space<vmem>> -> memref<64x128xf32, #tpu.memory_space<vmem>>
          tpu.vector_store_idx %scatter3A_602[%and3A_590, %add3A_534], %gather3A_597 : memref<64x128xf32, #tpu.memory_space<vmem>>[vector<16xi32>, vector<16xi32>], vector<16xf32>,
          %mul3A_603 = arith.constant 4 : i32
          %mul3A_604 = arith.muli %mul3A_603, %scan3A_541 : i32
          %add3A_605 = arith.constant 3 : i32
          %add3A_606 = arith.addi %mul3A_604, %add3A_605 : i32
          %add3A_607 = vector.broadcast %add3A_606 : i32 to vector<16xi32>
          %add3A_608 = arith.addi %iota3A, %add3A_607 : vector<16xi32>
          %and3A_609 = arith.constant 63 : i32
          %and3A_610 = vector.broadcast %and3A_609 : i32 to vector<16xi32>
          %and3A_611 = arith.andi %add3A_608, %and3A_610 : vector<16xi32>
          %add3A_612 = arith.addi %mul3A_532, %and3A_611 : vector<16xi32>
          %gather3A_613 = arith.constant 3 : i32
          %gather3A_614 = arith.constant 0 : i32
          %gather3A_615 = arith.constant 0 : i32
          %gather3A_616 = tpu.memref_slice %arg10[%gather3A_613, %gather3A_614, %gather3A_615] : memref<4x128x128xf32, #tpu.memory_space<vmem>> -> memref<1x128x128xf32, #tpu.memory_space<vmem>>
          %gather3A_617 = tpu.memref_squeeze %gather3A_616 : memref<1x128x128xf32, #tpu.memory_space<vmem>> -> memref<128x128xf32, #tpu.memory_space<vmem>>
          %gather3A_618 = tpu.vector_load_idx %gather3A_617[%add3A_534, %add3A_612] : memref<128x128xf32, #tpu.memory_space<vmem>>[vector<16xi32>, vector<16xi32>], vector<16xf32>,
          %scatter3A_619 = arith.constant 3 : i32
          %scatter3A_620 = arith.constant 0 : i32
          %scatter3A_621 = arith.constant 0 : i32
          %scatter3A_622 = tpu.memref_slice %arg11[%scatter3A_619, %scatter3A_620, %scatter3A_621] : memref<4x64x128xf32, #tpu.memory_space<vmem>> -> memref<1x64x128xf32, #tpu.memory_space<vmem>>
          %scatter3A_623 = tpu.memref_squeeze %scatter3A_622 : memref<1x64x128xf32, #tpu.memory_space<vmem>> -> memref<64x128xf32, #tpu.memory_space<vmem>>
          tpu.vector_store_idx %scatter3A_623[%and3A_611, %add3A_534], %gather3A_618 : memref<64x128xf32, #tpu.memory_space<vmem>>[vector<16xi32>, vector<16xi32>], vector<16xf32>,
        }
        %scan3A_540 = arith.constant 16 : i32
      }
      %scan3A_489 = arith.constant 8 : i32
      %mul3A_490 = arith.constant 50 : i32
      %mul3A_491 = arith.muli %add3A, %mul3A_490 : i32
      %add3A_492 = arith.addi %mul3A_491, %add3A_464 : i32
      %mul3A_493 = arith.constant 128 : i32
      %mul3A_494 = arith.muli %add3A_492, %mul3A_493 : i32
      %multiple_of3A_495 = tpu.assume_multiple %mul3A_494, 128 : i32
      %dma_start3A_496 = arith.constant 3 : i32
      %dma_start3A_497 = arith.constant 3 : i32
      %dma_start3A_498 = arith.constant 0 : i32
      %dma_start3A_499 = arith.constant 0 : i32
      %dma_start3A_500 = tpu.memref_slice %arg11[%dma_start3A_496, %dma_start3A_498, %dma_start3A_499] : memref<4x64x128xf32, #tpu.memory_space<vmem>> -> memref<1x64x128xf32, #tpu.memory_space<vmem>>
      %dma_start3A_501 = tpu.memref_squeeze %dma_start3A_500 : memref<1x64x128xf32, #tpu.memory_space<vmem>> -> memref<64x128xf32, #tpu.memory_space<vmem>>
      %dma_start3A_502 = arith.constant 0 : i32
      %dma_start3A_503 = tpu.memref_slice %arg6[%dma_start3A_502, %multiple_of3A_495] : memref<64x204800xf32, #tpu.memory_space<hbm>> -> memref<64x128xf32, #tpu.memory_space<hbm>>
      %dma_start3A_504 = tpu.memref_slice %arg16[%dma_start3A_497] : memref<4x!tpu.dma_semaphore, #tpu.memory_space<semaphore_mem>> -> memref<1x!tpu.dma_semaphore, #tpu.memory_space<semaphore_mem>>
      %dma_start3A_505 = tpu.memref_squeeze %dma_start3A_504 : memref<1x!tpu.dma_semaphore, #tpu.memory_space<semaphore_mem>> -> memref<!tpu.dma_semaphore, #tpu.memory_space<semaphore_mem>>
      %dma_start3A_506 = arith.constant 0 : i32
      %dma_start3A_507 = tpu.memref_slice %arg6[%dma_start3A_506, %multiple_of3A_495] : memref<64x204800xf32, #tpu.memory_space<hbm>> -> memref<64x128xf32, #tpu.memory_space<hbm>>
      %dma_start3A_508 = arith.constant 0 : i32
      %dma_start3A_509 = arith.constant 0 : i32
      %dma_start3A_510 = tpu.memref_slice %arg11[%dma_start3A_496, %dma_start3A_508, %dma_start3A_509] : memref<4x64x128xf32, #tpu.memory_space<vmem>> -> memref<1x64x128xf32, #tpu.memory_space<vmem>>
      %dma_start3A_511 = tpu.memref_squeeze %dma_start3A_510 : memref<1x64x128xf32, #tpu.memory_space<vmem>> -> memref<64x128xf32, #tpu.memory_space<vmem>>
      tpu.enqueue_dma source(%dma_start3A_511 : memref<64x128xf32, #tpu.memory_space<vmem>>) target(%dma_start3A_507 : memref<64x128xf32, #tpu.memory_space<hbm>>) target_semaphore(%dma_start3A_505 : memref<!tpu.dma_semaphore, #tpu.memory_space<semaphore_mem>>)
      %add3A_512 = arith.constant 4 : i32
      %add3A_513 = arith.addi %add3A_464, %add3A_512 : i32
      %lt3A_514 = arith.constant 50 : i32
      %lt3A_515 = arith.cmpi slt, %add3A_513, %lt3A_514 : i32
      %convert_element_type3A_516 = arith.extui %lt3A_515 : i1 to i32
      %cond3A_517 = arith.constant 0 : i32
      %cond3A_518 = arith.cmpi ne, %convert_element_type3A_516, %cond3A_517 : i32
      scf.if %cond3A_518 {
        %add3A_519 = arith.constant 4 : i32
        %add3A_520 = arith.addi %add3A_464, %add3A_519 : i32
        %mul3A_521 = arith.constant 128 : i32
        %mul3A_522 = arith.muli %add3A_520, %mul3A_521 : i32
        %dma_start3A_523 = arith.constant 3 : i32
        %dma_start3A_524 = arith.constant 3 : i32
        %dma_start3A_525 = arith.constant 0 : i32
        %dma_start3A_526 = arith.constant 0 : i32
        %dma_start3A_527 = tpu.memref_slice %arg10[%dma_start3A_523, %dma_start3A_525, %dma_start3A_526] : memref<4x128x128xf32, #tpu.memory_space<vmem>> -> memref<1x128x128xf32, #tpu.memory_space<vmem>>
        %dma_start3A_528 = tpu.memref_squeeze %dma_start3A_527 : memref<1x128x128xf32, #tpu.memory_space<vmem>> -> memref<128x128xf32, #tpu.memory_space<vmem>>
        %dma_start3A_529 = tpu.memref_slice %arg9[%mul3A_522] : memref<6400xi32, #tpu.memory_space<vmem>> -> memref<128xi32, #tpu.memory_space<vmem>>
        %dma_start3A_530 = arith.constant 0 : i32
        %dma_start3A_531 = arith.constant 0 : i32
        %dma_start3A_532 = tpu.memref_slice %arg4[%dma_start3A_530, %dma_start3A_531] : memref<507904x128xf32, #tpu.memory_space<hbm>> -> memref<507904x128xf32, #tpu.memory_space<hbm>>
        %dma_start3A_533 = tpu.memref_slice %arg15[%dma_start3A_524] : memref<4x!tpu.dma_semaphore, #tpu.memory_space<semaphore_mem>> -> memref<1x!tpu.dma_semaphore, #tpu.memory_space<semaphore_mem>>
        %dma_start3A_534 = tpu.memref_squeeze %dma_start3A_533 : memref<1x!tpu.dma_semaphore, #tpu.memory_space<semaphore_mem>> -> memref<!tpu.dma_semaphore, #tpu.memory_space<semaphore_mem>>
        tpu.enqueue_indirect_dma source(%dma_start3A_532 : memref<507904x128xf32, #tpu.memory_space<hbm>>) target(%dma_start3A_528 : memref<128x128xf32, #tpu.memory_space<vmem>>) offsets(%dma_start3A_529 : memref<128xi32, #tpu.memory_space<vmem>>) semaphore(%dma_start3A_534 : memref<!tpu.dma_semaphore, #tpu.memory_space<semaphore_mem>>)
      } else {
      }
    }
    %scan3A_66 = arith.constant 12 : i32
    %dma_wait3A = arith.constant 0 : i32
    %dma_wait3A_67 = arith.constant 0 : i32
    %dma_wait3A_68 = arith.constant 0 : i32
    %dma_wait3A_69 = arith.constant 0 : i32
    %dma_wait3A_70 = tpu.memref_slice %arg10[%dma_wait3A, %dma_wait3A_68, %dma_wait3A_69] : memref<4x128x128xf32, #tpu.memory_space<vmem>> -> memref<1x128x128xf32, #tpu.memory_space<vmem>>
    %dma_wait3A_71 = tpu.memref_squeeze %dma_wait3A_70 : memref<1x128x128xf32, #tpu.memory_space<vmem>> -> memref<128x128xf32, #tpu.memory_space<vmem>>
    %dma_wait3A_72 = arith.constant 6144 : i32
    %dma_wait3A_73 = tpu.memref_slice %arg9[%dma_wait3A_72] : memref<6400xi32, #tpu.memory_space<vmem>> -> memref<128xi32, #tpu.memory_space<vmem>>
    %dma_wait3A_74 = arith.constant 0 : i32
    %dma_wait3A_75 = arith.constant 0 : i32
    %dma_wait3A_76 = tpu.memref_slice %arg4[%dma_wait3A_74, %dma_wait3A_75] : memref<507904x128xf32, #tpu.memory_space<hbm>> -> memref<507904x128xf32, #tpu.memory_space<hbm>>
    %dma_wait3A_77 = tpu.memref_slice %arg15[%dma_wait3A_67] : memref<4x!tpu.dma_semaphore, #tpu.memory_space<semaphore_mem>> -> memref<1x!tpu.dma_semaphore, #tpu.memory_space<semaphore_mem>>
    %dma_wait3A_78 = tpu.memref_squeeze %dma_wait3A_77 : memref<1x!tpu.dma_semaphore, #tpu.memory_space<semaphore_mem>> -> memref<!tpu.dma_semaphore, #tpu.memory_space<semaphore_mem>>
    tpu.wait_indirect_dma semaphore(%dma_wait3A_78 : memref<!tpu.dma_semaphore, #tpu.memory_space<semaphore_mem>>) src(%dma_wait3A_76 : memref<507904x128xf32, #tpu.memory_space<hbm>>) dst(%dma_wait3A_71 : memref<128x128xf32, #tpu.memory_space<vmem>>)
    %mul3A_79 = arith.constant 50 : i32
    %mul3A_80 = arith.muli %add3A, %mul3A_79 : i32
    %add3A_81 = arith.constant 44 : i32
    %add3A_82 = arith.addi %mul3A_80, %add3A_81 : i32
    %mul3A_83 = arith.constant 128 : i32
    %mul3A_84 = arith.muli %add3A_82, %mul3A_83 : i32
    %multiple_of3A = tpu.assume_multiple %mul3A_84, 128 : i32
    %dma_wait3A_85 = arith.constant 0 : i32
    %dma_wait3A_86 = arith.constant 0 : i32
    %dma_wait3A_87 = arith.constant 0 : i32
    %dma_wait3A_88 = arith.constant 0 : i32
    %dma_wait3A_89 = tpu.memref_slice %arg11[%dma_wait3A_85, %dma_wait3A_87, %dma_wait3A_88] : memref<4x64x128xf32, #tpu.memory_space<vmem>> -> memref<1x64x128xf32, #tpu.memory_space<vmem>>
    %dma_wait3A_90 = tpu.memref_squeeze %dma_wait3A_89 : memref<1x64x128xf32, #tpu.memory_space<vmem>> -> memref<64x128xf32, #tpu.memory_space<vmem>>
    %dma_wait3A_91 = arith.constant 0 : i32
    %dma_wait3A_92 = tpu.memref_slice %arg6[%dma_wait3A_91, %multiple_of3A] : memref<64x204800xf32, #tpu.memory_space<hbm>> -> memref<64x128xf32, #tpu.memory_space<hbm>>
    %dma_wait3A_93 = tpu.memref_slice %arg16[%dma_wait3A_86] : memref<4x!tpu.dma_semaphore, #tpu.memory_space<semaphore_mem>> -> memref<1x!tpu.dma_semaphore, #tpu.memory_space<semaphore_mem>>
    %dma_wait3A_94 = tpu.memref_squeeze %dma_wait3A_93 : memref<1x!tpu.dma_semaphore, #tpu.memory_space<semaphore_mem>> -> memref<!tpu.dma_semaphore, #tpu.memory_space<semaphore_mem>>
    %dma_wait3A_95 = arith.constant 0 : i32
    %dma_wait3A_96 = tpu.memref_slice %arg6[%dma_wait3A_95, %multiple_of3A] : memref<64x204800xf32, #tpu.memory_space<hbm>> -> memref<64x128xf32, #tpu.memory_space<hbm>>
    %dma_wait3A_97 = arith.constant 0 : i32
    %dma_wait3A_98 = arith.constant 0 : i32
    %dma_wait3A_99 = tpu.memref_slice %arg11[%dma_wait3A_85, %dma_wait3A_97, %dma_wait3A_98] : memref<4x64x128xf32, #tpu.memory_space<vmem>> -> memref<1x64x128xf32, #tpu.memory_space<vmem>>
    %dma_wait3A_100 = tpu.memref_squeeze %dma_wait3A_99 : memref<1x64x128xf32, #tpu.memory_space<vmem>> -> memref<64x128xf32, #tpu.memory_space<vmem>>
    tpu.wait_dma2 semaphore(%dma_wait3A_94 : memref<!tpu.dma_semaphore, #tpu.memory_space<semaphore_mem>>) src(%dma_wait3A_100 : memref<64x128xf32, #tpu.memory_space<vmem>>) dst(%dma_wait3A_96 : memref<64x128xf32, #tpu.memory_space<hbm>>)
    %scan3A_101 = arith.constant 0 : i32
    %scan3A_102 = arith.constant 0 : i32
    %scan3A_103 = arith.constant 8 : i32
    %scan3A_104 = arith.addi %scan3A_102, %scan3A_103 : i32
    %scan3A_105 = arith.constant 1 : i32
    scf.for %scan3A_296 = %scan3A_102 to %scan3A_104 step %scan3A_105  : i32 {
      %mul3A_297 = arith.constant 16 : i32
      %mul3A_298 = arith.muli %scan3A_296, %mul3A_297 : i32
      %add3A_299 = arith.constant 6144 : i32
      %add3A_300 = arith.addi %add3A_299, %mul3A_298 : i32
      %get3A = arith.index_cast %add3A_300 : i32 to index
      %get3A_301 = tpu.vector_load %arg8[%get3A] {strides = array<i32>} : memref<6400xi32, #tpu.memory_space<vmem>>, vector<16xi32>,
      %shift_right_logical3A = arith.constant 10 : i32
      %shift_right_logical3A_302 = vector.broadcast %shift_right_logical3A : i32 to vector<16xi32>
      %shift_right_logical3A_303 = arith.shrui %get3A_301, %shift_right_logical3A_302 : vector<16xi32>
      %and3A = arith.constant 1 : i32
      %and3A_304 = vector.broadcast %and3A : i32 to vector<16xi32>
      %and3A_305 = arith.andi %shift_right_logical3A_303, %and3A_304 : vector<16xi32>
      %mul3A_306 = arith.constant 64 : i32
      %mul3A_307 = vector.broadcast %mul3A_306 : i32 to vector<16xi32>
      %mul3A_308 = arith.muli %and3A_305, %mul3A_307 : vector<16xi32>
      %add3A_309 = vector.broadcast %mul3A_298 : i32 to vector<16xi32>
      %add3A_310 = arith.addi %iota3A, %add3A_309 : vector<16xi32>
      %scan3A_311 = arith.constant 0 : i32
      %scan3A_312 = arith.constant 0 : i32
      %scan3A_313 = arith.constant 16 : i32
      %scan3A_314 = arith.addi %scan3A_312, %scan3A_313 : i32
      %scan3A_315 = arith.constant 1 : i32
      scf.for %scan3A_317 = %scan3A_312 to %scan3A_314 step %scan3A_315  : i32 {
        %mul3A_318 = arith.constant 4 : i32
        %mul3A_319 = arith.muli %mul3A_318, %scan3A_317 : i32
        %add3A_320 = arith.constant 0 : i32
        %add3A_321 = arith.addi %mul3A_319, %add3A_320 : i32
        %add3A_322 = vector.broadcast %add3A_321 : i32 to vector<16xi32>
        %add3A_323 = arith.addi %iota3A, %add3A_322 : vector<16xi32>
        %and3A_324 = arith.constant 63 : i32
        %and3A_325 = vector.broadcast %and3A_324 : i32 to vector<16xi32>
        %and3A_326 = arith.andi %add3A_323, %and3A_325 : vector<16xi32>
        %add3A_327 = arith.addi %mul3A_308, %and3A_326 : vector<16xi32>
        %gather3A = arith.constant 0 : i32
        %gather3A_328 = arith.constant 0 : i32
        %gather3A_329 = arith.constant 0 : i32
        %gather3A_330 = tpu.memref_slice %arg10[%gather3A, %gather3A_328, %gather3A_329] : memref<4x128x128xf32, #tpu.memory_space<vmem>> -> memref<1x128x128xf32, #tpu.memory_space<vmem>>
        %gather3A_331 = tpu.memref_squeeze %gather3A_330 : memref<1x128x128xf32, #tpu.memory_space<vmem>> -> memref<128x128xf32, #tpu.memory_space<vmem>>
        %gather3A_332 = tpu.vector_load_idx %gather3A_331[%add3A_310, %add3A_327] : memref<128x128xf32, #tpu.memory_space<vmem>>[vector<16xi32>, vector<16xi32>], vector<16xf32>,
        %scatter3A = arith.constant 0 : i32
        %scatter3A_333 = arith.constant 0 : i32
        %scatter3A_334 = arith.constant 0 : i32
        %scatter3A_335 = tpu.memref_slice %arg11[%scatter3A, %scatter3A_333, %scatter3A_334] : memref<4x64x128xf32, #tpu.memory_space<vmem>> -> memref<1x64x128xf32, #tpu.memory_space<vmem>>
        %scatter3A_336 = tpu.memref_squeeze %scatter3A_335 : memref<1x64x128xf32, #tpu.memory_space<vmem>> -> memref<64x128xf32, #tpu.memory_space<vmem>>
        tpu.vector_store_idx %scatter3A_336[%and3A_326, %add3A_310], %gather3A_332 : memref<64x128xf32, #tpu.memory_space<vmem>>[vector<16xi32>, vector<16xi32>], vector<16xf32>,
        %mul3A_337 = arith.constant 4 : i32
        %mul3A_338 = arith.muli %mul3A_337, %scan3A_317 : i32
        %add3A_339 = arith.constant 1 : i32
        %add3A_340 = arith.addi %mul3A_338, %add3A_339 : i32
        %add3A_341 = vector.broadcast %add3A_340 : i32 to vector<16xi32>
        %add3A_342 = arith.addi %iota3A, %add3A_341 : vector<16xi32>
        %and3A_343 = arith.constant 63 : i32
        %and3A_344 = vector.broadcast %and3A_343 : i32 to vector<16xi32>
        %and3A_345 = arith.andi %add3A_342, %and3A_344 : vector<16xi32>
        %add3A_346 = arith.addi %mul3A_308, %and3A_345 : vector<16xi32>
        %gather3A_347 = arith.constant 0 : i32
        %gather3A_348 = arith.constant 0 : i32
        %gather3A_349 = arith.constant 0 : i32
        %gather3A_350 = tpu.memref_slice %arg10[%gather3A_347, %gather3A_348, %gather3A_349] : memref<4x128x128xf32, #tpu.memory_space<vmem>> -> memref<1x128x128xf32, #tpu.memory_space<vmem>>
        %gather3A_351 = tpu.memref_squeeze %gather3A_350 : memref<1x128x128xf32, #tpu.memory_space<vmem>> -> memref<128x128xf32, #tpu.memory_space<vmem>>
        %gather3A_352 = tpu.vector_load_idx %gather3A_351[%add3A_310, %add3A_346] : memref<128x128xf32, #tpu.memory_space<vmem>>[vector<16xi32>, vector<16xi32>], vector<16xf32>,
        %scatter3A_353 = arith.constant 0 : i32
        %scatter3A_354 = arith.constant 0 : i32
        %scatter3A_355 = arith.constant 0 : i32
        %scatter3A_356 = tpu.memref_slice %arg11[%scatter3A_353, %scatter3A_354, %scatter3A_355] : memref<4x64x128xf32, #tpu.memory_space<vmem>> -> memref<1x64x128xf32, #tpu.memory_space<vmem>>
        %scatter3A_357 = tpu.memref_squeeze %scatter3A_356 : memref<1x64x128xf32, #tpu.memory_space<vmem>> -> memref<64x128xf32, #tpu.memory_space<vmem>>
        tpu.vector_store_idx %scatter3A_357[%and3A_345, %add3A_310], %gather3A_352 : memref<64x128xf32, #tpu.memory_space<vmem>>[vector<16xi32>, vector<16xi32>], vector<16xf32>,
        %mul3A_358 = arith.constant 4 : i32
        %mul3A_359 = arith.muli %mul3A_358, %scan3A_317 : i32
        %add3A_360 = arith.constant 2 : i32
        %add3A_361 = arith.addi %mul3A_359, %add3A_360 : i32
        %add3A_362 = vector.broadcast %add3A_361 : i32 to vector<16xi32>
        %add3A_363 = arith.addi %iota3A, %add3A_362 : vector<16xi32>
        %and3A_364 = arith.constant 63 : i32
        %and3A_365 = vector.broadcast %and3A_364 : i32 to vector<16xi32>
        %and3A_366 = arith.andi %add3A_363, %and3A_365 : vector<16xi32>
        %add3A_367 = arith.addi %mul3A_308, %and3A_366 : vector<16xi32>
        %gather3A_368 = arith.constant 0 : i32
        %gather3A_369 = arith.constant 0 : i32
        %gather3A_370 = arith.constant 0 : i32
        %gather3A_371 = tpu.memref_slice %arg10[%gather3A_368, %gather3A_369, %gather3A_370] : memref<4x128x128xf32, #tpu.memory_space<vmem>> -> memref<1x128x128xf32, #tpu.memory_space<vmem>>
        %gather3A_372 = tpu.memref_squeeze %gather3A_371 : memref<1x128x128xf32, #tpu.memory_space<vmem>> -> memref<128x128xf32, #tpu.memory_space<vmem>>
        %gather3A_373 = tpu.vector_load_idx %gather3A_372[%add3A_310, %add3A_367] : memref<128x128xf32, #tpu.memory_space<vmem>>[vector<16xi32>, vector<16xi32>], vector<16xf32>,
        %scatter3A_374 = arith.constant 0 : i32
        %scatter3A_375 = arith.constant 0 : i32
        %scatter3A_376 = arith.constant 0 : i32
        %scatter3A_377 = tpu.memref_slice %arg11[%scatter3A_374, %scatter3A_375, %scatter3A_376] : memref<4x64x128xf32, #tpu.memory_space<vmem>> -> memref<1x64x128xf32, #tpu.memory_space<vmem>>
        %scatter3A_378 = tpu.memref_squeeze %scatter3A_377 : memref<1x64x128xf32, #tpu.memory_space<vmem>> -> memref<64x128xf32, #tpu.memory_space<vmem>>
        tpu.vector_store_idx %scatter3A_378[%and3A_366, %add3A_310], %gather3A_373 : memref<64x128xf32, #tpu.memory_space<vmem>>[vector<16xi32>, vector<16xi32>], vector<16xf32>,
        %mul3A_379 = arith.constant 4 : i32
        %mul3A_380 = arith.muli %mul3A_379, %scan3A_317 : i32
        %add3A_381 = arith.constant 3 : i32
        %add3A_382 = arith.addi %mul3A_380, %add3A_381 : i32
        %add3A_383 = vector.broadcast %add3A_382 : i32 to vector<16xi32>
        %add3A_384 = arith.addi %iota3A, %add3A_383 : vector<16xi32>
        %and3A_385 = arith.constant 63 : i32
        %and3A_386 = vector.broadcast %and3A_385 : i32 to vector<16xi32>
        %and3A_387 = arith.andi %add3A_384, %and3A_386 : vector<16xi32>
        %add3A_388 = arith.addi %mul3A_308, %and3A_387 : vector<16xi32>
        %gather3A_389 = arith.constant 0 : i32
        %gather3A_390 = arith.constant 0 : i32
        %gather3A_391 = arith.constant 0 : i32
        %gather3A_392 = tpu.memref_slice %arg10[%gather3A_389, %gather3A_390, %gather3A_391] : memref<4x128x128xf32, #tpu.memory_space<vmem>> -> memref<1x128x128xf32, #tpu.memory_space<vmem>>
        %gather3A_393 = tpu.memref_squeeze %gather3A_392 : memref<1x128x128xf32, #tpu.memory_space<vmem>> -> memref<128x128xf32, #tpu.memory_space<vmem>>
        %gather3A_394 = tpu.vector_load_idx %gather3A_393[%add3A_310, %add3A_388] : memref<128x128xf32, #tpu.memory_space<vmem>>[vector<16xi32>, vector<16xi32>], vector<16xf32>,
        %scatter3A_395 = arith.constant 0 : i32
        %scatter3A_396 = arith.constant 0 : i32
        %scatter3A_397 = arith.constant 0 : i32
        %scatter3A_398 = tpu.memref_slice %arg11[%scatter3A_395, %scatter3A_396, %scatter3A_397] : memref<4x64x128xf32, #tpu.memory_space<vmem>> -> memref<1x64x128xf32, #tpu.memory_space<vmem>>
        %scatter3A_399 = tpu.memref_squeeze %scatter3A_398 : memref<1x64x128xf32, #tpu.memory_space<vmem>> -> memref<64x128xf32, #tpu.memory_space<vmem>>
        tpu.vector_store_idx %scatter3A_399[%and3A_387, %add3A_310], %gather3A_394 : memref<64x128xf32, #tpu.memory_space<vmem>>[vector<16xi32>, vector<16xi32>], vector<16xf32>,
      }
      %scan3A_316 = arith.constant 16 : i32
    }
    %scan3A_106 = arith.constant 8 : i32
    %mul3A_107 = arith.constant 50 : i32
    %mul3A_108 = arith.muli %add3A, %mul3A_107 : i32
    %add3A_109 = arith.constant 48 : i32
    %add3A_110 = arith.addi %mul3A_108, %add3A_109 : i32
    %mul3A_111 = arith.constant 128 : i32
    %mul3A_112 = arith.muli %add3A_110, %mul3A_111 : i32
    %multiple_of3A_113 = tpu.assume_multiple %mul3A_112, 128 : i32
    %dma_start3A_114 = arith.constant 0 : i32
    %dma_start3A_115 = arith.constant 0 : i32
    %dma_start3A_116 = arith.constant 0 : i32
    %dma_start3A_117 = arith.constant 0 : i32
    %dma_start3A_118 = tpu.memref_slice %arg11[%dma_start3A_114, %dma_start3A_116, %dma_start3A_117] : memref<4x64x128xf32, #tpu.memory_space<vmem>> -> memref<1x64x128xf32, #tpu.memory_space<vmem>>
    %dma_start3A_119 = tpu.memref_squeeze %dma_start3A_118 : memref<1x64x128xf32, #tpu.memory_space<vmem>> -> memref<64x128xf32, #tpu.memory_space<vmem>>
    %dma_start3A_120 = arith.constant 0 : i32
    %dma_start3A_121 = tpu.memref_slice %arg6[%dma_start3A_120, %multiple_of3A_113] : memref<64x204800xf32, #tpu.memory_space<hbm>> -> memref<64x128xf32, #tpu.memory_space<hbm>>
    %dma_start3A_122 = tpu.memref_slice %arg16[%dma_start3A_115] : memref<4x!tpu.dma_semaphore, #tpu.memory_space<semaphore_mem>> -> memref<1x!tpu.dma_semaphore, #tpu.memory_space<semaphore_mem>>
    %dma_start3A_123 = tpu.memref_squeeze %dma_start3A_122 : memref<1x!tpu.dma_semaphore, #tpu.memory_space<semaphore_mem>> -> memref<!tpu.dma_semaphore, #tpu.memory_space<semaphore_mem>>
    %dma_start3A_124 = arith.constant 0 : i32
    %dma_start3A_125 = tpu.memref_slice %arg6[%dma_start3A_124, %multiple_of3A_113] : memref<64x204800xf32, #tpu.memory_space<hbm>> -> memref<64x128xf32, #tpu.memory_space<hbm>>
    %dma_start3A_126 = arith.constant 0 : i32
    %dma_start3A_127 = arith.constant 0 : i32
    %dma_start3A_128 = tpu.memref_slice %arg11[%dma_start3A_114, %dma_start3A_126, %dma_start3A_127] : memref<4x64x128xf32, #tpu.memory_space<vmem>> -> memref<1x64x128xf32, #tpu.memory_space<vmem>>
    %dma_start3A_129 = tpu.memref_squeeze %dma_start3A_128 : memref<1x64x128xf32, #tpu.memory_space<vmem>> -> memref<64x128xf32, #tpu.memory_space<vmem>>
    tpu.enqueue_dma source(%dma_start3A_129 : memref<64x128xf32, #tpu.memory_space<vmem>>) target(%dma_start3A_125 : memref<64x128xf32, #tpu.memory_space<hbm>>) target_semaphore(%dma_start3A_123 : memref<!tpu.dma_semaphore, #tpu.memory_space<semaphore_mem>>)
    %dma_wait3A_130 = arith.constant 1 : i32
    %dma_wait3A_131 = arith.constant 1 : i32
    %dma_wait3A_132 = arith.constant 0 : i32
    %dma_wait3A_133 = arith.constant 0 : i32
    %dma_wait3A_134 = tpu.memref_slice %arg10[%dma_wait3A_130, %dma_wait3A_132, %dma_wait3A_133] : memref<4x128x128xf32, #tpu.memory_space<vmem>> -> memref<1x128x128xf32, #tpu.memory_space<vmem>>
    %dma_wait3A_135 = tpu.memref_squeeze %dma_wait3A_134 : memref<1x128x128xf32, #tpu.memory_space<vmem>> -> memref<128x128xf32, #tpu.memory_space<vmem>>
    %dma_wait3A_136 = arith.constant 6272 : i32
    %dma_wait3A_137 = tpu.memref_slice %arg9[%dma_wait3A_136] : memref<6400xi32, #tpu.memory_space<vmem>> -> memref<128xi32, #tpu.memory_space<vmem>>
    %dma_wait3A_138 = arith.constant 0 : i32
    %dma_wait3A_139 = arith.constant 0 : i32
    %dma_wait3A_140 = tpu.memref_slice %arg4[%dma_wait3A_138, %dma_wait3A_139] : memref<507904x128xf32, #tpu.memory_space<hbm>> -> memref<507904x128xf32, #tpu.memory_space<hbm>>
    %dma_wait3A_141 = tpu.memref_slice %arg15[%dma_wait3A_131] : memref<4x!tpu.dma_semaphore, #tpu.memory_space<semaphore_mem>> -> memref<1x!tpu.dma_semaphore, #tpu.memory_space<semaphore_mem>>
    %dma_wait3A_142 = tpu.memref_squeeze %dma_wait3A_141 : memref<1x!tpu.dma_semaphore, #tpu.memory_space<semaphore_mem>> -> memref<!tpu.dma_semaphore, #tpu.memory_space<semaphore_mem>>
    tpu.wait_indirect_dma semaphore(%dma_wait3A_142 : memref<!tpu.dma_semaphore, #tpu.memory_space<semaphore_mem>>) src(%dma_wait3A_140 : memref<507904x128xf32, #tpu.memory_space<hbm>>) dst(%dma_wait3A_135 : memref<128x128xf32, #tpu.memory_space<vmem>>)
    %mul3A_143 = arith.constant 50 : i32
    %mul3A_144 = arith.muli %add3A, %mul3A_143 : i32
    %add3A_145 = arith.constant 45 : i32
    %add3A_146 = arith.addi %mul3A_144, %add3A_145 : i32
    %mul3A_147 = arith.constant 128 : i32
    %mul3A_148 = arith.muli %add3A_146, %mul3A_147 : i32
    %multiple_of3A_149 = tpu.assume_multiple %mul3A_148, 128 : i32
    %dma_wait3A_150 = arith.constant 1 : i32
    %dma_wait3A_151 = arith.constant 1 : i32
    %dma_wait3A_152 = arith.constant 0 : i32
    %dma_wait3A_153 = arith.constant 0 : i32
    %dma_wait3A_154 = tpu.memref_slice %arg11[%dma_wait3A_150, %dma_wait3A_152, %dma_wait3A_153] : memref<4x64x128xf32, #tpu.memory_space<vmem>> -> memref<1x64x128xf32, #tpu.memory_space<vmem>>
    %dma_wait3A_155 = tpu.memref_squeeze %dma_wait3A_154 : memref<1x64x128xf32, #tpu.memory_space<vmem>> -> memref<64x128xf32, #tpu.memory_space<vmem>>
    %dma_wait3A_156 = arith.constant 0 : i32
    %dma_wait3A_157 = tpu.memref_slice %arg6[%dma_wait3A_156, %multiple_of3A_149] : memref<64x204800xf32, #tpu.memory_space<hbm>> -> memref<64x128xf32, #tpu.memory_space<hbm>>
    %dma_wait3A_158 = tpu.memref_slice %arg16[%dma_wait3A_151] : memref<4x!tpu.dma_semaphore, #tpu.memory_space<semaphore_mem>> -> memref<1x!tpu.dma_semaphore, #tpu.memory_space<semaphore_mem>>
    %dma_wait3A_159 = tpu.memref_squeeze %dma_wait3A_158 : memref<1x!tpu.dma_semaphore, #tpu.memory_space<semaphore_mem>> -> memref<!tpu.dma_semaphore, #tpu.memory_space<semaphore_mem>>
    %dma_wait3A_160 = arith.constant 0 : i32
    %dma_wait3A_161 = tpu.memref_slice %arg6[%dma_wait3A_160, %multiple_of3A_149] : memref<64x204800xf32, #tpu.memory_space<hbm>> -> memref<64x128xf32, #tpu.memory_space<hbm>>
    %dma_wait3A_162 = arith.constant 0 : i32
    %dma_wait3A_163 = arith.constant 0 : i32
    %dma_wait3A_164 = tpu.memref_slice %arg11[%dma_wait3A_150, %dma_wait3A_162, %dma_wait3A_163] : memref<4x64x128xf32, #tpu.memory_space<vmem>> -> memref<1x64x128xf32, #tpu.memory_space<vmem>>
    %dma_wait3A_165 = tpu.memref_squeeze %dma_wait3A_164 : memref<1x64x128xf32, #tpu.memory_space<vmem>> -> memref<64x128xf32, #tpu.memory_space<vmem>>
    tpu.wait_dma2 semaphore(%dma_wait3A_159 : memref<!tpu.dma_semaphore, #tpu.memory_space<semaphore_mem>>) src(%dma_wait3A_165 : memref<64x128xf32, #tpu.memory_space<vmem>>) dst(%dma_wait3A_161 : memref<64x128xf32, #tpu.memory_space<hbm>>)
    %scan3A_166 = arith.constant 0 : i32
    %scan3A_167 = arith.constant 0 : i32
    %scan3A_168 = arith.constant 8 : i32
    %scan3A_169 = arith.addi %scan3A_167, %scan3A_168 : i32
    %scan3A_170 = arith.constant 1 : i32
    scf.for %scan3A_296 = %scan3A_167 to %scan3A_169 step %scan3A_170  : i32 {
      %mul3A_297 = arith.constant 16 : i32
      %mul3A_298 = arith.muli %scan3A_296, %mul3A_297 : i32
      %add3A_299 = arith.constant 6272 : i32
      %add3A_300 = arith.addi %add3A_299, %mul3A_298 : i32
      %get3A = arith.index_cast %add3A_300 : i32 to index
      %get3A_301 = tpu.vector_load %arg8[%get3A] {strides = array<i32>} : memref<6400xi32, #tpu.memory_space<vmem>>, vector<16xi32>,
      %shift_right_logical3A = arith.constant 10 : i32
      %shift_right_logical3A_302 = vector.broadcast %shift_right_logical3A : i32 to vector<16xi32>
      %shift_right_logical3A_303 = arith.shrui %get3A_301, %shift_right_logical3A_302 : vector<16xi32>
      %and3A = arith.constant 1 : i32
      %and3A_304 = vector.broadcast %and3A : i32 to vector<16xi32>
      %and3A_305 = arith.andi %shift_right_logical3A_303, %and3A_304 : vector<16xi32>
      %mul3A_306 = arith.constant 64 : i32
      %mul3A_307 = vector.broadcast %mul3A_306 : i32 to vector<16xi32>
      %mul3A_308 = arith.muli %and3A_305, %mul3A_307 : vector<16xi32>
      %add3A_309 = vector.broadcast %mul3A_298 : i32 to vector<16xi32>
      %add3A_310 = arith.addi %iota3A, %add3A_309 : vector<16xi32>
      %scan3A_311 = arith.constant 0 : i32
      %scan3A_312 = arith.constant 0 : i32
      %scan3A_313 = arith.constant 16 : i32
      %scan3A_314 = arith.addi %scan3A_312, %scan3A_313 : i32
      %scan3A_315 = arith.constant 1 : i32
      scf.for %scan3A_317 = %scan3A_312 to %scan3A_314 step %scan3A_315  : i32 {
        %mul3A_318 = arith.constant 4 : i32
        %mul3A_319 = arith.muli %mul3A_318, %scan3A_317 : i32
        %add3A_320 = arith.constant 0 : i32
        %add3A_321 = arith.addi %mul3A_319, %add3A_320 : i32
        %add3A_322 = vector.broadcast %add3A_321 : i32 to vector<16xi32>
        %add3A_323 = arith.addi %iota3A, %add3A_322 : vector<16xi32>
        %and3A_324 = arith.constant 63 : i32
        %and3A_325 = vector.broadcast %and3A_324 : i32 to vector<16xi32>
        %and3A_326 = arith.andi %add3A_323, %and3A_325 : vector<16xi32>
        %add3A_327 = arith.addi %mul3A_308, %and3A_326 : vector<16xi32>
        %gather3A = arith.constant 1 : i32
        %gather3A_328 = arith.constant 0 : i32
        %gather3A_329 = arith.constant 0 : i32
        %gather3A_330 = tpu.memref_slice %arg10[%gather3A, %gather3A_328, %gather3A_329] : memref<4x128x128xf32, #tpu.memory_space<vmem>> -> memref<1x128x128xf32, #tpu.memory_space<vmem>>
        %gather3A_331 = tpu.memref_squeeze %gather3A_330 : memref<1x128x128xf32, #tpu.memory_space<vmem>> -> memref<128x128xf32, #tpu.memory_space<vmem>>
        %gather3A_332 = tpu.vector_load_idx %gather3A_331[%add3A_310, %add3A_327] : memref<128x128xf32, #tpu.memory_space<vmem>>[vector<16xi32>, vector<16xi32>], vector<16xf32>,
        %scatter3A = arith.constant 1 : i32
        %scatter3A_333 = arith.constant 0 : i32
        %scatter3A_334 = arith.constant 0 : i32
        %scatter3A_335 = tpu.memref_slice %arg11[%scatter3A, %scatter3A_333, %scatter3A_334] : memref<4x64x128xf32, #tpu.memory_space<vmem>> -> memref<1x64x128xf32, #tpu.memory_space<vmem>>
        %scatter3A_336 = tpu.memref_squeeze %scatter3A_335 : memref<1x64x128xf32, #tpu.memory_space<vmem>> -> memref<64x128xf32, #tpu.memory_space<vmem>>
        tpu.vector_store_idx %scatter3A_336[%and3A_326, %add3A_310], %gather3A_332 : memref<64x128xf32, #tpu.memory_space<vmem>>[vector<16xi32>, vector<16xi32>], vector<16xf32>,
        %mul3A_337 = arith.constant 4 : i32
        %mul3A_338 = arith.muli %mul3A_337, %scan3A_317 : i32
        %add3A_339 = arith.constant 1 : i32
        %add3A_340 = arith.addi %mul3A_338, %add3A_339 : i32
        %add3A_341 = vector.broadcast %add3A_340 : i32 to vector<16xi32>
        %add3A_342 = arith.addi %iota3A, %add3A_341 : vector<16xi32>
        %and3A_343 = arith.constant 63 : i32
        %and3A_344 = vector.broadcast %and3A_343 : i32 to vector<16xi32>
        %and3A_345 = arith.andi %add3A_342, %and3A_344 : vector<16xi32>
        %add3A_346 = arith.addi %mul3A_308, %and3A_345 : vector<16xi32>
        %gather3A_347 = arith.constant 1 : i32
        %gather3A_348 = arith.constant 0 : i32
        %gather3A_349 = arith.constant 0 : i32
        %gather3A_350 = tpu.memref_slice %arg10[%gather3A_347, %gather3A_348, %gather3A_349] : memref<4x128x128xf32, #tpu.memory_space<vmem>> -> memref<1x128x128xf32, #tpu.memory_space<vmem>>
        %gather3A_351 = tpu.memref_squeeze %gather3A_350 : memref<1x128x128xf32, #tpu.memory_space<vmem>> -> memref<128x128xf32, #tpu.memory_space<vmem>>
        %gather3A_352 = tpu.vector_load_idx %gather3A_351[%add3A_310, %add3A_346] : memref<128x128xf32, #tpu.memory_space<vmem>>[vector<16xi32>, vector<16xi32>], vector<16xf32>,
        %scatter3A_353 = arith.constant 1 : i32
        %scatter3A_354 = arith.constant 0 : i32
        %scatter3A_355 = arith.constant 0 : i32
        %scatter3A_356 = tpu.memref_slice %arg11[%scatter3A_353, %scatter3A_354, %scatter3A_355] : memref<4x64x128xf32, #tpu.memory_space<vmem>> -> memref<1x64x128xf32, #tpu.memory_space<vmem>>
        %scatter3A_357 = tpu.memref_squeeze %scatter3A_356 : memref<1x64x128xf32, #tpu.memory_space<vmem>> -> memref<64x128xf32, #tpu.memory_space<vmem>>
        tpu.vector_store_idx %scatter3A_357[%and3A_345, %add3A_310], %gather3A_352 : memref<64x128xf32, #tpu.memory_space<vmem>>[vector<16xi32>, vector<16xi32>], vector<16xf32>,
        %mul3A_358 = arith.constant 4 : i32
        %mul3A_359 = arith.muli %mul3A_358, %scan3A_317 : i32
        %add3A_360 = arith.constant 2 : i32
        %add3A_361 = arith.addi %mul3A_359, %add3A_360 : i32
        %add3A_362 = vector.broadcast %add3A_361 : i32 to vector<16xi32>
        %add3A_363 = arith.addi %iota3A, %add3A_362 : vector<16xi32>
        %and3A_364 = arith.constant 63 : i32
        %and3A_365 = vector.broadcast %and3A_364 : i32 to vector<16xi32>
        %and3A_366 = arith.andi %add3A_363, %and3A_365 : vector<16xi32>
        %add3A_367 = arith.addi %mul3A_308, %and3A_366 : vector<16xi32>
        %gather3A_368 = arith.constant 1 : i32
        %gather3A_369 = arith.constant 0 : i32
        %gather3A_370 = arith.constant 0 : i32
        %gather3A_371 = tpu.memref_slice %arg10[%gather3A_368, %gather3A_369, %gather3A_370] : memref<4x128x128xf32, #tpu.memory_space<vmem>> -> memref<1x128x128xf32, #tpu.memory_space<vmem>>
        %gather3A_372 = tpu.memref_squeeze %gather3A_371 : memref<1x128x128xf32, #tpu.memory_space<vmem>> -> memref<128x128xf32, #tpu.memory_space<vmem>>
        %gather3A_373 = tpu.vector_load_idx %gather3A_372[%add3A_310, %add3A_367] : memref<128x128xf32, #tpu.memory_space<vmem>>[vector<16xi32>, vector<16xi32>], vector<16xf32>,
        %scatter3A_374 = arith.constant 1 : i32
        %scatter3A_375 = arith.constant 0 : i32
        %scatter3A_376 = arith.constant 0 : i32
        %scatter3A_377 = tpu.memref_slice %arg11[%scatter3A_374, %scatter3A_375, %scatter3A_376] : memref<4x64x128xf32, #tpu.memory_space<vmem>> -> memref<1x64x128xf32, #tpu.memory_space<vmem>>
        %scatter3A_378 = tpu.memref_squeeze %scatter3A_377 : memref<1x64x128xf32, #tpu.memory_space<vmem>> -> memref<64x128xf32, #tpu.memory_space<vmem>>
        tpu.vector_store_idx %scatter3A_378[%and3A_366, %add3A_310], %gather3A_373 : memref<64x128xf32, #tpu.memory_space<vmem>>[vector<16xi32>, vector<16xi32>], vector<16xf32>,
        %mul3A_379 = arith.constant 4 : i32
        %mul3A_380 = arith.muli %mul3A_379, %scan3A_317 : i32
        %add3A_381 = arith.constant 3 : i32
        %add3A_382 = arith.addi %mul3A_380, %add3A_381 : i32
        %add3A_383 = vector.broadcast %add3A_382 : i32 to vector<16xi32>
        %add3A_384 = arith.addi %iota3A, %add3A_383 : vector<16xi32>
        %and3A_385 = arith.constant 63 : i32
        %and3A_386 = vector.broadcast %and3A_385 : i32 to vector<16xi32>
        %and3A_387 = arith.andi %add3A_384, %and3A_386 : vector<16xi32>
        %add3A_388 = arith.addi %mul3A_308, %and3A_387 : vector<16xi32>
        %gather3A_389 = arith.constant 1 : i32
        %gather3A_390 = arith.constant 0 : i32
        %gather3A_391 = arith.constant 0 : i32
        %gather3A_392 = tpu.memref_slice %arg10[%gather3A_389, %gather3A_390, %gather3A_391] : memref<4x128x128xf32, #tpu.memory_space<vmem>> -> memref<1x128x128xf32, #tpu.memory_space<vmem>>
        %gather3A_393 = tpu.memref_squeeze %gather3A_392 : memref<1x128x128xf32, #tpu.memory_space<vmem>> -> memref<128x128xf32, #tpu.memory_space<vmem>>
        %gather3A_394 = tpu.vector_load_idx %gather3A_393[%add3A_310, %add3A_388] : memref<128x128xf32, #tpu.memory_space<vmem>>[vector<16xi32>, vector<16xi32>], vector<16xf32>,
        %scatter3A_395 = arith.constant 1 : i32
        %scatter3A_396 = arith.constant 0 : i32
        %scatter3A_397 = arith.constant 0 : i32
        %scatter3A_398 = tpu.memref_slice %arg11[%scatter3A_395, %scatter3A_396, %scatter3A_397] : memref<4x64x128xf32, #tpu.memory_space<vmem>> -> memref<1x64x128xf32, #tpu.memory_space<vmem>>
        %scatter3A_399 = tpu.memref_squeeze %scatter3A_398 : memref<1x64x128xf32, #tpu.memory_space<vmem>> -> memref<64x128xf32, #tpu.memory_space<vmem>>
        tpu.vector_store_idx %scatter3A_399[%and3A_387, %add3A_310], %gather3A_394 : memref<64x128xf32, #tpu.memory_space<vmem>>[vector<16xi32>, vector<16xi32>], vector<16xf32>,
      }
      %scan3A_316 = arith.constant 16 : i32
    }
    %scan3A_171 = arith.constant 8 : i32
    %mul3A_172 = arith.constant 50 : i32
    %mul3A_173 = arith.muli %add3A, %mul3A_172 : i32
    %add3A_174 = arith.constant 49 : i32
    %add3A_175 = arith.addi %mul3A_173, %add3A_174 : i32
    %mul3A_176 = arith.constant 128 : i32
    %mul3A_177 = arith.muli %add3A_175, %mul3A_176 : i32
    %multiple_of3A_178 = tpu.assume_multiple %mul3A_177, 128 : i32
    %dma_start3A_179 = arith.constant 1 : i32
    %dma_start3A_180 = arith.constant 1 : i32
    %dma_start3A_181 = arith.constant 0 : i32
    %dma_start3A_182 = arith.constant 0 : i32
    %dma_start3A_183 = tpu.memref_slice %arg11[%dma_start3A_179, %dma_start3A_181, %dma_start3A_182] : memref<4x64x128xf32, #tpu.memory_space<vmem>> -> memref<1x64x128xf32, #tpu.memory_space<vmem>>
    %dma_start3A_184 = tpu.memref_squeeze %dma_start3A_183 : memref<1x64x128xf32, #tpu.memory_space<vmem>> -> memref<64x128xf32, #tpu.memory_space<vmem>>
    %dma_start3A_185 = arith.constant 0 : i32
    %dma_start3A_186 = tpu.memref_slice %arg6[%dma_start3A_185, %multiple_of3A_178] : memref<64x204800xf32, #tpu.memory_space<hbm>> -> memref<64x128xf32, #tpu.memory_space<hbm>>
    %dma_start3A_187 = tpu.memref_slice %arg16[%dma_start3A_180] : memref<4x!tpu.dma_semaphore, #tpu.memory_space<semaphore_mem>> -> memref<1x!tpu.dma_semaphore, #tpu.memory_space<semaphore_mem>>
    %dma_start3A_188 = tpu.memref_squeeze %dma_start3A_187 : memref<1x!tpu.dma_semaphore, #tpu.memory_space<semaphore_mem>> -> memref<!tpu.dma_semaphore, #tpu.memory_space<semaphore_mem>>
    %dma_start3A_189 = arith.constant 0 : i32
    %dma_start3A_190 = tpu.memref_slice %arg6[%dma_start3A_189, %multiple_of3A_178] : memref<64x204800xf32, #tpu.memory_space<hbm>> -> memref<64x128xf32, #tpu.memory_space<hbm>>
    %dma_start3A_191 = arith.constant 0 : i32
    %dma_start3A_192 = arith.constant 0 : i32
    %dma_start3A_193 = tpu.memref_slice %arg11[%dma_start3A_179, %dma_start3A_191, %dma_start3A_192] : memref<4x64x128xf32, #tpu.memory_space<vmem>> -> memref<1x64x128xf32, #tpu.memory_space<vmem>>
    %dma_start3A_194 = tpu.memref_squeeze %dma_start3A_193 : memref<1x64x128xf32, #tpu.memory_space<vmem>> -> memref<64x128xf32, #tpu.memory_space<vmem>>
    tpu.enqueue_dma source(%dma_start3A_194 : memref<64x128xf32, #tpu.memory_space<vmem>>) target(%dma_start3A_190 : memref<64x128xf32, #tpu.memory_space<hbm>>) target_semaphore(%dma_start3A_188 : memref<!tpu.dma_semaphore, #tpu.memory_space<semaphore_mem>>)
    %mul3A_195 = arith.constant 50 : i32
    %mul3A_196 = arith.muli %add3A, %mul3A_195 : i32
    %add3A_197 = arith.constant 46 : i32
    %add3A_198 = arith.addi %mul3A_196, %add3A_197 : i32
    %mul3A_199 = arith.constant 128 : i32
    %mul3A_200 = arith.muli %add3A_198, %mul3A_199 : i32
    %multiple_of3A_201 = tpu.assume_multiple %mul3A_200, 128 : i32
    %dma_wait3A_202 = arith.constant 2 : i32
    %dma_wait3A_203 = arith.constant 2 : i32
    %dma_wait3A_204 = arith.constant 0 : i32
    %dma_wait3A_205 = arith.constant 0 : i32
    %dma_wait3A_206 = tpu.memref_slice %arg11[%dma_wait3A_202, %dma_wait3A_204, %dma_wait3A_205] : memref<4x64x128xf32, #tpu.memory_space<vmem>> -> memref<1x64x128xf32, #tpu.memory_space<vmem>>
    %dma_wait3A_207 = tpu.memref_squeeze %dma_wait3A_206 : memref<1x64x128xf32, #tpu.memory_space<vmem>> -> memref<64x128xf32, #tpu.memory_space<vmem>>
    %dma_wait3A_208 = arith.constant 0 : i32
    %dma_wait3A_209 = tpu.memref_slice %arg6[%dma_wait3A_208, %multiple_of3A_201] : memref<64x204800xf32, #tpu.memory_space<hbm>> -> memref<64x128xf32, #tpu.memory_space<hbm>>
    %dma_wait3A_210 = tpu.memref_slice %arg16[%dma_wait3A_203] : memref<4x!tpu.dma_semaphore, #tpu.memory_space<semaphore_mem>> -> memref<1x!tpu.dma_semaphore, #tpu.memory_space<semaphore_mem>>
    %dma_wait3A_211 = tpu.memref_squeeze %dma_wait3A_210 : memref<1x!tpu.dma_semaphore, #tpu.memory_space<semaphore_mem>> -> memref<!tpu.dma_semaphore, #tpu.memory_space<semaphore_mem>>
    %dma_wait3A_212 = arith.constant 0 : i32
    %dma_wait3A_213 = tpu.memref_slice %arg6[%dma_wait3A_212, %multiple_of3A_201] : memref<64x204800xf32, #tpu.memory_space<hbm>> -> memref<64x128xf32, #tpu.memory_space<hbm>>
    %dma_wait3A_214 = arith.constant 0 : i32
    %dma_wait3A_215 = arith.constant 0 : i32
    %dma_wait3A_216 = tpu.memref_slice %arg11[%dma_wait3A_202, %dma_wait3A_214, %dma_wait3A_215] : memref<4x64x128xf32, #tpu.memory_space<vmem>> -> memref<1x64x128xf32, #tpu.memory_space<vmem>>
    %dma_wait3A_217 = tpu.memref_squeeze %dma_wait3A_216 : memref<1x64x128xf32, #tpu.memory_space<vmem>> -> memref<64x128xf32, #tpu.memory_space<vmem>>
    tpu.wait_dma2 semaphore(%dma_wait3A_211 : memref<!tpu.dma_semaphore, #tpu.memory_space<semaphore_mem>>) src(%dma_wait3A_217 : memref<64x128xf32, #tpu.memory_space<vmem>>) dst(%dma_wait3A_213 : memref<64x128xf32, #tpu.memory_space<hbm>>)
    %mul3A_218 = arith.constant 50 : i32
    %mul3A_219 = arith.muli %add3A, %mul3A_218 : i32
    %add3A_220 = arith.constant 47 : i32
    %add3A_221 = arith.addi %mul3A_219, %add3A_220 : i32
    %mul3A_222 = arith.constant 128 : i32
    %mul3A_223 = arith.muli %add3A_221, %mul3A_222 : i32
    %multiple_of3A_224 = tpu.assume_multiple %mul3A_223, 128 : i32
    %dma_wait3A_225 = arith.constant 3 : i32
    %dma_wait3A_226 = arith.constant 3 : i32
    %dma_wait3A_227 = arith.constant 0 : i32
    %dma_wait3A_228 = arith.constant 0 : i32
    %dma_wait3A_229 = tpu.memref_slice %arg11[%dma_wait3A_225, %dma_wait3A_227, %dma_wait3A_228] : memref<4x64x128xf32, #tpu.memory_space<vmem>> -> memref<1x64x128xf32, #tpu.memory_space<vmem>>
    %dma_wait3A_230 = tpu.memref_squeeze %dma_wait3A_229 : memref<1x64x128xf32, #tpu.memory_space<vmem>> -> memref<64x128xf32, #tpu.memory_space<vmem>>
    %dma_wait3A_231 = arith.constant 0 : i32
    %dma_wait3A_232 = tpu.memref_slice %arg6[%dma_wait3A_231, %multiple_of3A_224] : memref<64x204800xf32, #tpu.memory_space<hbm>> -> memref<64x128xf32, #tpu.memory_space<hbm>>
    %dma_wait3A_233 = tpu.memref_slice %arg16[%dma_wait3A_226] : memref<4x!tpu.dma_semaphore, #tpu.memory_space<semaphore_mem>> -> memref<1x!tpu.dma_semaphore, #tpu.memory_space<semaphore_mem>>
    %dma_wait3A_234 = tpu.memref_squeeze %dma_wait3A_233 : memref<1x!tpu.dma_semaphore, #tpu.memory_space<semaphore_mem>> -> memref<!tpu.dma_semaphore, #tpu.memory_space<semaphore_mem>>
    %dma_wait3A_235 = arith.constant 0 : i32
    %dma_wait3A_236 = tpu.memref_slice %arg6[%dma_wait3A_235, %multiple_of3A_224] : memref<64x204800xf32, #tpu.memory_space<hbm>> -> memref<64x128xf32, #tpu.memory_space<hbm>>
    %dma_wait3A_237 = arith.constant 0 : i32
    %dma_wait3A_238 = arith.constant 0 : i32
    %dma_wait3A_239 = tpu.memref_slice %arg11[%dma_wait3A_225, %dma_wait3A_237, %dma_wait3A_238] : memref<4x64x128xf32, #tpu.memory_space<vmem>> -> memref<1x64x128xf32, #tpu.memory_space<vmem>>
    %dma_wait3A_240 = tpu.memref_squeeze %dma_wait3A_239 : memref<1x64x128xf32, #tpu.memory_space<vmem>> -> memref<64x128xf32, #tpu.memory_space<vmem>>
    tpu.wait_dma2 semaphore(%dma_wait3A_234 : memref<!tpu.dma_semaphore, #tpu.memory_space<semaphore_mem>>) src(%dma_wait3A_240 : memref<64x128xf32, #tpu.memory_space<vmem>>) dst(%dma_wait3A_236 : memref<64x128xf32, #tpu.memory_space<hbm>>)
    %mul3A_241 = arith.constant 50 : i32
    %mul3A_242 = arith.muli %add3A, %mul3A_241 : i32
    %add3A_243 = arith.constant 48 : i32
    %add3A_244 = arith.addi %mul3A_242, %add3A_243 : i32
    %mul3A_245 = arith.constant 128 : i32
    %mul3A_246 = arith.muli %add3A_244, %mul3A_245 : i32
    %multiple_of3A_247 = tpu.assume_multiple %mul3A_246, 128 : i32
    %dma_wait3A_248 = arith.constant 0 : i32
    %dma_wait3A_249 = arith.constant 0 : i32
    %dma_wait3A_250 = arith.constant 0 : i32
    %dma_wait3A_251 = arith.constant 0 : i32
    %dma_wait3A_252 = tpu.memref_slice %arg11[%dma_wait3A_248, %dma_wait3A_250, %dma_wait3A_251] : memref<4x64x128xf32, #tpu.memory_space<vmem>> -> memref<1x64x128xf32, #tpu.memory_space<vmem>>
    %dma_wait3A_253 = tpu.memref_squeeze %dma_wait3A_252 : memref<1x64x128xf32, #tpu.memory_space<vmem>> -> memref<64x128xf32, #tpu.memory_space<vmem>>
    %dma_wait3A_254 = arith.constant 0 : i32
    %dma_wait3A_255 = tpu.memref_slice %arg6[%dma_wait3A_254, %multiple_of3A_247] : memref<64x204800xf32, #tpu.memory_space<hbm>> -> memref<64x128xf32, #tpu.memory_space<hbm>>
    %dma_wait3A_256 = tpu.memref_slice %arg16[%dma_wait3A_249] : memref<4x!tpu.dma_semaphore, #tpu.memory_space<semaphore_mem>> -> memref<1x!tpu.dma_semaphore, #tpu.memory_space<semaphore_mem>>
    %dma_wait3A_257 = tpu.memref_squeeze %dma_wait3A_256 : memref<1x!tpu.dma_semaphore, #tpu.memory_space<semaphore_mem>> -> memref<!tpu.dma_semaphore, #tpu.memory_space<semaphore_mem>>
    %dma_wait3A_258 = arith.constant 0 : i32
    %dma_wait3A_259 = tpu.memref_slice %arg6[%dma_wait3A_258, %multiple_of3A_247] : memref<64x204800xf32, #tpu.memory_space<hbm>> -> memref<64x128xf32, #tpu.memory_space<hbm>>
    %dma_wait3A_260 = arith.constant 0 : i32
    %dma_wait3A_261 = arith.constant 0 : i32
    %dma_wait3A_262 = tpu.memref_slice %arg11[%dma_wait3A_248, %dma_wait3A_260, %dma_wait3A_261] : memref<4x64x128xf32, #tpu.memory_space<vmem>> -> memref<1x64x128xf32, #tpu.memory_space<vmem>>
    %dma_wait3A_263 = tpu.memref_squeeze %dma_wait3A_262 : memref<1x64x128xf32, #tpu.memory_space<vmem>> -> memref<64x128xf32, #tpu.memory_space<vmem>>
    tpu.wait_dma2 semaphore(%dma_wait3A_257 : memref<!tpu.dma_semaphore, #tpu.memory_space<semaphore_mem>>) src(%dma_wait3A_263 : memref<64x128xf32, #tpu.memory_space<vmem>>) dst(%dma_wait3A_259 : memref<64x128xf32, #tpu.memory_space<hbm>>)
    %mul3A_264 = arith.constant 50 : i32
    %mul3A_265 = arith.muli %add3A, %mul3A_264 : i32
    %add3A_266 = arith.constant 49 : i32
    %add3A_267 = arith.addi %mul3A_265, %add3A_266 : i32
    %mul3A_268 = arith.constant 128 : i32
    %mul3A_269 = arith.muli %add3A_267, %mul3A_268 : i32
    %multiple_of3A_270 = tpu.assume_multiple %mul3A_269, 128 : i32
    %dma_wait3A_271 = arith.constant 1 : i32
    %dma_wait3A_272 = arith.constant 1 : i32
    %dma_wait3A_273 = arith.constant 0 : i32
    %dma_wait3A_274 = arith.constant 0 : i32
    %dma_wait3A_275 = tpu.memref_slice %arg11[%dma_wait3A_271, %dma_wait3A_273, %dma_wait3A_274] : memref<4x64x128xf32, #tpu.memory_space<vmem>> -> memref<1x64x128xf32, #tpu.memory_space<vmem>>
    %dma_wait3A_276 = tpu.memref_squeeze %dma_wait3A_275 : memref<1x64x128xf32, #tpu.memory_space<vmem>> -> memref<64x128xf32, #tpu.memory_space<vmem>>
    %dma_wait3A_277 = arith.constant 0 : i32
    %dma_wait3A_278 = tpu.memref_slice %arg6[%dma_wait3A_277, %multiple_of3A_270] : memref<64x204800xf32, #tpu.memory_space<hbm>> -> memref<64x128xf32, #tpu.memory_space<hbm>>
    %dma_wait3A_279 = tpu.memref_slice %arg16[%dma_wait3A_272] : memref<4x!tpu.dma_semaphore, #tpu.memory_space<semaphore_mem>> -> memref<1x!tpu.dma_semaphore, #tpu.memory_space<semaphore_mem>>
    %dma_wait3A_280 = tpu.memref_squeeze %dma_wait3A_279 : memref<1x!tpu.dma_semaphore, #tpu.memory_space<semaphore_mem>> -> memref<!tpu.dma_semaphore, #tpu.memory_space<semaphore_mem>>
    %dma_wait3A_281 = arith.constant 0 : i32
    %dma_wait3A_282 = tpu.memref_slice %arg6[%dma_wait3A_281, %multiple_of3A_270] : memref<64x204800xf32, #tpu.memory_space<hbm>> -> memref<64x128xf32, #tpu.memory_space<hbm>>
    %dma_wait3A_283 = arith.constant 0 : i32
    %dma_wait3A_284 = arith.constant 0 : i32
    %dma_wait3A_285 = tpu.memref_slice %arg11[%dma_wait3A_271, %dma_wait3A_283, %dma_wait3A_284] : memref<4x64x128xf32, #tpu.memory_space<vmem>> -> memref<1x64x128xf32, #tpu.memory_space<vmem>>
    %dma_wait3A_286 = tpu.memref_squeeze %dma_wait3A_285 : memref<1x64x128xf32, #tpu.memory_space<vmem>> -> memref<64x128xf32, #tpu.memory_space<vmem>>
    tpu.wait_dma2 semaphore(%dma_wait3A_280 : memref<!tpu.dma_semaphore, #tpu.memory_space<semaphore_mem>>) src(%dma_wait3A_286 : memref<64x128xf32, #tpu.memory_space<vmem>>) dst(%dma_wait3A_282 : memref<64x128xf32, #tpu.memory_space<hbm>>)
    %scan3A_287 = arith.constant 0 : i32
    %scan3A_288 = arith.constant 0 : i32
    %scan3A_289 = arith.constant 8 : i32
    %scan3A_290 = arith.addi %scan3A_288, %scan3A_289 : i32
    %scan3A_291 = arith.constant 1 : i32
    scf.for %scan3A_296 = %scan3A_288 to %scan3A_290 step %scan3A_291  : i32 {
      %mul3A_297 = arith.constant 16 : i32
      %mul3A_298 = arith.muli %scan3A_296, %mul3A_297 : i32
      %get3A = arith.index_cast %mul3A_298 : i32 to index
      %get3A_299 = tpu.vector_load %arg12[%get3A] {strides = array<i32>} : memref<128xi32, #tpu.memory_space<vmem>>, vector<16xi32>,
      %mul3A_300 = arith.constant 16 : i32
      %mul3A_301 = arith.muli %scan3A_296, %mul3A_300 : i32
      %add3A_302 = arith.constant 0 : i32
      %add3A_303 = arith.addi %mul3A_301, %add3A_302 : i32
      %broadcast_in_dim3A = arith.constant 0 : i32
      %broadcast_in_dim3A_304 = vector.broadcast %broadcast_in_dim3A : i32 to vector<16xi32>
      %add3A_305 = vector.broadcast %add3A_303 : i32 to vector<16xi32>
      %add3A_306 = arith.addi %broadcast_in_dim3A_304, %add3A_305 : vector<16xi32>
      %broadcast_in_dim3A_307 = arith.constant 0 : i32
      %broadcast_in_dim3A_308 = vector.broadcast %broadcast_in_dim3A_307 : i32 to vector<16xi32>
      %slice3A = vector.extract_strided_slice %get3A_299 {offsets = [0], sizes = [1], strides = [1]} : vector<16xi32> to vector<1xi32>
      %squeeze3A = vector.extract %slice3A[0] : i32 from vector<1xi32>
      %add3A_309 = vector.broadcast %squeeze3A : i32 to vector<16xi32>
      %add3A_310 = arith.addi %broadcast_in_dim3A_308, %add3A_309 : vector<16xi32>
      %gather3A = tpu.vector_load_idx %arg14[%iota3A, %add3A_310] : memref<16x1000xf32, #tpu.memory_space<vmem>>[vector<16xi32>, vector<16xi32>], vector<16xf32>,
      tpu.vector_store_idx %arg13[%iota3A, %add3A_306], %gather3A : memref<16x128xf32, #tpu.memory_space<vmem>>[vector<16xi32>, vector<16xi32>], vector<16xf32>,
      %mul3A_311 = arith.constant 16 : i32
      %mul3A_312 = arith.muli %scan3A_296, %mul3A_311 : i32
      %add3A_313 = arith.constant 1 : i32
      %add3A_314 = arith.addi %mul3A_312, %add3A_313 : i32
      %broadcast_in_dim3A_315 = arith.constant 0 : i32
      %broadcast_in_dim3A_316 = vector.broadcast %broadcast_in_dim3A_315 : i32 to vector<16xi32>
      %add3A_317 = vector.broadcast %add3A_314 : i32 to vector<16xi32>
      %add3A_318 = arith.addi %broadcast_in_dim3A_316, %add3A_317 : vector<16xi32>
      %broadcast_in_dim3A_319 = arith.constant 0 : i32
      %broadcast_in_dim3A_320 = vector.broadcast %broadcast_in_dim3A_319 : i32 to vector<16xi32>
      %slice3A_321 = vector.extract_strided_slice %get3A_299 {offsets = [1], sizes = [1], strides = [1]} : vector<16xi32> to vector<1xi32>
      %squeeze3A_322 = vector.extract %slice3A_321[0] : i32 from vector<1xi32>
      %add3A_323 = vector.broadcast %squeeze3A_322 : i32 to vector<16xi32>
      %add3A_324 = arith.addi %broadcast_in_dim3A_320, %add3A_323 : vector<16xi32>
      %gather3A_325 = tpu.vector_load_idx %arg14[%iota3A, %add3A_324] : memref<16x1000xf32, #tpu.memory_space<vmem>>[vector<16xi32>, vector<16xi32>], vector<16xf32>,
      tpu.vector_store_idx %arg13[%iota3A, %add3A_318], %gather3A_325 : memref<16x128xf32, #tpu.memory_space<vmem>>[vector<16xi32>, vector<16xi32>], vector<16xf32>,
      %mul3A_326 = arith.constant 16 : i32
      %mul3A_327 = arith.muli %scan3A_296, %mul3A_326 : i32
      %add3A_328 = arith.constant 2 : i32
      %add3A_329 = arith.addi %mul3A_327, %add3A_328 : i32
      %broadcast_in_dim3A_330 = arith.constant 0 : i32
      %broadcast_in_dim3A_331 = vector.broadcast %broadcast_in_dim3A_330 : i32 to vector<16xi32>
      %add3A_332 = vector.broadcast %add3A_329 : i32 to vector<16xi32>
      %add3A_333 = arith.addi %broadcast_in_dim3A_331, %add3A_332 : vector<16xi32>
      %broadcast_in_dim3A_334 = arith.constant 0 : i32
      %broadcast_in_dim3A_335 = vector.broadcast %broadcast_in_dim3A_334 : i32 to vector<16xi32>
      %slice3A_336 = vector.extract_strided_slice %get3A_299 {offsets = [2], sizes = [1], strides = [1]} : vector<16xi32> to vector<1xi32>
      %squeeze3A_337 = vector.extract %slice3A_336[0] : i32 from vector<1xi32>
      %add3A_338 = vector.broadcast %squeeze3A_337 : i32 to vector<16xi32>
      %add3A_339 = arith.addi %broadcast_in_dim3A_335, %add3A_338 : vector<16xi32>
      %gather3A_340 = tpu.vector_load_idx %arg14[%iota3A, %add3A_339] : memref<16x1000xf32, #tpu.memory_space<vmem>>[vector<16xi32>, vector<16xi32>], vector<16xf32>,
      tpu.vector_store_idx %arg13[%iota3A, %add3A_333], %gather3A_340 : memref<16x128xf32, #tpu.memory_space<vmem>>[vector<16xi32>, vector<16xi32>], vector<16xf32>,
      %mul3A_341 = arith.constant 16 : i32
      %mul3A_342 = arith.muli %scan3A_296, %mul3A_341 : i32
      %add3A_343 = arith.constant 3 : i32
      %add3A_344 = arith.addi %mul3A_342, %add3A_343 : i32
      %broadcast_in_dim3A_345 = arith.constant 0 : i32
      %broadcast_in_dim3A_346 = vector.broadcast %broadcast_in_dim3A_345 : i32 to vector<16xi32>
      %add3A_347 = vector.broadcast %add3A_344 : i32 to vector<16xi32>
      %add3A_348 = arith.addi %broadcast_in_dim3A_346, %add3A_347 : vector<16xi32>
      %broadcast_in_dim3A_349 = arith.constant 0 : i32
      %broadcast_in_dim3A_350 = vector.broadcast %broadcast_in_dim3A_349 : i32 to vector<16xi32>
      %slice3A_351 = vector.extract_strided_slice %get3A_299 {offsets = [3], sizes = [1], strides = [1]} : vector<16xi32> to vector<1xi32>
      %squeeze3A_352 = vector.extract %slice3A_351[0] : i32 from vector<1xi32>
      %add3A_353 = vector.broadcast %squeeze3A_352 : i32 to vector<16xi32>
      %add3A_354 = arith.addi %broadcast_in_dim3A_350, %add3A_353 : vector<16xi32>
      %gather3A_355 = tpu.vector_load_idx %arg14[%iota3A, %add3A_354] : memref<16x1000xf32, #tpu.memory_space<vmem>>[vector<16xi32>, vector<16xi32>], vector<16xf32>,
      tpu.vector_store_idx %arg13[%iota3A, %add3A_348], %gather3A_355 : memref<16x128xf32, #tpu.memory_space<vmem>>[vector<16xi32>, vector<16xi32>], vector<16xf32>,
      %mul3A_356 = arith.constant 16 : i32
      %mul3A_357 = arith.muli %scan3A_296, %mul3A_356 : i32
      %add3A_358 = arith.constant 4 : i32
      %add3A_359 = arith.addi %mul3A_357, %add3A_358 : i32
      %broadcast_in_dim3A_360 = arith.constant 0 : i32
      %broadcast_in_dim3A_361 = vector.broadcast %broadcast_in_dim3A_360 : i32 to vector<16xi32>
      %add3A_362 = vector.broadcast %add3A_359 : i32 to vector<16xi32>
      %add3A_363 = arith.addi %broadcast_in_dim3A_361, %add3A_362 : vector<16xi32>
      %broadcast_in_dim3A_364 = arith.constant 0 : i32
      %broadcast_in_dim3A_365 = vector.broadcast %broadcast_in_dim3A_364 : i32 to vector<16xi32>
      %slice3A_366 = vector.extract_strided_slice %get3A_299 {offsets = [4], sizes = [1], strides = [1]} : vector<16xi32> to vector<1xi32>
      %squeeze3A_367 = vector.extract %slice3A_366[0] : i32 from vector<1xi32>
      %add3A_368 = vector.broadcast %squeeze3A_367 : i32 to vector<16xi32>
      %add3A_369 = arith.addi %broadcast_in_dim3A_365, %add3A_368 : vector<16xi32>
      %gather3A_370 = tpu.vector_load_idx %arg14[%iota3A, %add3A_369] : memref<16x1000xf32, #tpu.memory_space<vmem>>[vector<16xi32>, vector<16xi32>], vector<16xf32>,
      tpu.vector_store_idx %arg13[%iota3A, %add3A_363], %gather3A_370 : memref<16x128xf32, #tpu.memory_space<vmem>>[vector<16xi32>, vector<16xi32>], vector<16xf32>,
      %mul3A_371 = arith.constant 16 : i32
      %mul3A_372 = arith.muli %scan3A_296, %mul3A_371 : i32
      %add3A_373 = arith.constant 5 : i32
      %add3A_374 = arith.addi %mul3A_372, %add3A_373 : i32
      %broadcast_in_dim3A_375 = arith.constant 0 : i32
      %broadcast_in_dim3A_376 = vector.broadcast %broadcast_in_dim3A_375 : i32 to vector<16xi32>
      %add3A_377 = vector.broadcast %add3A_374 : i32 to vector<16xi32>
      %add3A_378 = arith.addi %broadcast_in_dim3A_376, %add3A_377 : vector<16xi32>
      %broadcast_in_dim3A_379 = arith.constant 0 : i32
      %broadcast_in_dim3A_380 = vector.broadcast %broadcast_in_dim3A_379 : i32 to vector<16xi32>
      %slice3A_381 = vector.extract_strided_slice %get3A_299 {offsets = [5], sizes = [1], strides = [1]} : vector<16xi32> to vector<1xi32>
      %squeeze3A_382 = vector.extract %slice3A_381[0] : i32 from vector<1xi32>
      %add3A_383 = vector.broadcast %squeeze3A_382 : i32 to vector<16xi32>
      %add3A_384 = arith.addi %broadcast_in_dim3A_380, %add3A_383 : vector<16xi32>
      %gather3A_385 = tpu.vector_load_idx %arg14[%iota3A, %add3A_384] : memref<16x1000xf32, #tpu.memory_space<vmem>>[vector<16xi32>, vector<16xi32>], vector<16xf32>,
      tpu.vector_store_idx %arg13[%iota3A, %add3A_378], %gather3A_385 : memref<16x128xf32, #tpu.memory_space<vmem>>[vector<16xi32>, vector<16xi32>], vector<16xf32>,
      %mul3A_386 = arith.constant 16 : i32
      %mul3A_387 = arith.muli %scan3A_296, %mul3A_386 : i32
      %add3A_388 = arith.constant 6 : i32
      %add3A_389 = arith.addi %mul3A_387, %add3A_388 : i32
      %broadcast_in_dim3A_390 = arith.constant 0 : i32
      %broadcast_in_dim3A_391 = vector.broadcast %broadcast_in_dim3A_390 : i32 to vector<16xi32>
      %add3A_392 = vector.broadcast %add3A_389 : i32 to vector<16xi32>
      %add3A_393 = arith.addi %broadcast_in_dim3A_391, %add3A_392 : vector<16xi32>
      %broadcast_in_dim3A_394 = arith.constant 0 : i32
      %broadcast_in_dim3A_395 = vector.broadcast %broadcast_in_dim3A_394 : i32 to vector<16xi32>
      %slice3A_396 = vector.extract_strided_slice %get3A_299 {offsets = [6], sizes = [1], strides = [1]} : vector<16xi32> to vector<1xi32>
      %squeeze3A_397 = vector.extract %slice3A_396[0] : i32 from vector<1xi32>
      %add3A_398 = vector.broadcast %squeeze3A_397 : i32 to vector<16xi32>
      %add3A_399 = arith.addi %broadcast_in_dim3A_395, %add3A_398 : vector<16xi32>
      %gather3A_400 = tpu.vector_load_idx %arg14[%iota3A, %add3A_399] : memref<16x1000xf32, #tpu.memory_space<vmem>>[vector<16xi32>, vector<16xi32>], vector<16xf32>,
      tpu.vector_store_idx %arg13[%iota3A, %add3A_393], %gather3A_400 : memref<16x128xf32, #tpu.memory_space<vmem>>[vector<16xi32>, vector<16xi32>], vector<16xf32>,
      %mul3A_401 = arith.constant 16 : i32
      %mul3A_402 = arith.muli %scan3A_296, %mul3A_401 : i32
      %add3A_403 = arith.constant 7 : i32
      %add3A_404 = arith.addi %mul3A_402, %add3A_403 : i32
      %broadcast_in_dim3A_405 = arith.constant 0 : i32
      %broadcast_in_dim3A_406 = vector.broadcast %broadcast_in_dim3A_405 : i32 to vector<16xi32>
      %add3A_407 = vector.broadcast %add3A_404 : i32 to vector<16xi32>
      %add3A_408 = arith.addi %broadcast_in_dim3A_406, %add3A_407 : vector<16xi32>
      %broadcast_in_dim3A_409 = arith.constant 0 : i32
      %broadcast_in_dim3A_410 = vector.broadcast %broadcast_in_dim3A_409 : i32 to vector<16xi32>
      %slice3A_411 = vector.extract_strided_slice %get3A_299 {offsets = [7], sizes = [1], strides = [1]} : vector<16xi32> to vector<1xi32>
      %squeeze3A_412 = vector.extract %slice3A_411[0] : i32 from vector<1xi32>
      %add3A_413 = vector.broadcast %squeeze3A_412 : i32 to vector<16xi32>
      %add3A_414 = arith.addi %broadcast_in_dim3A_410, %add3A_413 : vector<16xi32>
      %gather3A_415 = tpu.vector_load_idx %arg14[%iota3A, %add3A_414] : memref<16x1000xf32, #tpu.memory_space<vmem>>[vector<16xi32>, vector<16xi32>], vector<16xf32>,
      tpu.vector_store_idx %arg13[%iota3A, %add3A_408], %gather3A_415 : memref<16x128xf32, #tpu.memory_space<vmem>>[vector<16xi32>, vector<16xi32>], vector<16xf32>,
      %mul3A_416 = arith.constant 16 : i32
      %mul3A_417 = arith.muli %scan3A_296, %mul3A_416 : i32
      %add3A_418 = arith.constant 8 : i32
      %add3A_419 = arith.addi %mul3A_417, %add3A_418 : i32
      %broadcast_in_dim3A_420 = arith.constant 0 : i32
      %broadcast_in_dim3A_421 = vector.broadcast %broadcast_in_dim3A_420 : i32 to vector<16xi32>
      %add3A_422 = vector.broadcast %add3A_419 : i32 to vector<16xi32>
      %add3A_423 = arith.addi %broadcast_in_dim3A_421, %add3A_422 : vector<16xi32>
      %broadcast_in_dim3A_424 = arith.constant 0 : i32
      %broadcast_in_dim3A_425 = vector.broadcast %broadcast_in_dim3A_424 : i32 to vector<16xi32>
      %slice3A_426 = vector.extract_strided_slice %get3A_299 {offsets = [8], sizes = [1], strides = [1]} : vector<16xi32> to vector<1xi32>
      %squeeze3A_427 = vector.extract %slice3A_426[0] : i32 from vector<1xi32>
      %add3A_428 = vector.broadcast %squeeze3A_427 : i32 to vector<16xi32>
      %add3A_429 = arith.addi %broadcast_in_dim3A_425, %add3A_428 : vector<16xi32>
      %gather3A_430 = tpu.vector_load_idx %arg14[%iota3A, %add3A_429] : memref<16x1000xf32, #tpu.memory_space<vmem>>[vector<16xi32>, vector<16xi32>], vector<16xf32>,
      tpu.vector_store_idx %arg13[%iota3A, %add3A_423], %gather3A_430 : memref<16x128xf32, #tpu.memory_space<vmem>>[vector<16xi32>, vector<16xi32>], vector<16xf32>,
      %mul3A_431 = arith.constant 16 : i32
      %mul3A_432 = arith.muli %scan3A_296, %mul3A_431 : i32
      %add3A_433 = arith.constant 9 : i32
      %add3A_434 = arith.addi %mul3A_432, %add3A_433 : i32
      %broadcast_in_dim3A_435 = arith.constant 0 : i32
      %broadcast_in_dim3A_436 = vector.broadcast %broadcast_in_dim3A_435 : i32 to vector<16xi32>
      %add3A_437 = vector.broadcast %add3A_434 : i32 to vector<16xi32>
      %add3A_438 = arith.addi %broadcast_in_dim3A_436, %add3A_437 : vector<16xi32>
      %broadcast_in_dim3A_439 = arith.constant 0 : i32
      %broadcast_in_dim3A_440 = vector.broadcast %broadcast_in_dim3A_439 : i32 to vector<16xi32>
      %slice3A_441 = vector.extract_strided_slice %get3A_299 {offsets = [9], sizes = [1], strides = [1]} : vector<16xi32> to vector<1xi32>
      %squeeze3A_442 = vector.extract %slice3A_441[0] : i32 from vector<1xi32>
      %add3A_443 = vector.broadcast %squeeze3A_442 : i32 to vector<16xi32>
      %add3A_444 = arith.addi %broadcast_in_dim3A_440, %add3A_443 : vector<16xi32>
      %gather3A_445 = tpu.vector_load_idx %arg14[%iota3A, %add3A_444] : memref<16x1000xf32, #tpu.memory_space<vmem>>[vector<16xi32>, vector<16xi32>], vector<16xf32>,
      tpu.vector_store_idx %arg13[%iota3A, %add3A_438], %gather3A_445 : memref<16x128xf32, #tpu.memory_space<vmem>>[vector<16xi32>, vector<16xi32>], vector<16xf32>,
      %mul3A_446 = arith.constant 16 : i32
      %mul3A_447 = arith.muli %scan3A_296, %mul3A_446 : i32
      %add3A_448 = arith.constant 10 : i32
      %add3A_449 = arith.addi %mul3A_447, %add3A_448 : i32
      %broadcast_in_dim3A_450 = arith.constant 0 : i32
      %broadcast_in_dim3A_451 = vector.broadcast %broadcast_in_dim3A_450 : i32 to vector<16xi32>
      %add3A_452 = vector.broadcast %add3A_449 : i32 to vector<16xi32>
      %add3A_453 = arith.addi %broadcast_in_dim3A_451, %add3A_452 : vector<16xi32>
      %broadcast_in_dim3A_454 = arith.constant 0 : i32
      %broadcast_in_dim3A_455 = vector.broadcast %broadcast_in_dim3A_454 : i32 to vector<16xi32>
      %slice3A_456 = vector.extract_strided_slice %get3A_299 {offsets = [10], sizes = [1], strides = [1]} : vector<16xi32> to vector<1xi32>
      %squeeze3A_457 = vector.extract %slice3A_456[0] : i32 from vector<1xi32>
      %add3A_458 = vector.broadcast %squeeze3A_457 : i32 to vector<16xi32>
      %add3A_459 = arith.addi %broadcast_in_dim3A_455, %add3A_458 : vector<16xi32>
      %gather3A_460 = tpu.vector_load_idx %arg14[%iota3A, %add3A_459] : memref<16x1000xf32, #tpu.memory_space<vmem>>[vector<16xi32>, vector<16xi32>], vector<16xf32>,
      tpu.vector_store_idx %arg13[%iota3A, %add3A_453], %gather3A_460 : memref<16x128xf32, #tpu.memory_space<vmem>>[vector<16xi32>, vector<16xi32>], vector<16xf32>,
      %mul3A_461 = arith.constant 16 : i32
      %mul3A_462 = arith.muli %scan3A_296, %mul3A_461 : i32
      %add3A_463 = arith.constant 11 : i32
      %add3A_464 = arith.addi %mul3A_462, %add3A_463 : i32
      %broadcast_in_dim3A_465 = arith.constant 0 : i32
      %broadcast_in_dim3A_466 = vector.broadcast %broadcast_in_dim3A_465 : i32 to vector<16xi32>
      %add3A_467 = vector.broadcast %add3A_464 : i32 to vector<16xi32>
      %add3A_468 = arith.addi %broadcast_in_dim3A_466, %add3A_467 : vector<16xi32>
      %broadcast_in_dim3A_469 = arith.constant 0 : i32
      %broadcast_in_dim3A_470 = vector.broadcast %broadcast_in_dim3A_469 : i32 to vector<16xi32>
      %slice3A_471 = vector.extract_strided_slice %get3A_299 {offsets = [11], sizes = [1], strides = [1]} : vector<16xi32> to vector<1xi32>
      %squeeze3A_472 = vector.extract %slice3A_471[0] : i32 from vector<1xi32>
      %add3A_473 = vector.broadcast %squeeze3A_472 : i32 to vector<16xi32>
      %add3A_474 = arith.addi %broadcast_in_dim3A_470, %add3A_473 : vector<16xi32>
      %gather3A_475 = tpu.vector_load_idx %arg14[%iota3A, %add3A_474] : memref<16x1000xf32, #tpu.memory_space<vmem>>[vector<16xi32>, vector<16xi32>], vector<16xf32>,
      tpu.vector_store_idx %arg13[%iota3A, %add3A_468], %gather3A_475 : memref<16x128xf32, #tpu.memory_space<vmem>>[vector<16xi32>, vector<16xi32>], vector<16xf32>,
      %mul3A_476 = arith.constant 16 : i32
      %mul3A_477 = arith.muli %scan3A_296, %mul3A_476 : i32
      %add3A_478 = arith.constant 12 : i32
      %add3A_479 = arith.addi %mul3A_477, %add3A_478 : i32
      %broadcast_in_dim3A_480 = arith.constant 0 : i32
      %broadcast_in_dim3A_481 = vector.broadcast %broadcast_in_dim3A_480 : i32 to vector<16xi32>
      %add3A_482 = vector.broadcast %add3A_479 : i32 to vector<16xi32>
      %add3A_483 = arith.addi %broadcast_in_dim3A_481, %add3A_482 : vector<16xi32>
      %broadcast_in_dim3A_484 = arith.constant 0 : i32
      %broadcast_in_dim3A_485 = vector.broadcast %broadcast_in_dim3A_484 : i32 to vector<16xi32>
      %slice3A_486 = vector.extract_strided_slice %get3A_299 {offsets = [12], sizes = [1], strides = [1]} : vector<16xi32> to vector<1xi32>
      %squeeze3A_487 = vector.extract %slice3A_486[0] : i32 from vector<1xi32>
      %add3A_488 = vector.broadcast %squeeze3A_487 : i32 to vector<16xi32>
      %add3A_489 = arith.addi %broadcast_in_dim3A_485, %add3A_488 : vector<16xi32>
      %gather3A_490 = tpu.vector_load_idx %arg14[%iota3A, %add3A_489] : memref<16x1000xf32, #tpu.memory_space<vmem>>[vector<16xi32>, vector<16xi32>], vector<16xf32>,
      tpu.vector_store_idx %arg13[%iota3A, %add3A_483], %gather3A_490 : memref<16x128xf32, #tpu.memory_space<vmem>>[vector<16xi32>, vector<16xi32>], vector<16xf32>,
      %mul3A_491 = arith.constant 16 : i32
      %mul3A_492 = arith.muli %scan3A_296, %mul3A_491 : i32
      %add3A_493 = arith.constant 13 : i32
      %add3A_494 = arith.addi %mul3A_492, %add3A_493 : i32
      %broadcast_in_dim3A_495 = arith.constant 0 : i32
      %broadcast_in_dim3A_496 = vector.broadcast %broadcast_in_dim3A_495 : i32 to vector<16xi32>
      %add3A_497 = vector.broadcast %add3A_494 : i32 to vector<16xi32>
      %add3A_498 = arith.addi %broadcast_in_dim3A_496, %add3A_497 : vector<16xi32>
      %broadcast_in_dim3A_499 = arith.constant 0 : i32
      %broadcast_in_dim3A_500 = vector.broadcast %broadcast_in_dim3A_499 : i32 to vector<16xi32>
      %slice3A_501 = vector.extract_strided_slice %get3A_299 {offsets = [13], sizes = [1], strides = [1]} : vector<16xi32> to vector<1xi32>
      %squeeze3A_502 = vector.extract %slice3A_501[0] : i32 from vector<1xi32>
      %add3A_503 = vector.broadcast %squeeze3A_502 : i32 to vector<16xi32>
      %add3A_504 = arith.addi %broadcast_in_dim3A_500, %add3A_503 : vector<16xi32>
      %gather3A_505 = tpu.vector_load_idx %arg14[%iota3A, %add3A_504] : memref<16x1000xf32, #tpu.memory_space<vmem>>[vector<16xi32>, vector<16xi32>], vector<16xf32>,
      tpu.vector_store_idx %arg13[%iota3A, %add3A_498], %gather3A_505 : memref<16x128xf32, #tpu.memory_space<vmem>>[vector<16xi32>, vector<16xi32>], vector<16xf32>,
      %mul3A_506 = arith.constant 16 : i32
      %mul3A_507 = arith.muli %scan3A_296, %mul3A_506 : i32
      %add3A_508 = arith.constant 14 : i32
      %add3A_509 = arith.addi %mul3A_507, %add3A_508 : i32
      %broadcast_in_dim3A_510 = arith.constant 0 : i32
      %broadcast_in_dim3A_511 = vector.broadcast %broadcast_in_dim3A_510 : i32 to vector<16xi32>
      %add3A_512 = vector.broadcast %add3A_509 : i32 to vector<16xi32>
      %add3A_513 = arith.addi %broadcast_in_dim3A_511, %add3A_512 : vector<16xi32>
      %broadcast_in_dim3A_514 = arith.constant 0 : i32
      %broadcast_in_dim3A_515 = vector.broadcast %broadcast_in_dim3A_514 : i32 to vector<16xi32>
      %slice3A_516 = vector.extract_strided_slice %get3A_299 {offsets = [14], sizes = [1], strides = [1]} : vector<16xi32> to vector<1xi32>
      %squeeze3A_517 = vector.extract %slice3A_516[0] : i32 from vector<1xi32>
      %add3A_518 = vector.broadcast %squeeze3A_517 : i32 to vector<16xi32>
      %add3A_519 = arith.addi %broadcast_in_dim3A_515, %add3A_518 : vector<16xi32>
      %gather3A_520 = tpu.vector_load_idx %arg14[%iota3A, %add3A_519] : memref<16x1000xf32, #tpu.memory_space<vmem>>[vector<16xi32>, vector<16xi32>], vector<16xf32>,
      tpu.vector_store_idx %arg13[%iota3A, %add3A_513], %gather3A_520 : memref<16x128xf32, #tpu.memory_space<vmem>>[vector<16xi32>, vector<16xi32>], vector<16xf32>,
      %mul3A_521 = arith.constant 16 : i32
      %mul3A_522 = arith.muli %scan3A_296, %mul3A_521 : i32
      %add3A_523 = arith.constant 15 : i32
      %add3A_524 = arith.addi %mul3A_522, %add3A_523 : i32
      %broadcast_in_dim3A_525 = arith.constant 0 : i32
      %broadcast_in_dim3A_526 = vector.broadcast %broadcast_in_dim3A_525 : i32 to vector<16xi32>
      %add3A_527 = vector.broadcast %add3A_524 : i32 to vector<16xi32>
      %add3A_528 = arith.addi %broadcast_in_dim3A_526, %add3A_527 : vector<16xi32>
      %broadcast_in_dim3A_529 = arith.constant 0 : i32
      %broadcast_in_dim3A_530 = vector.broadcast %broadcast_in_dim3A_529 : i32 to vector<16xi32>
      %slice3A_531 = vector.extract_strided_slice %get3A_299 {offsets = [15], sizes = [1], strides = [1]} : vector<16xi32> to vector<1xi32>
      %squeeze3A_532 = vector.extract %slice3A_531[0] : i32 from vector<1xi32>
      %add3A_533 = vector.broadcast %squeeze3A_532 : i32 to vector<16xi32>
      %add3A_534 = arith.addi %broadcast_in_dim3A_530, %add3A_533 : vector<16xi32>
      %gather3A_535 = tpu.vector_load_idx %arg14[%iota3A, %add3A_534] : memref<16x1000xf32, #tpu.memory_space<vmem>>[vector<16xi32>, vector<16xi32>], vector<16xf32>,
      tpu.vector_store_idx %arg13[%iota3A, %add3A_528], %gather3A_535 : memref<16x128xf32, #tpu.memory_space<vmem>>[vector<16xi32>, vector<16xi32>], vector<16xf32>,
    }
    %scan3A_292 = arith.constant 8 : i32
    %mul3A_293 = arith.constant 128 : i32
    %mul3A_294 = arith.muli %add3A, %mul3A_293 : i32
    %multiple_of3A_295 = tpu.assume_multiple %mul3A_294, 128 : i32
    "tpu.region"() ({
      %run_scoped3A = tpu.sem_alloc : memref<!tpu.dma_semaphore, #tpu.memory_space<semaphore_mem>>
      %dma_start3A_296 = arith.constant 0 : i32
      %dma_start3A_297 = tpu.memref_slice %arg7[%dma_start3A_296, %multiple_of3A_295] : memref<16x4096xf32, #tpu.memory_space<hbm>> -> memref<16x128xf32, #tpu.memory_space<hbm>>
      %dma_start3A_298 = arith.constant 0 : i32
      %dma_start3A_299 = tpu.memref_slice %arg7[%dma_start3A_298, %multiple_of3A_295] : memref<16x4096xf32, #tpu.memory_space<hbm>> -> memref<16x128xf32, #tpu.memory_space<hbm>>
      tpu.enqueue_dma source(%arg13 : memref<16x128xf32, #tpu.memory_space<vmem>>) target(%dma_start3A_299 : memref<16x128xf32, #tpu.memory_space<hbm>>) target_semaphore(%run_scoped3A : memref<!tpu.dma_semaphore, #tpu.memory_space<semaphore_mem>>)
      %dma_wait3A_300 = arith.constant 0 : i32
      %dma_wait3A_301 = tpu.memref_slice %arg7[%dma_wait3A_300, %multiple_of3A_295] : memref<16x4096xf32, #tpu.memory_space<hbm>> -> memref<16x128xf32, #tpu.memory_space<hbm>>
      %dma_wait3A_302 = arith.constant 0 : i32
      %dma_wait3A_303 = tpu.memref_slice %arg7[%dma_wait3A_302, %multiple_of3A_295] : memref<16x4096xf32, #tpu.memory_space<hbm>> -> memref<16x128xf32, #tpu.memory_space<hbm>>
      tpu.wait_dma2 semaphore(%run_scoped3A : memref<!tpu.dma_semaphore, #tpu.memory_space<semaphore_mem>>) src(%arg13 : memref<16x128xf32, #tpu.memory_space<vmem>>) dst(%dma_wait3A_303 : memref<16x128xf32, #tpu.memory_space<hbm>>)
      tpu.yield
    }) : () -> ()
    return
  }
}

module attributes {stable_mosaic.version = 14 : i64} {
  func.func @_repack_tc_body(%arg0: i32, %arg1: memref<64x16384xf32, #tpu.memory_space<vmem>>, %arg2: memref<8192x128xf32, #tpu.memory_space<vmem>>) attributes {dimension_semantics = [#tpu.dimension_semantics<arbitrary>], iteration_bounds = array<i64: 62>, scalar_prefetch = 0 : i64, scratch_operands = 0 : i64, tpu.core_type = #tpu.core_type<tc>, window_params = [{transform_indices = @transform_0, window_bounds = array<i64: 64, 16384>}, {transform_indices = @transform_1, window_bounds = array<i64: 8192, 128>}]} {
    %get3A = arith.constant 0 : index
    %get3A_0 = arith.constant 0 : index
    %get3A_1 = vector.load %arg1[%get3A, %get3A_0] : memref<64x16384xf32, #tpu.memory_space<vmem>>, vector<64x2048xf32>
    %slice3A = vector.extract_strided_slice %get3A_1 {offsets = [0, 0], sizes = [64, 1024], strides = [1, 1]} : vector<64x2048xf32> to vector<64x1024xf32>
    %slice3A_2 = vector.extract_strided_slice %get3A_1 {offsets = [0, 1024], sizes = [64, 1024], strides = [1, 1]} : vector<64x2048xf32> to vector<64x1024xf32>
    %concatenate3A = tpu.concatenate %slice3A, %slice3A_2 in 0 : vector<64x1024xf32>, vector<64x1024xf32> -> vector<128x1024xf32>
    %transpose3A = tpu.transpose %concatenate3A, [1, 0] : vector<128x1024xf32> -> vector<1024x128xf32>
    %swap3A = arith.constant 0 : index
    %swap3A_3 = arith.constant 0 : index
    %swap3A_4 = vector.load %arg2[%swap3A, %swap3A_3] : memref<8192x128xf32, #tpu.memory_space<vmem>>, vector<1024x128xf32>
    tpu.vector_store %arg2[%swap3A, %swap3A_3], %transpose3A {strides = array<i32>} : memref<8192x128xf32, #tpu.memory_space<vmem>>, vector<1024x128xf32>,
    %get3A_5 = arith.constant 0 : index
    %get3A_6 = arith.constant 2048 : index
    %get3A_7 = vector.load %arg1[%get3A_5, %get3A_6] : memref<64x16384xf32, #tpu.memory_space<vmem>>, vector<64x2048xf32>
    %slice3A_8 = vector.extract_strided_slice %get3A_7 {offsets = [0, 0], sizes = [64, 1024], strides = [1, 1]} : vector<64x2048xf32> to vector<64x1024xf32>
    %slice3A_9 = vector.extract_strided_slice %get3A_7 {offsets = [0, 1024], sizes = [64, 1024], strides = [1, 1]} : vector<64x2048xf32> to vector<64x1024xf32>
    %concatenate3A_10 = tpu.concatenate %slice3A_8, %slice3A_9 in 0 : vector<64x1024xf32>, vector<64x1024xf32> -> vector<128x1024xf32>
    %transpose3A_11 = tpu.transpose %concatenate3A_10, [1, 0] : vector<128x1024xf32> -> vector<1024x128xf32>
    %swap3A_12 = arith.constant 1024 : index
    %swap3A_13 = arith.constant 0 : index
    %swap3A_14 = vector.load %arg2[%swap3A_12, %swap3A_13] : memref<8192x128xf32, #tpu.memory_space<vmem>>, vector<1024x128xf32>
    tpu.vector_store %arg2[%swap3A_12, %swap3A_13], %transpose3A_11 {strides = array<i32>} : memref<8192x128xf32, #tpu.memory_space<vmem>>, vector<1024x128xf32>,
    %get3A_15 = arith.constant 0 : index
    %get3A_16 = arith.constant 4096 : index
    %get3A_17 = vector.load %arg1[%get3A_15, %get3A_16] : memref<64x16384xf32, #tpu.memory_space<vmem>>, vector<64x2048xf32>
    %slice3A_18 = vector.extract_strided_slice %get3A_17 {offsets = [0, 0], sizes = [64, 1024], strides = [1, 1]} : vector<64x2048xf32> to vector<64x1024xf32>
    %slice3A_19 = vector.extract_strided_slice %get3A_17 {offsets = [0, 1024], sizes = [64, 1024], strides = [1, 1]} : vector<64x2048xf32> to vector<64x1024xf32>
    %concatenate3A_20 = tpu.concatenate %slice3A_18, %slice3A_19 in 0 : vector<64x1024xf32>, vector<64x1024xf32> -> vector<128x1024xf32>
    %transpose3A_21 = tpu.transpose %concatenate3A_20, [1, 0] : vector<128x1024xf32> -> vector<1024x128xf32>
    %swap3A_22 = arith.constant 2048 : index
    %swap3A_23 = arith.constant 0 : index
    %swap3A_24 = vector.load %arg2[%swap3A_22, %swap3A_23] : memref<8192x128xf32, #tpu.memory_space<vmem>>, vector<1024x128xf32>
    tpu.vector_store %arg2[%swap3A_22, %swap3A_23], %transpose3A_21 {strides = array<i32>} : memref<8192x128xf32, #tpu.memory_space<vmem>>, vector<1024x128xf32>,
    %get3A_25 = arith.constant 0 : index
    %get3A_26 = arith.constant 6144 : index
    %get3A_27 = vector.load %arg1[%get3A_25, %get3A_26] : memref<64x16384xf32, #tpu.memory_space<vmem>>, vector<64x2048xf32>
    %slice3A_28 = vector.extract_strided_slice %get3A_27 {offsets = [0, 0], sizes = [64, 1024], strides = [1, 1]} : vector<64x2048xf32> to vector<64x1024xf32>
    %slice3A_29 = vector.extract_strided_slice %get3A_27 {offsets = [0, 1024], sizes = [64, 1024], strides = [1, 1]} : vector<64x2048xf32> to vector<64x1024xf32>
    %concatenate3A_30 = tpu.concatenate %slice3A_28, %slice3A_29 in 0 : vector<64x1024xf32>, vector<64x1024xf32> -> vector<128x1024xf32>
    %transpose3A_31 = tpu.transpose %concatenate3A_30, [1, 0] : vector<128x1024xf32> -> vector<1024x128xf32>
    %swap3A_32 = arith.constant 3072 : index
    %swap3A_33 = arith.constant 0 : index
    %swap3A_34 = vector.load %arg2[%swap3A_32, %swap3A_33] : memref<8192x128xf32, #tpu.memory_space<vmem>>, vector<1024x128xf32>
    tpu.vector_store %arg2[%swap3A_32, %swap3A_33], %transpose3A_31 {strides = array<i32>} : memref<8192x128xf32, #tpu.memory_space<vmem>>, vector<1024x128xf32>,
    %get3A_35 = arith.constant 0 : index
    %get3A_36 = arith.constant 8192 : index
    %get3A_37 = vector.load %arg1[%get3A_35, %get3A_36] : memref<64x16384xf32, #tpu.memory_space<vmem>>, vector<64x2048xf32>
    %slice3A_38 = vector.extract_strided_slice %get3A_37 {offsets = [0, 0], sizes = [64, 1024], strides = [1, 1]} : vector<64x2048xf32> to vector<64x1024xf32>
    %slice3A_39 = vector.extract_strided_slice %get3A_37 {offsets = [0, 1024], sizes = [64, 1024], strides = [1, 1]} : vector<64x2048xf32> to vector<64x1024xf32>
    %concatenate3A_40 = tpu.concatenate %slice3A_38, %slice3A_39 in 0 : vector<64x1024xf32>, vector<64x1024xf32> -> vector<128x1024xf32>
    %transpose3A_41 = tpu.transpose %concatenate3A_40, [1, 0] : vector<128x1024xf32> -> vector<1024x128xf32>
    %swap3A_42 = arith.constant 4096 : index
    %swap3A_43 = arith.constant 0 : index
    %swap3A_44 = vector.load %arg2[%swap3A_42, %swap3A_43] : memref<8192x128xf32, #tpu.memory_space<vmem>>, vector<1024x128xf32>
    tpu.vector_store %arg2[%swap3A_42, %swap3A_43], %transpose3A_41 {strides = array<i32>} : memref<8192x128xf32, #tpu.memory_space<vmem>>, vector<1024x128xf32>,
    %get3A_45 = arith.constant 0 : index
    %get3A_46 = arith.constant 10240 : index
    %get3A_47 = vector.load %arg1[%get3A_45, %get3A_46] : memref<64x16384xf32, #tpu.memory_space<vmem>>, vector<64x2048xf32>
    %slice3A_48 = vector.extract_strided_slice %get3A_47 {offsets = [0, 0], sizes = [64, 1024], strides = [1, 1]} : vector<64x2048xf32> to vector<64x1024xf32>
    %slice3A_49 = vector.extract_strided_slice %get3A_47 {offsets = [0, 1024], sizes = [64, 1024], strides = [1, 1]} : vector<64x2048xf32> to vector<64x1024xf32>
    %concatenate3A_50 = tpu.concatenate %slice3A_48, %slice3A_49 in 0 : vector<64x1024xf32>, vector<64x1024xf32> -> vector<128x1024xf32>
    %transpose3A_51 = tpu.transpose %concatenate3A_50, [1, 0] : vector<128x1024xf32> -> vector<1024x128xf32>
    %swap3A_52 = arith.constant 5120 : index
    %swap3A_53 = arith.constant 0 : index
    %swap3A_54 = vector.load %arg2[%swap3A_52, %swap3A_53] : memref<8192x128xf32, #tpu.memory_space<vmem>>, vector<1024x128xf32>
    tpu.vector_store %arg2[%swap3A_52, %swap3A_53], %transpose3A_51 {strides = array<i32>} : memref<8192x128xf32, #tpu.memory_space<vmem>>, vector<1024x128xf32>,
    %get3A_55 = arith.constant 0 : index
    %get3A_56 = arith.constant 12288 : index
    %get3A_57 = vector.load %arg1[%get3A_55, %get3A_56] : memref<64x16384xf32, #tpu.memory_space<vmem>>, vector<64x2048xf32>
    %slice3A_58 = vector.extract_strided_slice %get3A_57 {offsets = [0, 0], sizes = [64, 1024], strides = [1, 1]} : vector<64x2048xf32> to vector<64x1024xf32>
    %slice3A_59 = vector.extract_strided_slice %get3A_57 {offsets = [0, 1024], sizes = [64, 1024], strides = [1, 1]} : vector<64x2048xf32> to vector<64x1024xf32>
    %concatenate3A_60 = tpu.concatenate %slice3A_58, %slice3A_59 in 0 : vector<64x1024xf32>, vector<64x1024xf32> -> vector<128x1024xf32>
    %transpose3A_61 = tpu.transpose %concatenate3A_60, [1, 0] : vector<128x1024xf32> -> vector<1024x128xf32>
    %swap3A_62 = arith.constant 6144 : index
    %swap3A_63 = arith.constant 0 : index
    %swap3A_64 = vector.load %arg2[%swap3A_62, %swap3A_63] : memref<8192x128xf32, #tpu.memory_space<vmem>>, vector<1024x128xf32>
    tpu.vector_store %arg2[%swap3A_62, %swap3A_63], %transpose3A_61 {strides = array<i32>} : memref<8192x128xf32, #tpu.memory_space<vmem>>, vector<1024x128xf32>,
    %get3A_65 = arith.constant 0 : index
    %get3A_66 = arith.constant 14336 : index
    %get3A_67 = vector.load %arg1[%get3A_65, %get3A_66] : memref<64x16384xf32, #tpu.memory_space<vmem>>, vector<64x2048xf32>
    %slice3A_68 = vector.extract_strided_slice %get3A_67 {offsets = [0, 0], sizes = [64, 1024], strides = [1, 1]} : vector<64x2048xf32> to vector<64x1024xf32>
    %slice3A_69 = vector.extract_strided_slice %get3A_67 {offsets = [0, 1024], sizes = [64, 1024], strides = [1, 1]} : vector<64x2048xf32> to vector<64x1024xf32>
    %concatenate3A_70 = tpu.concatenate %slice3A_68, %slice3A_69 in 0 : vector<64x1024xf32>, vector<64x1024xf32> -> vector<128x1024xf32>
    %transpose3A_71 = tpu.transpose %concatenate3A_70, [1, 0] : vector<128x1024xf32> -> vector<1024x128xf32>
    %swap3A_72 = arith.constant 7168 : index
    %swap3A_73 = arith.constant 0 : index
    %swap3A_74 = vector.load %arg2[%swap3A_72, %swap3A_73] : memref<8192x128xf32, #tpu.memory_space<vmem>>, vector<1024x128xf32>
    tpu.vector_store %arg2[%swap3A_72, %swap3A_73], %transpose3A_71 {strides = array<i32>} : memref<8192x128xf32, #tpu.memory_space<vmem>>, vector<1024x128xf32>,
    return
  }
  func.func @transform_0(%arg0: i32) -> (i32, i32) {
    %c0_i32 = arith.constant 0 : i32
    %c0_i32_0 = arith.constant 0 : i32
    return %c0_i32, %arg0 : i32, i32
  }
  func.func @transform_1(%arg0: i32) -> (i32, i32) {
    %c0_i32 = arith.constant 0 : i32
    %c0_i32_0 = arith.constant 0 : i32
    return %arg0, %c0_i32 : i32, i32
  }
}

</mosaic_0001>

<sc_bundles>
// kernel: kernel.4.cloned.1.call-start
scs
__scs_entry_jumppad:
0x0: {  	(pc) =	sbr.rel $0x88, $3  }
0x1: {  	(tag) =	ssettag $0x0;
	lr =	simm.s32 $0x1  }
0x2: {  	[smem:$0x3F9D] =	sst lr;
	_ =	strace $0xD0000000  }
0x3: {  	_ = 	snop  }
0x4: {  	_ = 	snop  }
0x5: {  	_ = 	snop  }
0x6: {  	_ = 	snop  }
0x7: {  	_ = 	snop  }
__scs_overlays_trampoline_lowered:
0x8: {  	[smem:$0x3FAC] =	sst s0  }
0x9: {  	[smem:$0x3FAD] =	sst s1  }
0xa: {  	[smem:$0x3FAE] =	sst s2  }
0xb: {  	[smem:$0x3FAF] =	sst s3  }
0xc: {  	[smem:$0x3FB0] =	sst s4  }
0xd: {  	[smem:$0x3FB1] =	sst s5  }
0xe: {  	[smem:$0x3FB2] =	sst s6  }
0xf: {  	[smem:$0x3FB3] =	sst s7  }
0x10: {  	[smem:$0x3FB4] =	sst s8  }
0x11: {  	[smem:$0x3FB5] =	sst s9;
	s0 =	simm.s32 @!p0 $0x0  }
0x12: {  	s1 =	sld [smem:$0x3F9B];
	s0 =	simm.s32 @p0 $0x1  }
0x13: {  	[smem:$0x3FB6] =	sst s0;
	s0 =	simm.s32 @!p1 $0x0  }
0x14: {  	s2 =	sld [smem:$0x3F9A];
	s0 =	simm.s32 @p1 $0x1  }
0x15: {  	[smem:$0x3FB7] =	sst s0;
	s0 =	simm.s32 @!p2 $0x0  }
0x16: {  	s3 =	sld [smem:$0x3FDB];
	s0 =	simm.s32 @p2 $0x1  }
0x17: {  	s4 =	simm.s32 $0x1BF5;
	[smem:$0x3FB9] =	sst s0  }
0x18: {  	s0 =	sld [smem:$0x3F9C];
	_ =	swait.ge [sflag:s4], $0x0  }
0x19: {  	s7 =	sld [smem:$0x3F9D]  }
0x1a: {  	s8 =	sadd.s32 $0xFFFFE003, lr  }
0x1b: {  	s9 =	sadd.s32 $0xFFFFFEF7, lr;
	s5 =	simm.s32 $0xFFFFFFFF;
	p2 =	slt.u32 s8, $0xFFFFF086  }
0x1c: {  	p1 =	slt.u32 s9, $0xF7A;
	s5 =	simm.s32 @!p2 $0x0  }
0x1d: {  	s5 =	simm.s32 @p1 $0x1;
	p0 =	seq.s32 s7, s2  }
0x1e: {  	s7 =	smul.u32 @!p0 $0xF7A, s2;
	p2 =	seq.s32 @!p0 s5, $0x0  }
0x1f: {  	s9 =	smul.u32 $0xF7A, s1;
	s8 =	simm.s32 @!p0 $0x1BF5;
	p2 =	por !p2, p0  }
0x20: {  	[sflag:s8] =	ssyncset.s32 @!p0 $0xFFFFF086;
	s6 =	sadd.s32 @!p0 s3, s7;
	s7 =	simm.s32 @!p0 $0x108  }
0x21: {  	s3 =	sadd.s32 s3, s9;
	s6 =	sadd.s32 @!p0 $0x88, s6;
	s7 =	simm.s32 @p2 $0x1082  }
0x22: {  	[simem:s7], [sflag:s8] =	dma.local @!p0 [hbm:s6], $0xF7A  }
0x23: {  	s9 =	sor.u32 $0xD0000000, s2;
	s6 =	simm.s32 $0x108;
	_ =	swait.ge @!p0 [sflag:s8], $0x0  }
0x24: {  	s3 =	sadd.s32 $0x88, s3;
	s6 =	simm.s32 @!p1 $0x1082;
	[sflag:s4] =	ssyncset.s32 $0xFFFFF086  }
0x25: {  	[simem:s6], [sflag:s4] =	dma.local [hbm:s3], $0xF7A  }
0x26: {  	[smem:$0x3F9D] =	sst s1;
	(tag) =	ssettag s2;
	_ =	strace s9  }
0x27: {  	s1 =	sld [smem:$0x3FAD]  }
0x28: {  	s2 =	sld [smem:$0x3FAE]  }
0x29: {  	s4 =	sld [smem:$0x3FB0]  }
0x2a: {  	p0 =	seq.s32 s5, $0x0;
	s5 =	sld [smem:$0x3FB1]  }
0x2b: {  	s6 =	sld [smem:$0x3FB2]  }
0x2c: {  	s7 =	sld [smem:$0x3FB3]  }
0x2d: {  	s3 =	simm.s32 $0x108;
	s8 =	sld [smem:$0x3FB4]  }
0x2e: {  	s3 =	simm.s32 @!p0 $0x1082;
	s9 =	sld [smem:$0x3FB5]  }
0x2f: {  	lr =	sadd.s32 s0, s3;
	s0 =	sld [smem:$0x3FAC]  }
0x30: {  	s3 =	sld [smem:$0x3FAF]  }
0x31: {  	[smem:$0x3FB8] =	sst s10  }
0x32: {  	s10 =	sld [smem:$0x3FB6];
	_ =	sdelay $0x3  }
0x33: {  	p0 =	seq.s32 s10, $0x1;
	s10 =	sld [smem:$0x3FB8];
	_ =	sdelay $0x3  }
0x34: {  	[smem:$0x3FB8] =	sst s10  }
0x35: {  	s10 =	sld [smem:$0x3FB7];
	_ =	sdelay $0x3  }
0x36: {  	p1 =	seq.s32 s10, $0x1;
	s10 =	sld [smem:$0x3FB8];
	_ =	sdelay $0x3  }
0x37: {  	[smem:$0x3FB8] =	sst s10  }
0x38: {  	s10 =	sld [smem:$0x3FB9]  }
0x39: {  	_ = 	snop;
	(pc) =	sbr.ind lr, $3  }
0x3a: {  	_ = 	snop  }
0x3b: {  	_ = 	snop  }
0x3c: {  	p2 =	seq.s32 s10, $0x1;
	s10 =	sld [smem:$0x3FB8]  }
0x3d: {  	_ =	shalt  }
0x3e: {  	_ =	shalt  }
0x3f: {  	_ =	shalt  }
0x40: {  	_ =	shalt  }
0x41: {  	_ =	shalt  }
0x42: {  	_ =	shalt  }
0x43: {  	_ =	shalt  }
0x44: {  	_ =	shalt  }
0x45: {  	_ =	shalt  }
0x46: {  	_ =	shalt  }
0x47: {  	_ =	shalt  }
0x48: {  	_ =	shalt  }
0x49: {  	_ =	shalt  }
0x4a: {  	_ =	shalt  }
0x4b: {  	_ =	shalt  }
0x4c: {  	_ =	shalt  }
0x4d: {  	_ =	shalt  }
0x4e: {  	_ =	shalt  }
0x4f: {  	_ =	shalt  }
0x50: {  	_ =	shalt  }
0x51: {  	_ =	shalt  }
0x52: {  	_ =	shalt  }
0x53: {  	_ =	shalt  }
0x54: {  	_ =	shalt  }
0x55: {  	_ =	shalt  }
0x56: {  	_ =	shalt  }
0x57: {  	_ =	shalt  }
0x58: {  	_ =	shalt  }
0x59: {  	_ =	shalt  }
0x5a: {  	_ =	shalt  }
0x5b: {  	_ =	shalt  }
0x5c: {  	_ =	shalt  }
0x5d: {  	_ =	shalt  }
0x5e: {  	_ =	shalt  }
0x5f: {  	_ =	shalt  }
0x60: {  	_ =	shalt  }
0x61: {  	_ =	shalt  }
0x62: {  	_ =	shalt  }
0x63: {  	_ =	shalt  }
0x64: {  	_ =	shalt  }
0x65: {  	_ =	shalt  }
0x66: {  	_ =	shalt  }
0x67: {  	_ =	shalt  }
0x68: {  	_ =	shalt  }
0x69: {  	_ =	shalt  }
0x6a: {  	_ =	shalt  }
0x6b: {  	_ =	shalt  }
0x6c: {  	_ =	shalt  }
0x6d: {  	_ =	shalt  }
0x6e: {  	_ =	shalt  }
0x6f: {  	_ =	shalt  }
0x70: {  	_ =	shalt  }
0x71: {  	_ =	shalt  }
0x72: {  	_ =	shalt  }
0x73: {  	_ =	shalt  }
0x74: {  	_ =	shalt  }
0x75: {  	_ =	shalt  }
0x76: {  	_ =	shalt  }
0x77: {  	_ =	shalt  }
0x78: {  	_ =	shalt  }
0x79: {  	_ =	shalt  }
0x7a: {  	_ =	shalt  }
0x7b: {  	_ =	shalt  }
0x7c: {  	_ =	shalt  }
0x7d: {  	_ =	shalt  }
0x7e: {  	_ =	shalt  }
0x7f: {  	_ =	shalt  }
0x80: {  	_ =	shalt  }
0x81: {  	_ =	shalt  }
0x82: {  	_ =	shalt  }
0x83: {  	_ =	shalt  }
0x84: {  	_ =	shalt  }
0x85: {  	_ =	shalt  }
0x86: {  	_ =	shalt  }
0x87: {  	_ =	shalt  }
.Lfunc_end0:
.L_simem_size_0:
called_computation_lowered:
.L_overlay_start_0:
0x88: {  	s2 =	sld [smem:$0x3FD9]  }
0x89: {  	s3 =	sld [smem:$0x3FFE];
	_ =	sdelay $0x1  }
0x8a: {  	s1 =	srdreg.scid  }
0x8b: {  	s0 =	sand.u32 $0x1, s1  }
0x8c: {  	s14 =	sshll.u32 s0, $0xA;
	s2 =	sadd.s32 s3, s2  }
0x8d: {  	s2 =	sadd.s32 s2, s14  }
0x8e: {  	[smem:$0x3FC4] =	sst s2  }
0x8f: {  	_ = 	snop  }
0x90: {  	s2 =	sld [smem:$0x3FD0]  }
0x91: {  	s15 =	sld [smem:$0x3FC9]  }
0x92: {  	s4 =	sld [smem:$0x3FC8]  }
0x93: {  	s6 =	simm.s32 $0xA;
	s7 =	simm.s32 $0x10;
	s5 =	sld [smem:$0x3FC6]  }
0x94: {  	[smem:s7], [sflag:s6] =	dma.local [hbm:s2], $0x1  }
0x95: {  	_ =	swait.eq [sflag:s6], $0x1  }
0x96: {  	[sflag:s6] =	ssyncset.done $0x0  }
0x97: {  	s16 =	sld [smem:$0x10];
	[sflag:s6] =	ssyncadd.s32 $0xFFFFFFFF  }
0x98: {  	s17 =	sld [smem:$0x11];
	(tm) =	ssettm $0x1  }
0x99: {  	s18 =	sld [smem:$0x3FFB];
	_ =	sdelay $0x3  }
0x9a: {  	_ =	strace s18  }
0x9b: {  	s7 =	sld [smem:$0x3FFC];
	_ =	sdelay $0x3  }
0x9c: {  	_ =	strace s7  }
0x9d: {  	s7 =	sld [smem:$0x3FFD];
	_ =	sdelay $0x3  }
0x9e: {  	_ =	strace s7  }
0x9f: {  	_ =	strace $0x8FFFFFFF  }
0xa0: {  	s19 =	sld [smem:$0x3FDB];
	_ =	sdelay $0x1  }
0xa1: {  	s8 =	simm.s32 $_scs_section_size  }
0xa2: {  	s9 =	simm.s32 $_size__tile_overlayer_lowered;
	s10 =	simm.s32 $_tile_overlayer_lowered  }
0xa3: {  	s22 =	simm.s32 $0x1BFF;
	s21 =	sshll.u32 s10, $0x1;
	s7 =	sadd.s32 s8, s19  }
0xa4: {  	s11 =	simm.s32 $0x0;
	s20 =	sshll.u32 s9, $0x1;
	s9 =	sadd.s32 s21, s7  }
0xa5: {  	[timem:s11], [sflag:s22] =	dma.local [hbm:s9], s20  }
0xa6: {  	_ =	swait.ge [sflag:s22], s20  }
0xa7: {  	s8 =	ssub.s32 $0x0, s20;
	[sflag:s22] =	ssyncset.done $0x0  }
0xa8: {  	[sflag:s22] =	ssyncadd.s32 s8;
	_ =	sdelay $0x1  }
0xa9: {  	s23 =	simm.s32 $0x1B8B  }
0xaa: {  	_ =	swait.ge [sflag:s23], $0x1  }
0xab: {  	[sflag:s23] =	ssyncset.done $0x0  }
0xac: {  	s25 =	simm.s32 $0x1B8E;
	s24 =	sld [smem:$0x3FFE];
	[sflag:s23] =	ssyncadd.s32 $0xFFFFFFFF  }
0xad: {  	s26 =	simm.s32 $execute0_lowered;
	[smem:$0x3FD2] =	sst s25  }
0xae: {  	s9 =	sshll.u32 s26, $0x1;
	_ =	strace $0x80000046;
	[dreg:$0x1] =	wrdreg $0xFFFFFFFF  }
0xaf: {  	s28 =	simm.s32 $_size_execute0_lowered;
	s7 =	sadd.s32 s7, s9;
	[dreg:$0x0] =	wrdreg $0x0  }
0xb0: {  	s9 =	sshll.u32 s28, $0x1;
	[dreg:$0x2] =	wrdreg s7  }
0xb1: {  	[dreg:$0x3] =	wrdreg s9  }
0xb2: {  	[dreg:$0x4] =	wrdreg $0xC0  }
0xb3: {  	_ =	task [dreg:s11], $0x5FFFF  }
0xb4: {  	[dreg:$0x1] =	wrdreg $0xFFFFFFFF  }
0xb5: {  	[dreg:$0x0] =	wrdreg $0x60  }
0xb6: {  	[dreg:$0x2] =	wrdreg s15  }
0xb7: {  	[dreg:$0x3] =	wrdreg s4  }
0xb8: {  	[dreg:$0x4] =	wrdreg s24  }
0xb9: {  	[dreg:$0x5] =	wrdreg s5  }
0xba: {  	[dreg:$0x6] =	wrdreg s16  }
0xbb: {  	[dreg:$0x7] =	wrdreg s17  }
0xbc: {  	[dreg:$0x8] =	wrdreg $0x9  }
0xbd: {  	_ =	task.clear_ibuf [dreg:s11], $0x9FFFF;
	_ =	strace $0x90000046  }
0xbe: {  	s29 =	simm.s32 $0x9;
	_ =	strace $0x80000048  }
0xbf: {  	_ =	swait.ge [sflag:s29], $0x1  }
0xc0: {  	[sflag:s29] =	ssyncadd.s32 $0xFFFFFFFF  }
0xc1: {  	_ =	strace $0x90000048  }
0xc2: {  	_ =	sfence  }
0xc3: {  	s30 =	sld [smem:$0x0];
	_ =	sdelay $0x2  }
0xc4: {  	s31 =	sshll.u32 s1, $0xD;
	s1 =	sshrl.u32 s1, $0x2  }
0xc5: {  	s3 =	sand.u32 $0x4000, s31;
	s1 =	sadd.s32 s1, s30  }
0xc6: {  	s0 =	sor.u32 s3, s0;
	s1 =	sshll.u32 s1, $0x11  }
0xc7: {  	s0 =	sor.u32 s1, s0  }
0xc8: {  	s0 =	sadd.s32 $0x8F2B, s0  }
0xc9: {  	[sflag:s0] =	ssyncadd.remote.s32 $0x1  }
0xca: {  	_ =	sfence.sel $0xFFFF  }
0xcb: {  	[dreg:$0x0] =	wrdreg $0xFFFFFFFF;
	(pc) =	sbr.abs _section_cstart, $3  }
0xcc: {  	[dreg:$0x1] =	wrdreg $0xFFFFFFFF  }
0xcd: {  	_ =	task.clear_ibuf [dreg:s11], $0x2FFFF;
	_ =	strace $0x9FFFFFFF  }
0xce: {  	(tm) =	ssettm $0x7FFFFFFF  }
0xcf: {  	_ =	shalt  }
tec
execute0_lowered:
.L_overlay_start_1:
0x0: {  	(tag) =	ssettag $0x1  }
0x1: {  	s0 =	rddreg [dreg:$0x0]  }
0x2: {  	s1 =	rddreg [dreg:$0x1]  }
0x3: {  	s2 =	rddreg [dreg:$0x2]  }
0x4: {  	s3 =	rddreg [dreg:$0x4];
	s4 =	srdreg.scid  }
0x5: {  	s5 =	stileid.u32;
	s6 =	rddreg [dreg:$0x5]  }
0x6: {  	s8 =	simm.s32 $0x0;
	v0 =	vimm.s32 $0x2380;
	vm0 =	vcmask $0x300;
	s13 =	simm.s32 $0x9;
	s14 =	simm.s32 $0x1BA80  }
0x7: {  	vm14 =	vcmask $0x704;
	s16 =	simm.s32 $0x80;
	s28 =	simm.s32 $0x400;
	s29 =	simm.s32 $0x190000;
	v0 =	vsel vm0, $0x0, v0  }
0x8: {  	vm15 =	vcmask $0xB08;
	s30 =	simm.s32 $0x2;
	s31 =	simm.s32 $0x15200;
	s15 =	simm.s32 $0x19200;
	v0 =	vsel vm14, $0x80, v0  }
0x9: {  	vm4 =	vcmask $0xF0C;
	s4 =	sand.u32 $0x1, s4;
	s5 =	sshll.u32 s5, $0x1;
	[smem:$0x7FF] =	sst s8;
	v0 =	vsel vm15, $0x100, v0  }
0xa: {  	vm5 =	vcmask $0x1310;
	s7 =	sor.u32 s4, s5;
	s4 =	ssub.s32 $0x2, s4;
	_ =	strace $0x80000047;
	v0 =	vsel vm4, $0x180, v0  }
0xb: {  	vm6 =	vcmask $0x1714;
	s5 =	sadd.s32 $0x800, s2;
	s2 =	simm.s32 $0x3;
	s18 =	smul.u32 $0x320, s7;
	v0 =	vsel vm5, $0x200, v0  }
0xc: {  	vm7 =	vcmask $0x1B18;
	s9 =	sshrl.u32 s4, $0x1;
	s10 =	smul.u32 $0xC800, s7;
	s20 =	sshll.u32 s7, $0x4;
	v0 =	vsel vm6, $0x280, v0  }
0xd: {  	vm8 =	vcmask $0x1F1C;
	s8 =	smul.u32 $0x32, s7;
	s23 =	sshll.u32 s7, $0x7;
	s19 =	ssub.s32 s4, s9;
	v0 =	vsel vm7, $0x300, v0  }
0xe: {  	vm9 =	vcmask $0x2320;
	s21 =	sadd.s32 s1, s20;
	s25 =	sadd.s32 s6, s23;
	s20 =	simm.s32 $0x7200;
	v0 =	vsel vm8, $0x380, v0  }
0xf: {  	vm10 =	vcmask $0x2724;
	s1 =	simm.s32 $0x4;
	s4 =	simm.s32 $0x1B280;
	s6 =	simm.s32 $0x0;
	v0 =	vsel vm9, $0x2000, v0  }
0x10: {  	vm11 =	vcmask $0x2B28;
	s0 =	sadd.s32 s0, s18;
	[dreg:$0x8] =	wrdreg s21;
	s22 =	sshrl.u32 s10, $0x3;
	v0 =	vsel vm10, $0x2080, v0  }
0x11: {  	vm12 =	vcmask $0x2F2C;
	[dreg:$0xb] =	wrdreg s25;
	s26 =	smax.u32 s19, $0x1;
	s18 =	simm.s32 $0x3200;
	v0 =	vsel vm11, $0x2100, v0  }
0x12: {  	vm13 =	vcmask $0x3330;
	s25 =	simm.s32 $0x1;
	[dreg:$0x7] =	wrdreg s0;
	s0 =	sadd.s32 s3, s22;
	v0 =	vsel vm12, $0x2180, v0  }
0x13: {  	vm14 =	vcmask $0x3734;
	[dreg:$0xc] =	wrdreg s26;
	s22 =	simm.s32 $0xB200;
	s24 =	sadd.s32 $0x1800, s0;
	v1 =	vsel vm13, $0x2200, v0  }
0x14: {  	vm15 =	vcmask $0x3B38;
	s26 =	simm.s32 $0x13200;
	s0 =	sadd.s32 $0x1880, s0;
	[dreg:$0x9] =	wrdreg s24;
	v0 =	vlaneseq.u32;
	v1 =	vsel vm14, $0x2280, v1  }
0x15: {  	[dreg:$0xa] =	wrdreg s0;
	s24 =	simm.s32 $0xF200;
	s0 =	simm.s32 $0x17200;
	v2 =	vmul.u32 $0x80, v0;
	v1 =	vsel vm15, $0x2300, v1  }
.LBB2_1:
0x16: {  	s7 =	simm.s32 $0x0;
	s9 =	rddreg [dreg:$0x7]  }
0x17: {  	[tilespmem:s7], [sflag:$0x9] =	stream.linear.gather [hbm4b:s9+s7], $0x1900, $0x38;
	[tilespmem:$0x1FA80] =	vst v63  }
0x18: {  	_ =	swait.ge [sflag:s13], $0x1900  }
0x19: {  	[sflag:s13] =	ssyncset.done $0x0  }
0x1a: {  	s7 =	simm.s32 $0x0;
	[sflag:s13] =	ssyncadd.s32 $0xFFFFE700  }
0x1b: {  	s9 =	simm.s32 $0x40;
	v3 =	vld [tilespmem:s7+$0x0]  }
.LBB2_2:
0x1c: {  	_ =	sdelay $0x1  }
0x1d: {  	p0 =	sne.s32 s9, $0x63C0  }
.Ltmp0:
0x1e: {  	_ = 	snop;
	(pc) =	sbr.rel @p0 .LBB2_2-.Ltmp0, $4  }
0x1f: {  	v4 =	vshrl.u32 v3, $0x1  }
0x20: {  	v5 =	vand.u32 $0x3FF, v3;
	v4 =	vand.u32 $0x7FFFFC00, v4  }
0x21: {  	s10 =	sshra.s32 s9, $0x2;
	v4 =	vor.u32 v5, v4  }
0x22: {  	s9 =	sadd.s32 $0x40, s9;
	v3 =	vld [tilespmem:s10+$0x0];
	[tilespmem:s7+$0x1900] =	vst v4;
	s7 =	smov.u32 s10  }
0x23: {  	_ =	sdelay $0x3  }
0x24: {  	v4 =	vshrl.u32 v3, $0x1  }
0x25: {  	v3 =	vand.u32 $0x3FF, v3;
	v4 =	vand.u32 $0x7FFFFC00, v4  }
0x26: {  	v3 =	vor.u32 v3, v4  }
0x27: {  	s9 =	rddreg [dreg:$0x3];
	[tilespmem:s7+$0x1900] =	vst v3;
	s7 =	simm.s32 $0x0  }
0x28: {  	[tilespmem:s14], [sflag:$0x9] =	stream.linear.gather [hbm4b:s9+s7], $0x4000, $0x38;
	[tilespmem:$0x1FA80] =	vst v63  }
0x29: {  	_ =	swait.ge [sflag:s13], $0x4000  }
0x2a: {  	[sflag:s13] =	ssyncset.done $0x0  }
0x2b: {  	s10 =	simm.s32 $0x1B200;
	s12 =	rddreg [dreg:$0x8];
	[sflag:s13] =	ssyncadd.s32 $0xFFFFC000  }
0x2c: {  	[tilespmem:s10], [sflag:$0x9] =	stream.linear.gather [hbm4b:s12+s7], $0x80, $0x38;
	[tilespmem:$0x1FA80] =	vst v63  }
0x2d: {  	_ =	swait.ge [sflag:s13], $0x80  }
0x2e: {  	[sflag:s13] =	ssyncset.done $0x0  }
0x2f: {  	s17 =	simm.s32 $0x1900;
	[sflag:s13] =	ssyncadd.s32 $0xFFFFFF80  }
0x30: {  	[tilespmem:s18], [sflag:$0x1] =	stream.indirect.gather [hbm4b:s5+s16], $0x80, s17, s16, $0xb8;
	[tilespmem:$0x1FA80] =	vst v63  }
0x31: {  	s19 =	simm.s32 $0x1980  }
0x32: {  	[tilespmem:s20], [sflag:$0x2] =	stream.indirect.gather [hbm4b:s5+s16], $0x80, s19, s16, $0xb8;
	[tilespmem:$0x1FA80] =	vst v63  }
0x33: {  	s21 =	simm.s32 $0x1A00  }
0x34: {  	[tilespmem:s22], [sflag:$0x3] =	stream.indirect.gather [hbm4b:s5+s16], $0x80, s21, s16, $0xb8;
	[tilespmem:$0x1FA80] =	vst v63  }
0x35: {  	s23 =	simm.s32 $0x1A80  }
0x36: {  	[tilespmem:s24], [sflag:$0x4] =	stream.indirect.gather [hbm4b:s5+s16], $0x80, s23, s16, $0xb8;
	[tilespmem:$0x1FA80] =	vst v63  }
.LBB2_4:
0x37: {  	_ =	swait.ge [sflag:s25], $0x4000  }
0x38: {  	p0 =	seq.s32 s7, $0x0;
	[sflag:s25] =	ssyncset.done $0x0  }
0x39: {  	s11 =	simm.s32 @!p0 $0x5;
	[sflag:s25] =	ssyncadd.s32 $0xFFFFC000  }
0x3a: {  	s9 =	sshll.u32 s7, $0xB;
	_ =	swait.ge @!p0 [sflag:s11], $0x2000  }
0x3b: {  	s9 =	sshrl.u32 s9, $0x2;
	[sflag:s11] =	ssyncset.done @!p0 $0x0  }
0x3c: {  	s10 =	sshll.u32 s7, $0x2;
	v3 =	vmov s9;
	[sflag:s11] =	ssyncadd.s32 @!p0 $0xFFFFE000;
	s11 =	simm.s32 $0x0  }
.LBB2_5:
0x3d: {  	_ =	sdelay $0x2  }
0x3e: {  	s12 =	sshll.u32 s11, $0x4  }
0x3f: {  	v4 =	vld.idx.msk [tilespmem:v3+s12+$0x0 ss:$0x1], $0xffff;
	_ =	sdelay $0x4  }
0x40: {  	s17 =	simm.s32 $0x0;
	v5 =	vshrl.u32 v4, $0x4;
	v4 =	vor.u32 s12, v0  }
0x41: {  	v7 =	vadd.s32 s17, v0;
	v5 =	vand.u32 $0x40, v5;
	v6 =	vshll.u32 v4, $0x7  }
0x42: {  	v5 =	vor.u32 v6, v5;
	v6 =	vand.u32 $0x3F, v7  }
0x43: {  	v7 =	vor.u32 v6, v5;
	_ =	sdelay $0x2  }
0x44: {  	s19 =	simm.s32 $0x1  }
0x45: {  	v8 =	vadd.s32 s19, v0;
	v6 =	vshll.u32 v6, $0x7  }
0x46: {  	v8 =	vand.u32 $0x3F, v8;
	v6 =	vadd.s32 v4, v6;
	v7 =	vld.idx.msk [tilespmem:v7+s18+$0x0], $0xffff  }
0x47: {  	v9 =	vor.u32 v8, v5;
	_ =	sdelay $0x2  }
0x48: {  	s21 =	simm.s32 $0x2  }
0x49: {  	[tilespmem:v6+s26+$0x0] =	vst.idx.msk $0xffff, v7;
	v6 =	vshll.u32 v8, $0x7;
	v7 =	vadd.s32 s21, v0  }
0x4a: {  	v8 =	vld.idx.msk [tilespmem:v9+s18+$0x0], $0xffff;
	v6 =	vadd.s32 v4, v6;
	v7 =	vand.u32 $0x3F, v7  }
0x4b: {  	v9 =	vor.u32 v7, v5;
	_ =	sdelay $0x2  }
0x4c: {  	s23 =	simm.s32 $0x3  }
0x4d: {  	[tilespmem:v6+s26+$0x0] =	vst.idx.msk $0xffff, v8;
	v6 =	vshll.u32 v7, $0x7;
	v7 =	vadd.s32 s23, v0  }
0x4e: {  	v8 =	vld.idx.msk [tilespmem:v9+s18+$0x0], $0xffff;
	v6 =	vadd.s32 v4, v6;
	v9 =	vand.u32 $0x3F, v7  }
0x4f: {  	v10 =	vor.u32 v9, v5;
	_ =	sdelay $0x3  }
0x50: {  	s12 =	simm.s32 $0x4;
	[tilespmem:v6+s26+$0x0] =	vst.idx.msk $0xffff, v8  }
0x51: {  	s21 =	simm.s32 $0x8;
	v7 =	vadd.s32 s12, v0;
	v8 =	vshll.u32 v9, $0x7;
	v6 =	vld.idx.msk [tilespmem:v10+s18+$0x0], $0xffff  }
.LBB2_6:
0x52: {  	p1 =	sne.s32 s21, $0x3C;
	v7 =	vand.u32 $0x3F, v7;
	v8 =	vadd.s32 v4, v8  }
0x53: {  	v9 =	vor.u32 v7, v5;
	_ =	sdelay $0x3  }
0x54: {  	s17 =	sadd.s32 $0x1, s12;
	[tilespmem:v8+s26+$0x0] =	vst.idx.msk $0xffff, v6  }
0x55: {  	v7 =	vshll.u32 v7, $0x7;
	v8 =	vadd.s32 s17, v0;
	v6 =	vld.idx.msk [tilespmem:v9+s18+$0x0], $0xffff  }
0x56: {  	v7 =	vadd.s32 v4, v7;
	v8 =	vand.u32 $0x3F, v8  }
0x57: {  	v9 =	vor.u32 v8, v5;
	_ =	sdelay $0x3  }
0x58: {  	s17 =	sadd.s32 $0x2, s12;
	[tilespmem:v7+s26+$0x0] =	vst.idx.msk $0xffff, v6  }
0x59: {  	v7 =	vshll.u32 v8, $0x7;
	v8 =	vadd.s32 s17, v0;
	v6 =	vld.idx.msk [tilespmem:v9+s18+$0x0], $0xffff  }
0x5a: {  	v7 =	vadd.s32 v4, v7;
	v8 =	vand.u32 $0x3F, v8  }
0x5b: {  	v9 =	vor.u32 v8, v5;
	_ =	sdelay $0x3  }
0x5c: {  	s17 =	sadd.s32 $0x3, s12;
	s12 =	smov.u32 s21;
	[tilespmem:v7+s26+$0x0] =	vst.idx.msk $0xffff, v6  }
0x5d: {  	v7 =	vshll.u32 v8, $0x7;
	v8 =	vadd.s32 s17, v0;
	v6 =	vld.idx.msk [tilespmem:v9+s18+$0x0], $0xffff  }
0x5e: {  	v7 =	vadd.s32 v4, v7;
	v8 =	vand.u32 $0x3F, v8  }
0x5f: {  	v9 =	vor.u32 v8, v5  }
.Ltmp1:
0x60: {  	(pc) =	sbr.rel @p1 .LBB2_6-.Ltmp1, $3  }
0x61: {  	_ =	sdelay $0x1  }
0x62: {  	[tilespmem:v7+s26+$0x0] =	vst.idx.msk $0xffff, v6  }
0x63: {  	s21 =	sadd.s32 $0x4, s21;
	v8 =	vshll.u32 v8, $0x7;
	v7 =	vadd.s32 s12, v0;
	v6 =	vld.idx.msk [tilespmem:v9+s18+$0x0], $0xffff  }
0x64: {  	v7 =	vand.u32 $0x3F, v7;
	v8 =	vadd.s32 v4, v8  }
0x65: {  	v9 =	vor.u32 v7, v5;
	_ =	sdelay $0x2  }
0x66: {  	s17 =	sadd.s32 $0x1, s12  }
0x67: {  	v55 =	vshll.u32 v7, $0x7;
	v56 =	vadd.s32 s17, v0;
	[tilespmem:v8+s26+$0x0] =	vst.idx.msk $0xffff, v6  }
0x68: {  	v7 =	vand.u32 $0x3F, v56;
	v6 =	vadd.s32 v4, v55;
	v8 =	vld.idx.msk [tilespmem:v9+s18+$0x0], $0xffff  }
0x69: {  	v57 =	vor.u32 v7, v5;
	_ =	sdelay $0x2  }
0x6a: {  	s21 =	sadd.s32 $0x2, s12  }
0x6b: {  	v59 =	vadd.s32 s21, v0;
	v58 =	vshll.u32 v7, $0x7;
	[tilespmem:v6+s26+$0x0] =	vst.idx.msk $0xffff, v8  }
0x6c: {  	v7 =	vand.u32 $0x3F, v59;
	v6 =	vadd.s32 v4, v58;
	v8 =	vld.idx.msk [tilespmem:v57+s18+$0x0], $0xffff  }
0x6d: {  	v60 =	vor.u32 v7, v5;
	_ =	sdelay $0x2  }
0x6e: {  	s23 =	sadd.s32 $0x3, s12  }
0x6f: {  	v62 =	vadd.s32 s23, v0;
	v61 =	vshll.u32 v7, $0x7;
	[tilespmem:v6+s26+$0x0] =	vst.idx.msk $0xffff, v8  }
0x70: {  	v7 =	vand.u32 $0x3F, v62;
	v6 =	vadd.s32 v4, v61;
	v8 =	vld.idx.msk [tilespmem:v60+s18+$0x0], $0xffff  }
0x71: {  	v5 =	vor.u32 v7, v5;
	_ =	sdelay $0x3  }
0x72: {  	s11 =	sadd.s32 $0x1, s11;
	v63 =	vshll.u32 v7, $0x7;
	[tilespmem:v6+s26+$0x0] =	vst.idx.msk $0xffff, v8  }
0x73: {  	p1 =	sne.s32 s11, $0x8;
	v4 =	vadd.s32 v4, v63;
	v5 =	vld.idx.msk [tilespmem:v5+s18+$0x0], $0xffff  }
.Ltmp2:
0x74: {  	_ = 	snop;
	(pc) =	sbr.rel @p1 .LBB2_5-.Ltmp2, $2  }
0x75: {  	_ =	sdelay $0x2  }
0x76: {  	[tilespmem:v4+s26+$0x0] =	vst.idx.msk $0xffff, v5  }
0x77: {  	s11 =	sadd.s32 s8, s10  }
0x78: {  	s11 =	sshll.u32 s11, $0x7  }
0x79: {  	s11 =	sadd.s32 s3, s11  }
0x7a: {  	[hbm4b:s11+s28] =	stream.strided.scatter [tilespmem:s26], [sflag:$0x5], $0x2000, s29, s28, $0x38;
	[tilespmem:$0x1FA80] =	vst v63  }
0x7b: {  	s23 =	sadd.s32 $0x1B00, s9  }
0x7c: {  	[tilespmem:s18], [sflag:$0x1] =	stream.indirect.gather [hbm4b:s5+s16], $0x80, s23, s16, $0xb8;
	[tilespmem:$0x1FA80] =	vst v63  }
0x7d: {  	_ =	swait.ge [sflag:s30], $0x4000  }
0x7e: {  	[sflag:s30] =	ssyncset.done $0x0  }
0x7f: {  	s12 =	simm.s32 @!p0 $0x6;
	s11 =	sor.u32 $0x1, s10;
	[sflag:s30] =	ssyncadd.s32 $0xFFFFC000  }
0x80: {  	s17 =	sshll.u32 s11, $0x7;
	_ =	swait.ge @!p0 [sflag:s12], $0x2000  }
0x81: {  	s17 =	sand.u32 $0x3FFFFF80, s17;
	[sflag:s12] =	ssyncset.done @!p0 $0x0  }
0x82: {  	s21 =	simm.s32 $0x0;
	v3 =	vmov s17;
	[sflag:s12] =	ssyncadd.s32 @!p0 $0xFFFFE000;
	s12 =	simm.s32 $0x0  }
.LBB2_9:
0x83: {  	_ =	sdelay $0x2  }
0x84: {  	s17 =	sshll.u32 s21, $0x4  }
0x85: {  	v4 =	vld.idx.msk [tilespmem:v3+s17+$0x0 ss:$0x1], $0xffff;
	_ =	sdelay $0x4  }
0x86: {  	v5 =	vshrl.u32 v4, $0x4;
	v4 =	vor.u32 s17, v0  }
0x87: {  	v7 =	vadd.s32 s12, v0;
	v5 =	vand.u32 $0x40, v5;
	v6 =	vshll.u32 v4, $0x7  }
0x88: {  	v5 =	vor.u32 v6, v5;
	v6 =	vand.u32 $0x3F, v7  }
0x89: {  	v7 =	vor.u32 v6, v5;
	_ =	sdelay $0x2  }
0x8a: {  	s23 =	simm.s32 $0x1  }
0x8b: {  	v8 =	vadd.s32 s23, v0;
	v6 =	vshll.u32 v6, $0x7  }
0x8c: {  	v8 =	vand.u32 $0x3F, v8;
	v6 =	vadd.s32 v4, v6;
	v7 =	vld.idx.msk [tilespmem:v7+s20+$0x0], $0xffff  }
0x8d: {  	v9 =	vor.u32 v8, v5;
	_ =	sdelay $0x2  }
0x8e: {  	s19 =	simm.s32 $0x2  }
0x8f: {  	[tilespmem:v6+s31+$0x0] =	vst.idx.msk $0xffff, v7;
	v6 =	vshll.u32 v8, $0x7;
	v7 =	vadd.s32 s19, v0  }
0x90: {  	v8 =	vld.idx.msk [tilespmem:v9+s20+$0x0], $0xffff;
	v6 =	vadd.s32 v4, v6;
	v7 =	vand.u32 $0x3F, v7  }
0x91: {  	v9 =	vor.u32 v7, v5;
	_ =	sdelay $0x2  }
0x92: {  	s23 =	simm.s32 $0x3  }
0x93: {  	[tilespmem:v6+s31+$0x0] =	vst.idx.msk $0xffff, v8;
	v6 =	vshll.u32 v7, $0x7;
	v7 =	vadd.s32 s23, v0  }
0x94: {  	v8 =	vld.idx.msk [tilespmem:v9+s20+$0x0], $0xffff;
	v6 =	vadd.s32 v4, v6;
	v9 =	vand.u32 $0x3F, v7  }
0x95: {  	v10 =	vor.u32 v9, v5;
	_ =	sdelay $0x3  }
0x96: {  	s23 =	simm.s32 $0x4;
	[tilespmem:v6+s31+$0x0] =	vst.idx.msk $0xffff, v8  }
0x97: {  	s17 =	simm.s32 $0x8;
	v7 =	vadd.s32 s23, v0;
	v8 =	vshll.u32 v9, $0x7;
	v6 =	vld.idx.msk [tilespmem:v10+s20+$0x0], $0xffff  }
.LBB2_10:
0x98: {  	p1 =	sne.s32 s17, $0x3C;
	v7 =	vand.u32 $0x3F, v7;
	v8 =	vadd.s32 v4, v8  }
0x99: {  	v9 =	vor.u32 v7, v5;
	_ =	sdelay $0x3  }
0x9a: {  	s19 =	sadd.s32 $0x1, s23;
	[tilespmem:v8+s31+$0x0] =	vst.idx.msk $0xffff, v6  }
0x9b: {  	v7 =	vshll.u32 v7, $0x7;
	v8 =	vadd.s32 s19, v0;
	v6 =	vld.idx.msk [tilespmem:v9+s20+$0x0], $0xffff  }
0x9c: {  	v7 =	vadd.s32 v4, v7;
	v8 =	vand.u32 $0x3F, v8  }
0x9d: {  	v9 =	vor.u32 v8, v5;
	_ =	sdelay $0x3  }
0x9e: {  	s19 =	sadd.s32 $0x2, s23;
	[tilespmem:v7+s31+$0x0] =	vst.idx.msk $0xffff, v6  }
0x9f: {  	v7 =	vshll.u32 v8, $0x7;
	v8 =	vadd.s32 s19, v0;
	v6 =	vld.idx.msk [tilespmem:v9+s20+$0x0], $0xffff  }
0xa0: {  	v7 =	vadd.s32 v4, v7;
	v8 =	vand.u32 $0x3F, v8  }
0xa1: {  	v9 =	vor.u32 v8, v5;
	_ =	sdelay $0x3  }
0xa2: {  	s19 =	sadd.s32 $0x3, s23;
	s23 =	smov.u32 s17;
	[tilespmem:v7+s31+$0x0] =	vst.idx.msk $0xffff, v6  }
0xa3: {  	v7 =	vshll.u32 v8, $0x7;
	v8 =	vadd.s32 s19, v0;
	v6 =	vld.idx.msk [tilespmem:v9+s20+$0x0], $0xffff  }
0xa4: {  	v7 =	vadd.s32 v4, v7;
	v8 =	vand.u32 $0x3F, v8  }
0xa5: {  	v9 =	vor.u32 v8, v5  }
.Ltmp3:
0xa6: {  	(pc) =	sbr.rel @p1 .LBB2_10-.Ltmp3, $3  }
0xa7: {  	_ =	sdelay $0x1  }
0xa8: {  	[tilespmem:v7+s31+$0x0] =	vst.idx.msk $0xffff, v6  }
0xa9: {  	s17 =	sadd.s32 $0x4, s17;
	v8 =	vshll.u32 v8, $0x7;
	v7 =	vadd.s32 s23, v0;
	v6 =	vld.idx.msk [tilespmem:v9+s20+$0x0], $0xffff  }
0xaa: {  	v7 =	vand.u32 $0x3F, v7;
	v8 =	vadd.s32 v4, v8  }
0xab: {  	v9 =	vor.u32 v7, v5;
	_ =	sdelay $0x2  }
0xac: {  	s17 =	sadd.s32 $0x1, s23  }
0xad: {  	v55 =	vshll.u32 v7, $0x7;
	v56 =	vadd.s32 s17, v0;
	[tilespmem:v8+s31+$0x0] =	vst.idx.msk $0xffff, v6  }
0xae: {  	v7 =	vand.u32 $0x3F, v56;
	v6 =	vadd.s32 v4, v55;
	v8 =	vld.idx.msk [tilespmem:v9+s20+$0x0], $0xffff  }
0xaf: {  	v57 =	vor.u32 v7, v5;
	_ =	sdelay $0x2  }
0xb0: {  	s19 =	sadd.s32 $0x2, s23  }
0xb1: {  	v59 =	vadd.s32 s19, v0;
	v58 =	vshll.u32 v7, $0x7;
	[tilespmem:v6+s31+$0x0] =	vst.idx.msk $0xffff, v8  }
0xb2: {  	v7 =	vand.u32 $0x3F, v59;
	v6 =	vadd.s32 v4, v58;
	v8 =	vld.idx.msk [tilespmem:v57+s20+$0x0], $0xffff  }
0xb3: {  	v60 =	vor.u32 v7, v5;
	_ =	sdelay $0x2  }
0xb4: {  	s23 =	sadd.s32 $0x3, s23  }
0xb5: {  	v62 =	vadd.s32 s23, v0;
	v61 =	vshll.u32 v7, $0x7;
	[tilespmem:v6+s31+$0x0] =	vst.idx.msk $0xffff, v8  }
0xb6: {  	v7 =	vand.u32 $0x3F, v62;
	v6 =	vadd.s32 v4, v61;
	v8 =	vld.idx.msk [tilespmem:v60+s20+$0x0], $0xffff  }
0xb7: {  	v5 =	vor.u32 v7, v5;
	_ =	sdelay $0x3  }
0xb8: {  	s21 =	sadd.s32 $0x1, s21;
	v63 =	vshll.u32 v7, $0x7;
	[tilespmem:v6+s31+$0x0] =	vst.idx.msk $0xffff, v8  }
0xb9: {  	p1 =	sne.s32 s21, $0x8;
	v4 =	vadd.s32 v4, v63;
	v5 =	vld.idx.msk [tilespmem:v5+s20+$0x0], $0xffff  }
.Ltmp4:
0xba: {  	_ = 	snop;
	(pc) =	sbr.rel @p1 .LBB2_9-.Ltmp4, $2  }
0xbb: {  	_ =	sdelay $0x2  }
0xbc: {  	[tilespmem:v4+s31+$0x0] =	vst.idx.msk $0xffff, v5  }
0xbd: {  	s11 =	sadd.s32 s8, s11  }
0xbe: {  	s11 =	sshll.u32 s11, $0x7  }
0xbf: {  	s11 =	sand.u32 $0x1FFFFF80, s11  }
0xc0: {  	s11 =	sadd.s32 s3, s11  }
0xc1: {  	[hbm4b:s11+s28] =	stream.strided.scatter [tilespmem:s31], [sflag:$0x6], $0x2000, s29, s28, $0x38;
	[tilespmem:$0x1FA80] =	vst v63  }
0xc2: {  	s23 =	sadd.s32 $0x1B80, s9  }
0xc3: {  	[tilespmem:s20], [sflag:$0x2] =	stream.indirect.gather [hbm4b:s5+s16], $0x80, s23, s16, $0xb8;
	[tilespmem:$0x1FA80] =	vst v63  }
0xc4: {  	_ =	swait.ge [sflag:s2], $0x4000  }
0xc5: {  	[sflag:s2] =	ssyncset.done $0x0  }
0xc6: {  	s12 =	simm.s32 @!p0 $0x7;
	s11 =	sor.u32 $0x2, s10;
	[sflag:s2] =	ssyncadd.s32 $0xFFFFC000  }
0xc7: {  	s17 =	sshll.u32 s11, $0x7;
	_ =	swait.ge @!p0 [sflag:s12], $0x2000  }
0xc8: {  	s17 =	sand.u32 $0x3FFFFF80, s17;
	[sflag:s12] =	ssyncset.done @!p0 $0x0  }
0xc9: {  	s21 =	simm.s32 $0x0;
	v3 =	vmov s17;
	[sflag:s12] =	ssyncadd.s32 @!p0 $0xFFFFE000;
	s12 =	simm.s32 $0x0  }
.LBB2_13:
0xca: {  	_ =	sdelay $0x2  }
0xcb: {  	s17 =	sshll.u32 s21, $0x4  }
0xcc: {  	v4 =	vld.idx.msk [tilespmem:v3+s17+$0x0 ss:$0x1], $0xffff;
	_ =	sdelay $0x4  }
0xcd: {  	v5 =	vshrl.u32 v4, $0x4;
	v4 =	vor.u32 s17, v0  }
0xce: {  	v7 =	vadd.s32 s12, v0;
	v5 =	vand.u32 $0x40, v5;
	v6 =	vshll.u32 v4, $0x7  }
0xcf: {  	v5 =	vor.u32 v6, v5;
	v6 =	vand.u32 $0x3F, v7  }
0xd0: {  	v7 =	vor.u32 v6, v5;
	_ =	sdelay $0x2  }
0xd1: {  	s23 =	simm.s32 $0x1  }
0xd2: {  	v8 =	vadd.s32 s23, v0;
	v6 =	vshll.u32 v6, $0x7  }
0xd3: {  	v8 =	vand.u32 $0x3F, v8;
	v6 =	vadd.s32 v4, v6;
	v7 =	vld.idx.msk [tilespmem:v7+s22+$0x0], $0xffff  }
0xd4: {  	v9 =	vor.u32 v8, v5;
	_ =	sdelay $0x2  }
0xd5: {  	s19 =	simm.s32 $0x2  }
0xd6: {  	[tilespmem:v6+s0+$0x0] =	vst.idx.msk $0xffff, v7;
	v6 =	vshll.u32 v8, $0x7;
	v7 =	vadd.s32 s19, v0  }
0xd7: {  	v8 =	vld.idx.msk [tilespmem:v9+s22+$0x0], $0xffff;
	v6 =	vadd.s32 v4, v6;
	v7 =	vand.u32 $0x3F, v7  }
0xd8: {  	v9 =	vor.u32 v7, v5;
	_ =	sdelay $0x2  }
0xd9: {  	s23 =	simm.s32 $0x3  }
0xda: {  	[tilespmem:v6+s0+$0x0] =	vst.idx.msk $0xffff, v8;
	v6 =	vshll.u32 v7, $0x7;
	v7 =	vadd.s32 s23, v0  }
0xdb: {  	v8 =	vld.idx.msk [tilespmem:v9+s22+$0x0], $0xffff;
	v6 =	vadd.s32 v4, v6;
	v9 =	vand.u32 $0x3F, v7  }
0xdc: {  	v10 =	vor.u32 v9, v5;
	_ =	sdelay $0x3  }
0xdd: {  	s23 =	simm.s32 $0x4;
	[tilespmem:v6+s0+$0x0] =	vst.idx.msk $0xffff, v8  }
0xde: {  	s17 =	simm.s32 $0x8;
	v7 =	vadd.s32 s23, v0;
	v8 =	vshll.u32 v9, $0x7;
	v6 =	vld.idx.msk [tilespmem:v10+s22+$0x0], $0xffff  }
.LBB2_14:
0xdf: {  	p1 =	sne.s32 s17, $0x3C;
	v7 =	vand.u32 $0x3F, v7;
	v8 =	vadd.s32 v4, v8  }
0xe0: {  	v9 =	vor.u32 v7, v5;
	_ =	sdelay $0x3  }
0xe1: {  	s19 =	sadd.s32 $0x1, s23;
	[tilespmem:v8+s0+$0x0] =	vst.idx.msk $0xffff, v6  }
0xe2: {  	v7 =	vshll.u32 v7, $0x7;
	v8 =	vadd.s32 s19, v0;
	v6 =	vld.idx.msk [tilespmem:v9+s22+$0x0], $0xffff  }
0xe3: {  	v7 =	vadd.s32 v4, v7;
	v8 =	vand.u32 $0x3F, v8  }
0xe4: {  	v9 =	vor.u32 v8, v5;
	_ =	sdelay $0x3  }
0xe5: {  	s19 =	sadd.s32 $0x2, s23;
	[tilespmem:v7+s0+$0x0] =	vst.idx.msk $0xffff, v6  }
0xe6: {  	v7 =	vshll.u32 v8, $0x7;
	v8 =	vadd.s32 s19, v0;
	v6 =	vld.idx.msk [tilespmem:v9+s22+$0x0], $0xffff  }
0xe7: {  	v7 =	vadd.s32 v4, v7;
	v8 =	vand.u32 $0x3F, v8  }
0xe8: {  	v9 =	vor.u32 v8, v5;
	_ =	sdelay $0x3  }
0xe9: {  	s19 =	sadd.s32 $0x3, s23;
	s23 =	smov.u32 s17;
	[tilespmem:v7+s0+$0x0] =	vst.idx.msk $0xffff, v6  }
0xea: {  	v7 =	vshll.u32 v8, $0x7;
	v8 =	vadd.s32 s19, v0;
	v6 =	vld.idx.msk [tilespmem:v9+s22+$0x0], $0xffff  }
0xeb: {  	v7 =	vadd.s32 v4, v7;
	v8 =	vand.u32 $0x3F, v8  }
0xec: {  	v9 =	vor.u32 v8, v5  }
.Ltmp5:
0xed: {  	(pc) =	sbr.rel @p1 .LBB2_14-.Ltmp5, $3  }
0xee: {  	_ =	sdelay $0x1  }
0xef: {  	[tilespmem:v7+s0+$0x0] =	vst.idx.msk $0xffff, v6  }
0xf0: {  	s17 =	sadd.s32 $0x4, s17;
	v8 =	vshll.u32 v8, $0x7;
	v7 =	vadd.s32 s23, v0;
	v6 =	vld.idx.msk [tilespmem:v9+s22+$0x0], $0xffff  }
0xf1: {  	v7 =	vand.u32 $0x3F, v7;
	v8 =	vadd.s32 v4, v8  }
0xf2: {  	v9 =	vor.u32 v7, v5;
	_ =	sdelay $0x2  }
0xf3: {  	s17 =	sadd.s32 $0x1, s23  }
0xf4: {  	v55 =	vshll.u32 v7, $0x7;
	v56 =	vadd.s32 s17, v0;
	[tilespmem:v8+s0+$0x0] =	vst.idx.msk $0xffff, v6  }
0xf5: {  	v7 =	vand.u32 $0x3F, v56;
	v6 =	vadd.s32 v4, v55;
	v8 =	vld.idx.msk [tilespmem:v9+s22+$0x0], $0xffff  }
0xf6: {  	v57 =	vor.u32 v7, v5;
	_ =	sdelay $0x2  }
0xf7: {  	s19 =	sadd.s32 $0x2, s23  }
0xf8: {  	v59 =	vadd.s32 s19, v0;
	v58 =	vshll.u32 v7, $0x7;
	[tilespmem:v6+s0+$0x0] =	vst.idx.msk $0xffff, v8  }
0xf9: {  	v7 =	vand.u32 $0x3F, v59;
	v6 =	vadd.s32 v4, v58;
	v8 =	vld.idx.msk [tilespmem:v57+s22+$0x0], $0xffff  }
0xfa: {  	v60 =	vor.u32 v7, v5;
	_ =	sdelay $0x2  }
0xfb: {  	s23 =	sadd.s32 $0x3, s23  }
0xfc: {  	v62 =	vadd.s32 s23, v0;
	v61 =	vshll.u32 v7, $0x7;
	[tilespmem:v6+s0+$0x0] =	vst.idx.msk $0xffff, v8  }
0xfd: {  	v7 =	vand.u32 $0x3F, v62;
	v6 =	vadd.s32 v4, v61;
	v8 =	vld.idx.msk [tilespmem:v60+s22+$0x0], $0xffff  }
0xfe: {  	v5 =	vor.u32 v7, v5;
	_ =	sdelay $0x3  }
0xff: {  	s21 =	sadd.s32 $0x1, s21;
	v63 =	vshll.u32 v7, $0x7;
	[tilespmem:v6+s0+$0x0] =	vst.idx.msk $0xffff, v8  }
0x100: {  	p1 =	sne.s32 s21, $0x8;
	v4 =	vadd.s32 v4, v63;
	v5 =	vld.idx.msk [tilespmem:v5+s22+$0x0], $0xffff  }
.Ltmp6:
0x101: {  	_ = 	snop;
	(pc) =	sbr.rel @p1 .LBB2_13-.Ltmp6, $2  }
0x102: {  	_ =	sdelay $0x2  }
0x103: {  	[tilespmem:v4+s0+$0x0] =	vst.idx.msk $0xffff, v5  }
0x104: {  	s11 =	sadd.s32 s8, s11  }
0x105: {  	s11 =	sshll.u32 s11, $0x7  }
0x106: {  	s11 =	sand.u32 $0x1FFFFF00, s11  }
0x107: {  	p1 =	seq.s32 s7, $0xB;
	s11 =	sadd.s32 s3, s11  }
0x108: {  	[hbm4b:s11+s28] =	stream.strided.scatter [tilespmem:s0], [sflag:$0x7], $0x2000, s29, s28, $0x38;
	[tilespmem:$0x1FA80] =	vst v63  }
0x109: {  	s12 =	simm.s32 @!p1 $0x80;
	s17 =	simm.s32 @!p1 $0xB200;
	s11 =	sadd.s32 @!p1 $0x1C00, s9  }
0x10a: {  	[tilespmem:s17], [sflag:$0x3] =	stream.indirect.gather @!p1 [hbm4b:s5+s12], $0x80, s11, s12, $0xb8;
	[tilespmem:$0x1FA80] =	vst v63  }
0x10b: {  	_ =	swait.ge [sflag:s1], $0x4000  }
0x10c: {  	[sflag:s1] =	ssyncset.done $0x0  }
0x10d: {  	s10 =	sor.u32 $0x3, s10;
	s11 =	simm.s32 @!p0 $0x8;
	[sflag:s1] =	ssyncadd.s32 $0xFFFFC000  }
0x10e: {  	s23 =	sshll.u32 s10, $0x7;
	_ =	swait.ge @!p0 [sflag:s11], $0x2000  }
0x10f: {  	s12 =	sand.u32 $0x3FFFFF80, s23;
	[sflag:s11] =	ssyncset.done @!p0 $0x0  }
0x110: {  	v3 =	vmov s12;
	s12 =	simm.s32 $0x0;
	[sflag:s11] =	ssyncadd.s32 @!p0 $0xFFFFE000;
	s11 =	simm.s32 $0x0  }
.LBB2_17:
0x111: {  	_ =	sdelay $0x2  }
0x112: {  	s17 =	sshll.u32 s12, $0x4  }
0x113: {  	v4 =	vld.idx.msk [tilespmem:v3+s17+$0x0 ss:$0x1], $0xffff;
	_ =	sdelay $0x4  }
0x114: {  	v5 =	vshrl.u32 v4, $0x4;
	v4 =	vor.u32 s17, v0  }
0x115: {  	v7 =	vadd.s32 s11, v0;
	v5 =	vand.u32 $0x40, v5;
	v6 =	vshll.u32 v4, $0x7  }
0x116: {  	v5 =	vor.u32 v6, v5;
	v6 =	vand.u32 $0x3F, v7  }
0x117: {  	v7 =	vor.u32 v6, v5;
	_ =	sdelay $0x2  }
0x118: {  	s19 =	simm.s32 $0x1  }
0x119: {  	v8 =	vadd.s32 s19, v0;
	v6 =	vshll.u32 v6, $0x7  }
0x11a: {  	v8 =	vand.u32 $0x3F, v8;
	v6 =	vadd.s32 v4, v6;
	v7 =	vld.idx.msk [tilespmem:v7+s24+$0x0], $0xffff  }
0x11b: {  	v9 =	vor.u32 v8, v5;
	_ =	sdelay $0x2  }
0x11c: {  	s21 =	simm.s32 $0x2  }
0x11d: {  	[tilespmem:v6+s15+$0x0] =	vst.idx.msk $0xffff, v7;
	v6 =	vshll.u32 v8, $0x7;
	v7 =	vadd.s32 s21, v0  }
0x11e: {  	v8 =	vld.idx.msk [tilespmem:v9+s24+$0x0], $0xffff;
	v6 =	vadd.s32 v4, v6;
	v7 =	vand.u32 $0x3F, v7  }
0x11f: {  	v9 =	vor.u32 v7, v5;
	_ =	sdelay $0x2  }
0x120: {  	s23 =	simm.s32 $0x3  }
0x121: {  	[tilespmem:v6+s15+$0x0] =	vst.idx.msk $0xffff, v8;
	v6 =	vshll.u32 v7, $0x7;
	v7 =	vadd.s32 s23, v0  }
0x122: {  	v8 =	vld.idx.msk [tilespmem:v9+s24+$0x0], $0xffff;
	v6 =	vadd.s32 v4, v6;
	v9 =	vand.u32 $0x3F, v7  }
0x123: {  	v10 =	vor.u32 v9, v5;
	_ =	sdelay $0x3  }
0x124: {  	s21 =	simm.s32 $0x4;
	[tilespmem:v6+s15+$0x0] =	vst.idx.msk $0xffff, v8  }
0x125: {  	s17 =	simm.s32 $0x8;
	v7 =	vadd.s32 s21, v0;
	v8 =	vshll.u32 v9, $0x7;
	v6 =	vld.idx.msk [tilespmem:v10+s24+$0x0], $0xffff  }
.LBB2_18:
0x126: {  	p0 =	sne.s32 s17, $0x3C;
	v7 =	vand.u32 $0x3F, v7;
	v8 =	vadd.s32 v4, v8  }
0x127: {  	v9 =	vor.u32 v7, v5;
	_ =	sdelay $0x3  }
0x128: {  	s19 =	sadd.s32 $0x1, s21;
	[tilespmem:v8+s15+$0x0] =	vst.idx.msk $0xffff, v6  }
0x129: {  	v7 =	vshll.u32 v7, $0x7;
	v8 =	vadd.s32 s19, v0;
	v6 =	vld.idx.msk [tilespmem:v9+s24+$0x0], $0xffff  }
0x12a: {  	v7 =	vadd.s32 v4, v7;
	v8 =	vand.u32 $0x3F, v8  }
0x12b: {  	v9 =	vor.u32 v8, v5;
	_ =	sdelay $0x3  }
0x12c: {  	s19 =	sadd.s32 $0x2, s21;
	[tilespmem:v7+s15+$0x0] =	vst.idx.msk $0xffff, v6  }
0x12d: {  	v7 =	vshll.u32 v8, $0x7;
	v8 =	vadd.s32 s19, v0;
	v6 =	vld.idx.msk [tilespmem:v9+s24+$0x0], $0xffff  }
0x12e: {  	v7 =	vadd.s32 v4, v7;
	v8 =	vand.u32 $0x3F, v8  }
0x12f: {  	v9 =	vor.u32 v8, v5;
	_ =	sdelay $0x3  }
0x130: {  	s19 =	sadd.s32 $0x3, s21;
	s21 =	smov.u32 s17;
	[tilespmem:v7+s15+$0x0] =	vst.idx.msk $0xffff, v6  }
0x131: {  	v7 =	vshll.u32 v8, $0x7;
	v8 =	vadd.s32 s19, v0;
	v6 =	vld.idx.msk [tilespmem:v9+s24+$0x0], $0xffff  }
0x132: {  	v7 =	vadd.s32 v4, v7;
	v8 =	vand.u32 $0x3F, v8  }
0x133: {  	v9 =	vor.u32 v8, v5  }
.Ltmp7:
0x134: {  	(pc) =	sbr.rel @p0 .LBB2_18-.Ltmp7, $3  }
0x135: {  	_ =	sdelay $0x1  }
0x136: {  	[tilespmem:v7+s15+$0x0] =	vst.idx.msk $0xffff, v6  }
0x137: {  	s17 =	sadd.s32 $0x4, s17;
	v8 =	vshll.u32 v8, $0x7;
	v7 =	vadd.s32 s21, v0;
	v6 =	vld.idx.msk [tilespmem:v9+s24+$0x0], $0xffff  }
0x138: {  	v7 =	vand.u32 $0x3F, v7;
	v8 =	vadd.s32 v4, v8  }
0x139: {  	v9 =	vor.u32 v7, v5;
	_ =	sdelay $0x2  }
0x13a: {  	s17 =	sadd.s32 $0x1, s21  }
0x13b: {  	v55 =	vshll.u32 v7, $0x7;
	v56 =	vadd.s32 s17, v0;
	[tilespmem:v8+s15+$0x0] =	vst.idx.msk $0xffff, v6  }
0x13c: {  	v7 =	vand.u32 $0x3F, v56;
	v6 =	vadd.s32 v4, v55;
	v8 =	vld.idx.msk [tilespmem:v9+s24+$0x0], $0xffff  }
0x13d: {  	v57 =	vor.u32 v7, v5;
	_ =	sdelay $0x2  }
0x13e: {  	s19 =	sadd.s32 $0x2, s21  }
0x13f: {  	v59 =	vadd.s32 s19, v0;
	v58 =	vshll.u32 v7, $0x7;
	[tilespmem:v6+s15+$0x0] =	vst.idx.msk $0xffff, v8  }
0x140: {  	v7 =	vand.u32 $0x3F, v59;
	v6 =	vadd.s32 v4, v58;
	v8 =	vld.idx.msk [tilespmem:v57+s24+$0x0], $0xffff  }
0x141: {  	v60 =	vor.u32 v7, v5;
	_ =	sdelay $0x2  }
0x142: {  	s23 =	sadd.s32 $0x3, s21  }
0x143: {  	v62 =	vadd.s32 s23, v0;
	v61 =	vshll.u32 v7, $0x7;
	[tilespmem:v6+s15+$0x0] =	vst.idx.msk $0xffff, v8  }
0x144: {  	v7 =	vand.u32 $0x3F, v62;
	v6 =	vadd.s32 v4, v61;
	v8 =	vld.idx.msk [tilespmem:v60+s24+$0x0], $0xffff  }
0x145: {  	v5 =	vor.u32 v7, v5;
	_ =	sdelay $0x3  }
0x146: {  	s12 =	sadd.s32 $0x1, s12;
	v63 =	vshll.u32 v7, $0x7;
	[tilespmem:v6+s15+$0x0] =	vst.idx.msk $0xffff, v8  }
0x147: {  	p0 =	sne.s32 s12, $0x8;
	v4 =	vadd.s32 v4, v63;
	v5 =	vld.idx.msk [tilespmem:v5+s24+$0x0], $0xffff  }
.Ltmp8:
0x148: {  	_ = 	snop;
	(pc) =	sbr.rel @p0 .LBB2_17-.Ltmp8, $2  }
0x149: {  	_ =	sdelay $0x2  }
0x14a: {  	[tilespmem:v4+s15+$0x0] =	vst.idx.msk $0xffff, v5  }
.Ltmp9:
0x14b: {  	s10 =	sadd.s32 s8, s10;
	(pc) =	sbr.rel @p1 .LBB2_22-.Ltmp9, $4  }
0x14c: {  	s10 =	sshll.u32 s10, $0x7  }
0x14d: {  	s10 =	sand.u32 $0x1FFFFF80, s10  }
0x14e: {  	s10 =	sadd.s32 s3, s10  }
0x14f: {  	[hbm4b:s10+s28] =	stream.strided.scatter [tilespmem:s15], [sflag:$0x8], $0x2000, s29, s28, $0x38;
	[tilespmem:$0x1FA80] =	vst v63  }
.Ltmp10:
0x150: {  	(pc) =	sbr.rel .LBB2_4-.Ltmp10, $3  }
0x151: {  	_ =	sdelay $0x1  }
0x152: {  	s9 =	sadd.s32 $0x1C80, s9;
	s7 =	sadd.s32 $0x1, s7  }
0x153: {  	[tilespmem:s24], [sflag:$0x4] =	stream.indirect.gather [hbm4b:s5+s16], $0x80, s9, s16, $0xb8;
	[tilespmem:$0x1FA80] =	vst v63  }
.LBB2_22:
0x154: {  	_ =	swait.ge [sflag:s25], $0x4000  }
0x155: {  	[sflag:s25] =	ssyncset.done $0x0  }
0x156: {  	s17 =	simm.s32 $0x5;
	[sflag:s25] =	ssyncadd.s32 $0xFFFFC000  }
0x157: {  	_ =	swait.ge [sflag:s17], $0x2000  }
0x158: {  	s7 =	simm.s32 $0x0;
	[sflag:s17] =	ssyncset.done $0x0  }
0x159: {  	s9 =	simm.s32 $0x0;
	s19 =	simm.s32 $0x6;
	[sflag:s17] =	ssyncadd.s32 $0xFFFFE000  }
.LBB2_23:
0x15a: {  	s10 =	sshll.u32 s9, $0x4  }
0x15b: {  	v3 =	vld [tilespmem:s10+$0x1800];
	_ =	sdelay $0x4  }
0x15c: {  	v4 =	vshrl.u32 v3, $0x4;
	v3 =	vor.u32 s10, v0  }
0x15d: {  	v6 =	vadd.s32 s7, v0;
	v4 =	vand.u32 $0x40, v4;
	v5 =	vshll.u32 v3, $0x7  }
0x15e: {  	v4 =	vor.u32 v5, v4;
	v5 =	vand.u32 $0x3F, v6  }
0x15f: {  	v6 =	vor.u32 v5, v4;
	_ =	sdelay $0x2  }
0x160: {  	s12 =	simm.s32 $0x1  }
0x161: {  	v7 =	vadd.s32 s12, v0;
	v5 =	vshll.u32 v5, $0x7  }
0x162: {  	v7 =	vand.u32 $0x3F, v7;
	v5 =	vadd.s32 v3, v5;
	v6 =	vld.idx.msk [tilespmem:v6+s18+$0x0], $0xffff  }
0x163: {  	v8 =	vor.u32 v7, v4;
	_ =	sdelay $0x2  }
0x164: {  	s21 =	simm.s32 $0x2  }
0x165: {  	[tilespmem:v5+s26+$0x0] =	vst.idx.msk $0xffff, v6;
	v5 =	vshll.u32 v7, $0x7;
	v6 =	vadd.s32 s21, v0  }
0x166: {  	v7 =	vld.idx.msk [tilespmem:v8+s18+$0x0], $0xffff;
	v5 =	vadd.s32 v3, v5;
	v6 =	vand.u32 $0x3F, v6  }
0x167: {  	v8 =	vor.u32 v6, v4;
	_ =	sdelay $0x2  }
0x168: {  	s23 =	simm.s32 $0x3  }
0x169: {  	[tilespmem:v5+s26+$0x0] =	vst.idx.msk $0xffff, v7;
	v5 =	vshll.u32 v6, $0x7;
	v6 =	vadd.s32 s23, v0  }
0x16a: {  	v7 =	vld.idx.msk [tilespmem:v8+s18+$0x0], $0xffff;
	v5 =	vadd.s32 v3, v5;
	v8 =	vand.u32 $0x3F, v6  }
0x16b: {  	v9 =	vor.u32 v8, v4;
	_ =	sdelay $0x3  }
0x16c: {  	s10 =	simm.s32 $0x4;
	[tilespmem:v5+s26+$0x0] =	vst.idx.msk $0xffff, v7  }
0x16d: {  	s11 =	simm.s32 $0x8;
	v6 =	vadd.s32 s10, v0;
	v7 =	vshll.u32 v8, $0x7;
	v5 =	vld.idx.msk [tilespmem:v9+s18+$0x0], $0xffff  }
.LBB2_24:
0x16e: {  	p0 =	sne.s32 s11, $0x3C;
	v6 =	vand.u32 $0x3F, v6;
	v7 =	vadd.s32 v3, v7  }
0x16f: {  	v8 =	vor.u32 v6, v4;
	_ =	sdelay $0x3  }
0x170: {  	s12 =	sadd.s32 $0x1, s10;
	[tilespmem:v7+s26+$0x0] =	vst.idx.msk $0xffff, v5  }
0x171: {  	v6 =	vshll.u32 v6, $0x7;
	v7 =	vadd.s32 s12, v0;
	v5 =	vld.idx.msk [tilespmem:v8+s18+$0x0], $0xffff  }
0x172: {  	v6 =	vadd.s32 v3, v6;
	v7 =	vand.u32 $0x3F, v7  }
0x173: {  	v8 =	vor.u32 v7, v4;
	_ =	sdelay $0x3  }
0x174: {  	s12 =	sadd.s32 $0x2, s10;
	[tilespmem:v6+s26+$0x0] =	vst.idx.msk $0xffff, v5  }
0x175: {  	v6 =	vshll.u32 v7, $0x7;
	v7 =	vadd.s32 s12, v0;
	v5 =	vld.idx.msk [tilespmem:v8+s18+$0x0], $0xffff  }
0x176: {  	v6 =	vadd.s32 v3, v6;
	v7 =	vand.u32 $0x3F, v7  }
0x177: {  	v8 =	vor.u32 v7, v4;
	_ =	sdelay $0x3  }
0x178: {  	s12 =	sadd.s32 $0x3, s10;
	s10 =	smov.u32 s11;
	[tilespmem:v6+s26+$0x0] =	vst.idx.msk $0xffff, v5  }
0x179: {  	v6 =	vshll.u32 v7, $0x7;
	v7 =	vadd.s32 s12, v0;
	v5 =	vld.idx.msk [tilespmem:v8+s18+$0x0], $0xffff  }
0x17a: {  	v6 =	vadd.s32 v3, v6;
	v7 =	vand.u32 $0x3F, v7  }
0x17b: {  	v8 =	vor.u32 v7, v4  }
.Ltmp11:
0x17c: {  	(pc) =	sbr.rel @p0 .LBB2_24-.Ltmp11, $3  }
0x17d: {  	_ =	sdelay $0x1  }
0x17e: {  	[tilespmem:v6+s26+$0x0] =	vst.idx.msk $0xffff, v5  }
0x17f: {  	s11 =	sadd.s32 $0x4, s11;
	v7 =	vshll.u32 v7, $0x7;
	v6 =	vadd.s32 s10, v0;
	v5 =	vld.idx.msk [tilespmem:v8+s18+$0x0], $0xffff  }
0x180: {  	v6 =	vand.u32 $0x3F, v6;
	v7 =	vadd.s32 v3, v7  }
0x181: {  	v8 =	vor.u32 v6, v4;
	_ =	sdelay $0x2  }
0x182: {  	s11 =	sadd.s32 $0x1, s10  }
0x183: {  	v54 =	vshll.u32 v6, $0x7;
	v55 =	vadd.s32 s11, v0;
	[tilespmem:v7+s26+$0x0] =	vst.idx.msk $0xffff, v5  }
0x184: {  	v6 =	vand.u32 $0x3F, v55;
	v5 =	vadd.s32 v3, v54;
	v7 =	vld.idx.msk [tilespmem:v8+s18+$0x0], $0xffff  }
0x185: {  	v56 =	vor.u32 v6, v4;
	_ =	sdelay $0x2  }
0x186: {  	s21 =	sadd.s32 $0x2, s10  }
0x187: {  	v58 =	vadd.s32 s21, v0;
	v57 =	vshll.u32 v6, $0x7;
	[tilespmem:v5+s26+$0x0] =	vst.idx.msk $0xffff, v7  }
0x188: {  	v6 =	vand.u32 $0x3F, v58;
	v5 =	vadd.s32 v3, v57;
	v7 =	vld.idx.msk [tilespmem:v56+s18+$0x0], $0xffff  }
0x189: {  	v59 =	vor.u32 v6, v4;
	_ =	sdelay $0x2  }
0x18a: {  	s23 =	sadd.s32 $0x3, s10  }
0x18b: {  	v61 =	vadd.s32 s23, v0;
	v60 =	vshll.u32 v6, $0x7;
	[tilespmem:v5+s26+$0x0] =	vst.idx.msk $0xffff, v7  }
0x18c: {  	v6 =	vand.u32 $0x3F, v61;
	v5 =	vadd.s32 v3, v60;
	v7 =	vld.idx.msk [tilespmem:v59+s18+$0x0], $0xffff  }
0x18d: {  	v62 =	vor.u32 v6, v4;
	_ =	sdelay $0x3  }
0x18e: {  	s9 =	sadd.s32 $0x1, s9;
	v63 =	vshll.u32 v6, $0x7;
	[tilespmem:v5+s26+$0x0] =	vst.idx.msk $0xffff, v7  }
0x18f: {  	p0 =	sne.s32 s9, $0x8;
	v3 =	vadd.s32 v3, v63;
	v4 =	vld.idx.msk [tilespmem:v62+s18+$0x0], $0xffff  }
.Ltmp12:
0x190: {  	_ = 	snop;
	(pc) =	sbr.rel @p0 .LBB2_23-.Ltmp12, $2  }
0x191: {  	_ =	sdelay $0x2  }
0x192: {  	[tilespmem:v3+s26+$0x0] =	vst.idx.msk $0xffff, v4  }
0x193: {  	s7 =	rddreg [dreg:$0x9]  }
0x194: {  	[hbm4b:s7+s28] =	stream.strided.scatter [tilespmem:s26], [sflag:$0x5], $0x2000, s29, s28, $0x38;
	[tilespmem:$0x1FA80] =	vst v63  }
0x195: {  	_ =	swait.ge [sflag:s30], $0x4000  }
0x196: {  	[sflag:s30] =	ssyncset.done $0x0  }
0x197: {  	[sflag:s30] =	ssyncadd.s32 $0xFFFFC000  }
0x198: {  	_ =	swait.ge [sflag:s19], $0x2000  }
0x199: {  	[sflag:s19] =	ssyncset.done $0x0  }
0x19a: {  	s9 =	simm.s32 $0x0;
	s7 =	simm.s32 $0x0;
	[sflag:s19] =	ssyncadd.s32 $0xFFFFE000  }
.LBB2_27:
0x19b: {  	s10 =	sshll.u32 s9, $0x4  }
0x19c: {  	v3 =	vld [tilespmem:s10+$0x1880];
	_ =	sdelay $0x4  }
0x19d: {  	v4 =	vshrl.u32 v3, $0x4;
	v3 =	vor.u32 s10, v0  }
0x19e: {  	v6 =	vadd.s32 s7, v0;
	v4 =	vand.u32 $0x40, v4;
	v5 =	vshll.u32 v3, $0x7  }
0x19f: {  	v4 =	vor.u32 v5, v4;
	v5 =	vand.u32 $0x3F, v6  }
0x1a0: {  	v6 =	vor.u32 v5, v4;
	_ =	sdelay $0x2  }
0x1a1: {  	s12 =	simm.s32 $0x1  }
0x1a2: {  	v7 =	vadd.s32 s12, v0;
	v5 =	vshll.u32 v5, $0x7  }
0x1a3: {  	v7 =	vand.u32 $0x3F, v7;
	v5 =	vadd.s32 v3, v5;
	v6 =	vld.idx.msk [tilespmem:v6+s20+$0x0], $0xffff  }
0x1a4: {  	v8 =	vor.u32 v7, v4;
	_ =	sdelay $0x2  }
0x1a5: {  	s21 =	simm.s32 $0x2  }
0x1a6: {  	[tilespmem:v5+s31+$0x0] =	vst.idx.msk $0xffff, v6;
	v5 =	vshll.u32 v7, $0x7;
	v6 =	vadd.s32 s21, v0  }
0x1a7: {  	v7 =	vld.idx.msk [tilespmem:v8+s20+$0x0], $0xffff;
	v5 =	vadd.s32 v3, v5;
	v6 =	vand.u32 $0x3F, v6  }
0x1a8: {  	v8 =	vor.u32 v6, v4;
	_ =	sdelay $0x2  }
0x1a9: {  	s23 =	simm.s32 $0x3  }
0x1aa: {  	[tilespmem:v5+s31+$0x0] =	vst.idx.msk $0xffff, v7;
	v5 =	vshll.u32 v6, $0x7;
	v6 =	vadd.s32 s23, v0  }
0x1ab: {  	v7 =	vld.idx.msk [tilespmem:v8+s20+$0x0], $0xffff;
	v5 =	vadd.s32 v3, v5;
	v8 =	vand.u32 $0x3F, v6  }
0x1ac: {  	v9 =	vor.u32 v8, v4;
	_ =	sdelay $0x3  }
0x1ad: {  	s10 =	simm.s32 $0x4;
	[tilespmem:v5+s31+$0x0] =	vst.idx.msk $0xffff, v7  }
0x1ae: {  	s11 =	simm.s32 $0x8;
	v6 =	vadd.s32 s10, v0;
	v7 =	vshll.u32 v8, $0x7;
	v5 =	vld.idx.msk [tilespmem:v9+s20+$0x0], $0xffff  }
.LBB2_28:
0x1af: {  	p0 =	sne.s32 s11, $0x3C;
	v6 =	vand.u32 $0x3F, v6;
	v7 =	vadd.s32 v3, v7  }
0x1b0: {  	v8 =	vor.u32 v6, v4;
	_ =	sdelay $0x3  }
0x1b1: {  	s12 =	sadd.s32 $0x1, s10;
	[tilespmem:v7+s31+$0x0] =	vst.idx.msk $0xffff, v5  }
0x1b2: {  	v6 =	vshll.u32 v6, $0x7;
	v7 =	vadd.s32 s12, v0;
	v5 =	vld.idx.msk [tilespmem:v8+s20+$0x0], $0xffff  }
0x1b3: {  	v6 =	vadd.s32 v3, v6;
	v7 =	vand.u32 $0x3F, v7  }
0x1b4: {  	v8 =	vor.u32 v7, v4;
	_ =	sdelay $0x3  }
0x1b5: {  	s12 =	sadd.s32 $0x2, s10;
	[tilespmem:v6+s31+$0x0] =	vst.idx.msk $0xffff, v5  }
0x1b6: {  	v6 =	vshll.u32 v7, $0x7;
	v7 =	vadd.s32 s12, v0;
	v5 =	vld.idx.msk [tilespmem:v8+s20+$0x0], $0xffff  }
0x1b7: {  	v6 =	vadd.s32 v3, v6;
	v7 =	vand.u32 $0x3F, v7  }
0x1b8: {  	v8 =	vor.u32 v7, v4;
	_ =	sdelay $0x3  }
0x1b9: {  	s12 =	sadd.s32 $0x3, s10;
	s10 =	smov.u32 s11;
	[tilespmem:v6+s31+$0x0] =	vst.idx.msk $0xffff, v5  }
0x1ba: {  	v6 =	vshll.u32 v7, $0x7;
	v7 =	vadd.s32 s12, v0;
	v5 =	vld.idx.msk [tilespmem:v8+s20+$0x0], $0xffff  }
0x1bb: {  	v6 =	vadd.s32 v3, v6;
	v7 =	vand.u32 $0x3F, v7  }
0x1bc: {  	v8 =	vor.u32 v7, v4  }
.Ltmp13:
0x1bd: {  	(pc) =	sbr.rel @p0 .LBB2_28-.Ltmp13, $3  }
0x1be: {  	_ =	sdelay $0x1  }
0x1bf: {  	[tilespmem:v6+s31+$0x0] =	vst.idx.msk $0xffff, v5  }
0x1c0: {  	s11 =	sadd.s32 $0x4, s11;
	v7 =	vshll.u32 v7, $0x7;
	v6 =	vadd.s32 s10, v0;
	v5 =	vld.idx.msk [tilespmem:v8+s20+$0x0], $0xffff  }
0x1c1: {  	v6 =	vand.u32 $0x3F, v6;
	v7 =	vadd.s32 v3, v7  }
0x1c2: {  	v8 =	vor.u32 v6, v4;
	_ =	sdelay $0x2  }
0x1c3: {  	s11 =	sadd.s32 $0x1, s10  }
0x1c4: {  	v54 =	vshll.u32 v6, $0x7;
	v55 =	vadd.s32 s11, v0;
	[tilespmem:v7+s31+$0x0] =	vst.idx.msk $0xffff, v5  }
0x1c5: {  	v6 =	vand.u32 $0x3F, v55;
	v5 =	vadd.s32 v3, v54;
	v7 =	vld.idx.msk [tilespmem:v8+s20+$0x0], $0xffff  }
0x1c6: {  	v56 =	vor.u32 v6, v4;
	_ =	sdelay $0x2  }
0x1c7: {  	s21 =	sadd.s32 $0x2, s10  }
0x1c8: {  	v58 =	vadd.s32 s21, v0;
	v57 =	vshll.u32 v6, $0x7;
	[tilespmem:v5+s31+$0x0] =	vst.idx.msk $0xffff, v7  }
0x1c9: {  	v6 =	vand.u32 $0x3F, v58;
	v5 =	vadd.s32 v3, v57;
	v7 =	vld.idx.msk [tilespmem:v56+s20+$0x0], $0xffff  }
0x1ca: {  	v59 =	vor.u32 v6, v4;
	_ =	sdelay $0x2  }
0x1cb: {  	s23 =	sadd.s32 $0x3, s10  }
0x1cc: {  	v61 =	vadd.s32 s23, v0;
	v60 =	vshll.u32 v6, $0x7;
	[tilespmem:v5+s31+$0x0] =	vst.idx.msk $0xffff, v7  }
0x1cd: {  	v6 =	vand.u32 $0x3F, v61;
	v5 =	vadd.s32 v3, v60;
	v7 =	vld.idx.msk [tilespmem:v59+s20+$0x0], $0xffff  }
0x1ce: {  	v62 =	vor.u32 v6, v4;
	_ =	sdelay $0x3  }
0x1cf: {  	s9 =	sadd.s32 $0x1, s9;
	v63 =	vshll.u32 v6, $0x7;
	[tilespmem:v5+s31+$0x0] =	vst.idx.msk $0xffff, v7  }
0x1d0: {  	p0 =	sne.s32 s9, $0x8;
	v3 =	vadd.s32 v3, v63;
	v4 =	vld.idx.msk [tilespmem:v62+s20+$0x0], $0xffff  }
.Ltmp14:
0x1d1: {  	_ = 	snop;
	(pc) =	sbr.rel @p0 .LBB2_27-.Ltmp14, $2  }
0x1d2: {  	_ =	sdelay $0x2  }
0x1d3: {  	[tilespmem:v3+s31+$0x0] =	vst.idx.msk $0xffff, v4  }
0x1d4: {  	s7 =	rddreg [dreg:$0xa];
	s12 =	simm.s32 $0x7  }
0x1d5: {  	[hbm4b:s7+s28] =	stream.strided.scatter [tilespmem:s31], [sflag:$0x6], $0x2000, s29, s28, $0x38;
	[tilespmem:$0x1FA80] =	vst v63  }
0x1d6: {  	_ =	swait.ge [sflag:s12], $0x2000  }
0x1d7: {  	[sflag:s12] =	ssyncset.done $0x0  }
0x1d8: {  	s21 =	simm.s32 $0x8;
	[sflag:s12] =	ssyncadd.s32 $0xFFFFE000  }
0x1d9: {  	_ =	swait.ge [sflag:s21], $0x2000  }
0x1da: {  	[sflag:s21] =	ssyncset.done $0x0  }
0x1db: {  	[sflag:s21] =	ssyncadd.s32 $0xFFFFE000  }
0x1dc: {  	_ =	swait.ge [sflag:s17], $0x2000  }
0x1dd: {  	[sflag:s17] =	ssyncset.done $0x0  }
0x1de: {  	[sflag:s17] =	ssyncadd.s32 $0xFFFFE000  }
0x1df: {  	_ =	swait.ge [sflag:s19], $0x2000  }
0x1e0: {  	[sflag:s19] =	ssyncset.done $0x0  }
0x1e1: {  	s7 =	simm.s32 $0x1B200;
	[sflag:s19] =	ssyncadd.s32 $0xFFFFE000  }
0x1e2: {  	v3 =	vld [tilespmem:s7+$0x0];
	_ =	sdelay $0x4  }
0x1e3: {  	v4 =	vbroadcast v3, $0x0;
	_ =	sdelay $0x1  }
0x1e4: {  	v5 =	vshll.u32 v4, $0x3  }
0x1e5: {  	v4 =	vand.u32 $0x7F, v4;
	v5 =	vand.u32 $0xFFFFFC00, v5  }
0x1e6: {  	v4 =	vor.u32 v4, v5  }
0x1e7: {  	s9 =	simm.s32 $0x0;
	v4 =	vadd.s32 v1, v4  }
0x1e8: {  	v6 =	vmov s9;
	v5 =	vbroadcast v3, $0x1  }
0x1e9: {  	v6 =	vand.u32 $0x70, v6  }
0x1ea: {  	v6 =	vbroadcast v6, $0x0;
	v7 =	vshll.u32 v5, $0x3  }
0x1eb: {  	v5 =	vand.u32 $0x7F, v5;
	v7 =	vand.u32 $0xFFFFFC00, v7  }
0x1ec: {  	v6 =	vor.u32 v2, v6;
	v5 =	vor.u32 v5, v7;
	v4 =	vld.idx.msk [tilespmem:v4+s14+$0x0], $0xffff  }
0x1ed: {  	s23 =	simm.s32 $0x1;
	v5 =	vadd.s32 v1, v5  }
0x1ee: {  	v8 =	vmov s23;
	v7 =	vbroadcast v3, $0x2  }
0x1ef: {  	v8 =	vand.u32 $0x71, v8  }
0x1f0: {  	v8 =	vbroadcast v8, $0x0;
	v9 =	vshll.u32 v7, $0x3  }
0x1f1: {  	v7 =	vand.u32 $0x7F, v7;
	v9 =	vand.u32 $0xFFFFFC00, v9;
	[tilespmem:v6+s4+$0x0] =	vst.idx.msk $0xffff, v4  }
0x1f2: {  	v4 =	vor.u32 v2, v8;
	v6 =	vor.u32 v7, v9;
	v5 =	vld.idx.msk [tilespmem:v5+s14+$0x0], $0xffff  }
0x1f3: {  	s10 =	simm.s32 $0x2;
	v6 =	vadd.s32 v1, v6  }
0x1f4: {  	v39 =	vmov s10;
	v7 =	vbroadcast v3, $0x3  }
0x1f5: {  	v8 =	vand.u32 $0x72, v39  }
0x1f6: {  	v8 =	vbroadcast v8, $0x0;
	v40 =	vshll.u32 v7, $0x3  }
0x1f7: {  	v7 =	vand.u32 $0x7F, v7;
	v9 =	vand.u32 $0xFFFFFC00, v40;
	[tilespmem:v4+s4+$0x0] =	vst.idx.msk $0xffff, v5  }
0x1f8: {  	v4 =	vor.u32 v2, v8;
	v5 =	vor.u32 v7, v9;
	v6 =	vld.idx.msk [tilespmem:v6+s14+$0x0], $0xffff  }
0x1f9: {  	s11 =	simm.s32 $0x3;
	v5 =	vadd.s32 v1, v5  }
0x1fa: {  	v41 =	vmov s11;
	v7 =	vbroadcast v3, $0x4  }
0x1fb: {  	v8 =	vand.u32 $0x73, v41  }
0x1fc: {  	v8 =	vbroadcast v8, $0x0;
	v42 =	vshll.u32 v7, $0x3  }
0x1fd: {  	v7 =	vand.u32 $0x7F, v7;
	v9 =	vand.u32 $0xFFFFFC00, v42;
	[tilespmem:v4+s4+$0x0] =	vst.idx.msk $0xffff, v6  }
0x1fe: {  	v4 =	vor.u32 v2, v8;
	v6 =	vor.u32 v7, v9;
	v5 =	vld.idx.msk [tilespmem:v5+s14+$0x0], $0xffff  }
0x1ff: {  	s12 =	simm.s32 $0x4;
	v6 =	vadd.s32 v1, v6  }
0x200: {  	v43 =	vmov s12;
	v7 =	vbroadcast v3, $0x5  }
0x201: {  	v8 =	vand.u32 $0x74, v43  }
0x202: {  	v8 =	vbroadcast v8, $0x0;
	v44 =	vshll.u32 v7, $0x3  }
0x203: {  	v7 =	vand.u32 $0x7F, v7;
	v9 =	vand.u32 $0xFFFFFC00, v44;
	[tilespmem:v4+s4+$0x0] =	vst.idx.msk $0xffff, v5  }
0x204: {  	v4 =	vor.u32 v2, v8;
	v5 =	vor.u32 v7, v9;
	v6 =	vld.idx.msk [tilespmem:v6+s14+$0x0], $0xffff  }
0x205: {  	s17 =	simm.s32 $0x5;
	v5 =	vadd.s32 v1, v5  }
0x206: {  	v45 =	vmov s17;
	v7 =	vbroadcast v3, $0x6  }
0x207: {  	v8 =	vand.u32 $0x75, v45  }
0x208: {  	v8 =	vbroadcast v8, $0x0;
	v46 =	vshll.u32 v7, $0x3  }
0x209: {  	v7 =	vand.u32 $0x7F, v7;
	v9 =	vand.u32 $0xFFFFFC00, v46;
	[tilespmem:v4+s4+$0x0] =	vst.idx.msk $0xffff, v6  }
0x20a: {  	v4 =	vor.u32 v2, v8;
	v6 =	vor.u32 v7, v9;
	v5 =	vld.idx.msk [tilespmem:v5+s14+$0x0], $0xffff  }
0x20b: {  	s19 =	simm.s32 $0x6;
	v6 =	vadd.s32 v1, v6  }
0x20c: {  	v47 =	vmov s19;
	v7 =	vbroadcast v3, $0x7  }
0x20d: {  	v8 =	vand.u32 $0x76, v47  }
0x20e: {  	v8 =	vbroadcast v8, $0x0;
	v48 =	vshll.u32 v7, $0x3  }
0x20f: {  	v7 =	vand.u32 $0x7F, v7;
	v9 =	vand.u32 $0xFFFFFC00, v48;
	[tilespmem:v4+s4+$0x0] =	vst.idx.msk $0xffff, v5  }
0x210: {  	v4 =	vor.u32 v2, v8;
	v5 =	vor.u32 v7, v9;
	v6 =	vld.idx.msk [tilespmem:v6+s14+$0x0], $0xffff  }
0x211: {  	s21 =	simm.s32 $0x7;
	v5 =	vadd.s32 v1, v5  }
0x212: {  	v49 =	vmov s21;
	v7 =	vbroadcast v3, $0x8  }
0x213: {  	v8 =	vand.u32 $0x77, v49  }
0x214: {  	v8 =	vbroadcast v8, $0x0;
	v50 =	vshll.u32 v7, $0x3  }
0x215: {  	v7 =	vand.u32 $0x7F, v7;
	v9 =	vand.u32 $0xFFFFFC00, v50;
	[tilespmem:v4+s4+$0x0] =	vst.idx.msk $0xffff, v6  }
0x216: {  	v4 =	vor.u32 v2, v8;
	v6 =	vor.u32 v7, v9;
	v5 =	vld.idx.msk [tilespmem:v5+s14+$0x0], $0xffff  }
0x217: {  	s23 =	simm.s32 $0x8;
	v6 =	vadd.s32 v1, v6  }
0x218: {  	v51 =	vmov s23;
	v7 =	vbroadcast v3, $0x9  }
0x219: {  	v8 =	vand.u32 $0x78, v51  }
0x21a: {  	v8 =	vbroadcast v8, $0x0;
	v52 =	vshll.u32 v7, $0x3  }
0x21b: {  	v7 =	vand.u32 $0x7F, v7;
	v9 =	vand.u32 $0xFFFFFC00, v52;
	[tilespmem:v4+s4+$0x0] =	vst.idx.msk $0xffff, v5  }
0x21c: {  	v4 =	vor.u32 v2, v8;
	v5 =	vor.u32 v7, v9;
	v6 =	vld.idx.msk [tilespmem:v6+s14+$0x0], $0xffff  }
0x21d: {  	s10 =	simm.s32 $0x9;
	v5 =	vadd.s32 v1, v5  }
0x21e: {  	v53 =	vmov s10;
	v7 =	vbroadcast v3, $0xA  }
0x21f: {  	v8 =	vand.u32 $0x79, v53  }
0x220: {  	v8 =	vbroadcast v8, $0x0;
	v54 =	vshll.u32 v7, $0x3  }
0x221: {  	v7 =	vand.u32 $0x7F, v7;
	v9 =	vand.u32 $0xFFFFFC00, v54;
	[tilespmem:v4+s4+$0x0] =	vst.idx.msk $0xffff, v6  }
0x222: {  	v4 =	vor.u32 v2, v8;
	v6 =	vor.u32 v7, v9;
	v5 =	vld.idx.msk [tilespmem:v5+s14+$0x0], $0xffff  }
0x223: {  	s11 =	simm.s32 $0xA;
	v6 =	vadd.s32 v1, v6  }
0x224: {  	v55 =	vmov s11;
	v7 =	vbroadcast v3, $0xB  }
0x225: {  	v8 =	vand.u32 $0x7A, v55  }
0x226: {  	v8 =	vbroadcast v8, $0x0;
	v56 =	vshll.u32 v7, $0x3  }
0x227: {  	v7 =	vand.u32 $0x7F, v7;
	v9 =	vand.u32 $0xFFFFFC00, v56;
	[tilespmem:v4+s4+$0x0] =	vst.idx.msk $0xffff, v5  }
0x228: {  	v4 =	vor.u32 v2, v8;
	v5 =	vor.u32 v7, v9;
	v6 =	vld.idx.msk [tilespmem:v6+s14+$0x0], $0xffff  }
0x229: {  	s12 =	simm.s32 $0xB;
	v5 =	vadd.s32 v1, v5  }
0x22a: {  	v57 =	vmov s12;
	v7 =	vbroadcast v3, $0xC  }
0x22b: {  	v8 =	vand.u32 $0x7B, v57  }
0x22c: {  	v8 =	vbroadcast v8, $0x0;
	v58 =	vshll.u32 v7, $0x3  }
0x22d: {  	v7 =	vand.u32 $0x7F, v7;
	v9 =	vand.u32 $0xFFFFFC00, v58;
	[tilespmem:v4+s4+$0x0] =	vst.idx.msk $0xffff, v6  }
0x22e: {  	v4 =	vor.u32 v2, v8;
	v6 =	vor.u32 v7, v9;
	v5 =	vld.idx.msk [tilespmem:v5+s14+$0x0], $0xffff  }
0x22f: {  	s17 =	simm.s32 $0xC;
	v6 =	vadd.s32 v1, v6  }
0x230: {  	v59 =	vmov s17;
	v7 =	vbroadcast v3, $0xD  }
0x231: {  	v8 =	vand.u32 $0x7C, v59  }
0x232: {  	v8 =	vbroadcast v8, $0x0;
	v60 =	vshll.u32 v7, $0x3  }
0x233: {  	v7 =	vand.u32 $0x7F, v7;
	v9 =	vand.u32 $0xFFFFFC00, v60;
	[tilespmem:v4+s4+$0x0] =	vst.idx.msk $0xffff, v5  }
0x234: {  	v4 =	vor.u32 v7, v9;
	v5 =	vld.idx.msk [tilespmem:v6+s14+$0x0], $0xffff;
	v6 =	vor.u32 v2, v8  }
0x235: {  	s19 =	simm.s32 $0xD;
	v4 =	vadd.s32 v1, v4  }
0x236: {  	v61 =	vmov s19;
	v7 =	vbroadcast v3, $0xE  }
0x237: {  	v8 =	vand.u32 $0x7D, v61  }
0x238: {  	v62 =	vshll.u32 v7, $0x3;
	v8 =	vbroadcast v8, $0x0  }
0x239: {  	v7 =	vand.u32 $0x7F, v7;
	v9 =	vand.u32 $0xFFFFFC00, v62;
	[tilespmem:v6+s4+$0x0] =	vst.idx.msk $0xffff, v5  }
0x23a: {  	v5 =	vor.u32 v7, v9;
	v6 =	vor.u32 v2, v8;
	v4 =	vld.idx.msk [tilespmem:v4+s14+$0x0], $0xffff  }
0x23b: {  	s21 =	simm.s32 $0xE;
	v5 =	vadd.s32 v1, v5  }
0x23c: {  	v3 =	vbroadcast v3, $0xF;
	v7 =	vmov s21  }
0x23d: {  	v7 =	vand.u32 $0x7E, v7  }
0x23e: {  	v63 =	vshll.u32 v3, $0x3;
	v7 =	vbroadcast v7, $0x0  }
0x23f: {  	v3 =	vand.u32 $0x7F, v3;
	v8 =	vand.u32 $0xFFFFFC00, v63;
	[tilespmem:v6+s4+$0x0] =	vst.idx.msk $0xffff, v4  }
0x240: {  	v3 =	vor.u32 v3, v8;
	v4 =	vld.idx.msk [tilespmem:v5+s14+$0x0], $0xffff;
	v5 =	vor.u32 v2, v7  }
0x241: {  	s23 =	simm.s32 $0xF;
	v3 =	vadd.s32 v1, v3  }
0x242: {  	v6 =	vmov s23  }
0x243: {  	v6 =	vand.u32 $0x7F, v6  }
0x244: {  	v6 =	vbroadcast v6, $0x0  }
0x245: {  	[tilespmem:v5+s4+$0x0] =	vst.idx.msk $0xffff, v4  }
0x246: {  	s9 =	simm.s32 $0x1F;
	v4 =	vor.u32 v2, v6;
	v3 =	vld.idx.msk [tilespmem:v3+s14+$0x0], $0xffff  }
.LBB2_31:
0x247: {  	p0 =	sne.s32 s9, $0x7F  }
0x248: {  	s7 =	sadd.s32 $0x10, s7;
	s10 =	smov.u32 s9;
	s9 =	sadd.s32 $0x10, s9  }
0x249: {  	_ =	sdelay $0x1  }
0x24a: {  	[tilespmem:v4+s4+$0x0] =	vst.idx.msk $0xffff, v3  }
0x24b: {  	v3 =	vld [tilespmem:s7+$0x0];
	_ =	sdelay $0x4  }
0x24c: {  	v4 =	vbroadcast v3, $0x0;
	v5 =	vbroadcast v3, $0x1  }
0x24d: {  	v6 =	vbroadcast v3, $0x2;
	v7 =	vbroadcast v3, $0x3  }
0x24e: {  	v8 =	vand.u32 $0x7F, v4;
	v4 =	vshll.u32 v4, $0x3;
	v9 =	vshll.u32 v5, $0x3  }
0x24f: {  	s11 =	sadd.s32 $0xFFFFFFF1, s10;
	v10 =	vshll.u32 v6, $0x3;
	v4 =	vand.u32 $0xFFFFFC00, v4;
	v9 =	vand.u32 $0xFFFFFC00, v9  }
0x250: {  	v11 =	vmov s11;
	v10 =	vand.u32 $0xFFFFFC00, v10;
	v4 =	vor.u32 v8, v4  }
0x251: {  	v8 =	vand.u32 $0x70, v11;
	v11 =	vshll.u32 v7, $0x3;
	v4 =	vadd.s32 v1, v4  }
0x252: {  	v16 =	vbroadcast v3, $0x4;
	v8 =	vbroadcast v8, $0x0;
	v15 =	vand.u32 $0xFFFFFC00, v11  }
0x253: {  	v17 =	vbroadcast v3, $0x5;
	v18 =	vbroadcast v3, $0x6  }
0x254: {  	v5 =	vand.u32 $0x7F, v5;
	v12 =	vor.u32 v2, v8;
	v8 =	vshll.u32 v16, $0x3  }
0x255: {  	v5 =	vor.u32 v5, v9;
	v19 =	vand.u32 $0xFFFFFC00, v8;
	v8 =	vshll.u32 v17, $0x3  }
0x256: {  	s11 =	sadd.s32 $0xFFFFFFF2, s10;
	v5 =	vadd.s32 v1, v5;
	v20 =	vand.u32 $0xFFFFFC00, v8;
	v8 =	vshll.u32 v18, $0x3;
	v4 =	vld.idx.msk [tilespmem:v4+s14+$0x0], $0xffff  }
0x257: {  	v22 =	vbroadcast v3, $0x7;
	v9 =	vmov s11;
	v21 =	vand.u32 $0xFFFFFC00, v8  }
0x258: {  	v14 =	vbroadcast v3, $0x8;
	v11 =	vbroadcast v3, $0x9;
	v8 =	vand.u32 $0x71, v9  }
0x259: {  	v13 =	vshll.u32 v22, $0x3;
	v9 =	vbroadcast v8, $0x0;
	v8 =	vbroadcast v3, $0xA  }
0x25a: {  	v23 =	vand.u32 $0xFFFFFC00, v13;
	v13 =	vshll.u32 v14, $0x3;
	v24 =	vshll.u32 v11, $0x3  }
0x25b: {  	v6 =	vand.u32 $0x7F, v6;
	v26 =	vand.u32 $0xFFFFFC00, v13;
	v25 =	vor.u32 v2, v9  }
0x25c: {  	v13 =	vand.u32 $0xFFFFFC00, v24;
	[tilespmem:v12+s4+$0x0] =	vst.idx.msk $0xffff, v4;
	v4 =	vor.u32 v6, v10;
	v6 =	vshll.u32 v8, $0x3  }
0x25d: {  	s11 =	sadd.s32 $0xFFFFFFF3, s10;
	v9 =	vbroadcast v3, $0xB;
	v24 =	vld.idx.msk [tilespmem:v5+s14+$0x0], $0xffff;
	v4 =	vadd.s32 v1, v4;
	v12 =	vand.u32 $0xFFFFFC00, v6  }
0x25e: {  	v27 =	vbroadcast v3, $0xD;
	v6 =	vmov s11;
	v5 =	vbroadcast v3, $0xC  }
0x25f: {  	v28 =	vbroadcast v3, $0xE;
	v10 =	vshll.u32 v9, $0x3;
	v6 =	vand.u32 $0x72, v6  }
0x260: {  	v29 =	vand.u32 $0x7F, v27;
	v10 =	vand.u32 $0xFFFFFC00, v10;
	v6 =	vbroadcast v6, $0x0  }
0x261: {  	v30 =	vand.u32 $0x7F, v7;
	v27 =	vshll.u32 v27, $0x3;
	v7 =	vshll.u32 v5, $0x3  }
0x262: {  	v31 =	vor.u32 v2, v6;
	v6 =	vor.u32 v30, v15;
	v15 =	vand.u32 $0xFFFFFC00, v27  }
0x263: {  	[tilespmem:v25+s4+$0x0] =	vst.idx.msk $0xffff, v24;
	v24 =	vadd.s32 v1, v6;
	v6 =	vor.u32 v29, v15;
	v15 =	vshll.u32 v28, $0x3  }
0x264: {  	s11 =	sadd.s32 $0xFFFFFFF4, s10;
	v3 =	vbroadcast v3, $0xF;
	v25 =	vld.idx.msk [tilespmem:v4+s14+$0x0], $0xffff;
	v4 =	vand.u32 $0x7F, v28;
	v15 =	vand.u32 $0xFFFFFC00, v15  }
0x265: {  	v27 =	vmov s11;
	v4 =	vor.u32 v4, v15  }
0x266: {  	v15 =	vand.u32 $0x73, v27;
	v27 =	vshll.u32 v3, $0x3  }
0x267: {  	v3 =	vand.u32 $0x7F, v3;
	v15 =	vbroadcast v15, $0x0;
	v27 =	vand.u32 $0xFFFFFC00, v27  }
0x268: {  	v3 =	vor.u32 v3, v27  }
0x269: {  	v16 =	vand.u32 $0x7F, v16;
	v15 =	vor.u32 v2, v15  }
0x26a: {  	v16 =	vor.u32 v16, v19;
	[tilespmem:v31+s4+$0x0] =	vst.idx.msk $0xffff, v25  }
0x26b: {  	v16 =	vadd.s32 v1, v16;
	s11 =	sadd.s32 $0xFFFFFFF5, s10;
	v19 =	vld.idx.msk [tilespmem:v24+s14+$0x0], $0xffff  }
0x26c: {  	v24 =	vmov s11  }
0x26d: {  	v24 =	vand.u32 $0x74, v24  }
0x26e: {  	v24 =	vbroadcast v24, $0x0;
	_ =	sdelay $0x1  }
0x26f: {  	v17 =	vand.u32 $0x7F, v17;
	v24 =	vor.u32 v2, v24  }
0x270: {  	[tilespmem:v15+s4+$0x0] =	vst.idx.msk $0xffff, v19;
	v15 =	vor.u32 v17, v20  }
0x271: {  	s11 =	sadd.s32 $0xFFFFFFF6, s10;
	v16 =	vld.idx.msk [tilespmem:v16+s14+$0x0], $0xffff;
	v15 =	vadd.s32 v1, v15  }
0x272: {  	v17 =	vmov s11  }
0x273: {  	v17 =	vand.u32 $0x75, v17  }
0x274: {  	v17 =	vbroadcast v17, $0x0;
	_ =	sdelay $0x1  }
0x275: {  	v18 =	vand.u32 $0x7F, v18;
	v17 =	vor.u32 v2, v17  }
0x276: {  	[tilespmem:v24+s4+$0x0] =	vst.idx.msk $0xffff, v16;
	v16 =	vor.u32 v18, v21  }
0x277: {  	s11 =	sadd.s32 $0xFFFFFFF7, s10;
	v15 =	vld.idx.msk [tilespmem:v15+s14+$0x0], $0xffff;
	v16 =	vadd.s32 v1, v16  }
0x278: {  	v18 =	vmov s11  }
0x279: {  	v18 =	vand.u32 $0x76, v18  }
0x27a: {  	v18 =	vbroadcast v18, $0x0;
	_ =	sdelay $0x1  }
0x27b: {  	v19 =	vand.u32 $0x7F, v22;
	v18 =	vor.u32 v2, v18  }
0x27c: {  	[tilespmem:v17+s4+$0x0] =	vst.idx.msk $0xffff, v15;
	v15 =	vor.u32 v19, v23  }
0x27d: {  	s11 =	sadd.s32 $0xFFFFFFF8, s10;
	v16 =	vld.idx.msk [tilespmem:v16+s14+$0x0], $0xffff;
	v15 =	vadd.s32 v1, v15  }
0x27e: {  	v17 =	vmov s11  }
0x27f: {  	v17 =	vand.u32 $0x77, v17  }
0x280: {  	v17 =	vbroadcast v17, $0x0;
	_ =	sdelay $0x1  }
0x281: {  	v14 =	vand.u32 $0x7F, v14;
	v17 =	vor.u32 v2, v17  }
0x282: {  	v14 =	vor.u32 v14, v26;
	[tilespmem:v18+s4+$0x0] =	vst.idx.msk $0xffff, v16  }
0x283: {  	v14 =	vadd.s32 v1, v14;
	s11 =	sadd.s32 $0xFFFFFFF9, s10;
	v15 =	vld.idx.msk [tilespmem:v15+s14+$0x0], $0xffff  }
0x284: {  	v16 =	vmov s11  }
0x285: {  	v16 =	vand.u32 $0x78, v16  }
0x286: {  	v16 =	vbroadcast v16, $0x0;
	_ =	sdelay $0x1  }
0x287: {  	v11 =	vand.u32 $0x7F, v11;
	v16 =	vor.u32 v2, v16  }
0x288: {  	v11 =	vor.u32 v11, v13;
	[tilespmem:v17+s4+$0x0] =	vst.idx.msk $0xffff, v15  }
0x289: {  	v11 =	vadd.s32 v1, v11;
	s11 =	sadd.s32 $0xFFFFFFFA, s10;
	v13 =	vld.idx.msk [tilespmem:v14+s14+$0x0], $0xffff  }
0x28a: {  	v14 =	vmov s11  }
0x28b: {  	v14 =	vand.u32 $0x79, v14  }
0x28c: {  	v14 =	vbroadcast v14, $0x0;
	_ =	sdelay $0x1  }
0x28d: {  	v8 =	vand.u32 $0x7F, v8;
	v14 =	vor.u32 v2, v14  }
0x28e: {  	v8 =	vor.u32 v8, v12;
	[tilespmem:v16+s4+$0x0] =	vst.idx.msk $0xffff, v13  }
0x28f: {  	v8 =	vadd.s32 v1, v8;
	s11 =	sadd.s32 $0xFFFFFFFB, s10;
	v11 =	vld.idx.msk [tilespmem:v11+s14+$0x0], $0xffff  }
0x290: {  	v12 =	vmov s11  }
0x291: {  	v12 =	vand.u32 $0x7A, v12  }
0x292: {  	v12 =	vbroadcast v12, $0x0;
	_ =	sdelay $0x1  }
0x293: {  	v9 =	vand.u32 $0x7F, v9;
	v12 =	vor.u32 v2, v12  }
0x294: {  	v9 =	vor.u32 v9, v10;
	[tilespmem:v14+s4+$0x0] =	vst.idx.msk $0xffff, v11  }
0x295: {  	v9 =	vadd.s32 v1, v9;
	s11 =	sadd.s32 $0xFFFFFFFC, s10;
	v8 =	vld.idx.msk [tilespmem:v8+s14+$0x0], $0xffff  }
0x296: {  	v10 =	vmov s11  }
0x297: {  	v10 =	vand.u32 $0x7B, v10  }
0x298: {  	v10 =	vbroadcast v10, $0x0;
	_ =	sdelay $0x1  }
0x299: {  	v5 =	vand.u32 $0x7F, v5;
	v7 =	vand.u32 $0xFFFFFC00, v7;
	v10 =	vor.u32 v2, v10  }
0x29a: {  	v5 =	vor.u32 v5, v7;
	[tilespmem:v12+s4+$0x0] =	vst.idx.msk $0xffff, v8  }
0x29b: {  	v7 =	vld.idx.msk [tilespmem:v9+s14+$0x0], $0xffff;
	_ =	sdelay $0x1  }
0x29c: {  	v5 =	vadd.s32 v1, v5  }
0x29d: {  	s11 =	sadd.s32 $0xFFFFFFFD, s10  }
0x29e: {  	v8 =	vmov s11  }
0x29f: {  	v8 =	vand.u32 $0x7C, v8  }
0x2a0: {  	v6 =	vadd.s32 v1, v6;
	[tilespmem:v10+s4+$0x0] =	vst.idx.msk $0xffff, v7;
	v7 =	vbroadcast v8, $0x0  }
0x2a1: {  	v5 =	vld.idx.msk [tilespmem:v5+s14+$0x0], $0xffff  }
0x2a2: {  	v7 =	vor.u32 v2, v7;
	_ =	sdelay $0x1  }
0x2a3: {  	s11 =	sadd.s32 $0xFFFFFFFE, s10  }
0x2a4: {  	v8 =	vmov s11  }
0x2a5: {  	v8 =	vand.u32 $0x7D, v8  }
0x2a6: {  	[tilespmem:v7+s4+$0x0] =	vst.idx.msk $0xffff, v5;
	v5 =	vbroadcast v8, $0x0  }
0x2a7: {  	v6 =	vld.idx.msk [tilespmem:v6+s14+$0x0], $0xffff  }
0x2a8: {  	v5 =	vor.u32 v2, v5  }
0x2a9: {  	v4 =	vadd.s32 v1, v4  }
0x2aa: {  	s11 =	sadd.s32 $0xFFFFFFFF, s10  }
0x2ab: {  	v7 =	vmov s11  }
0x2ac: {  	v7 =	vand.u32 $0x7E, v7  }
0x2ad: {  	[tilespmem:v5+s4+$0x0] =	vst.idx.msk $0xffff, v6;
	v5 =	vbroadcast v7, $0x0  }
0x2ae: {  	v4 =	vld.idx.msk [tilespmem:v4+s14+$0x0], $0xffff  }
0x2af: {  	v5 =	vor.u32 v2, v5  }
0x2b0: {  	v3 =	vadd.s32 v1, v3;
	_ =	sdelay $0x1  }
.Ltmp15:
0x2b1: {  	v6 =	vmov s10;
	(pc) =	sbr.rel @p0 .LBB2_31-.Ltmp15, $4  }
0x2b2: {  	v6 =	vand.u32 $0x7F, v6  }
0x2b3: {  	[tilespmem:v5+s4+$0x0] =	vst.idx.msk $0xffff, v4;
	v4 =	vbroadcast v6, $0x0  }
0x2b4: {  	v3 =	vld.idx.msk [tilespmem:v3+s14+$0x0], $0xffff  }
0x2b5: {  	v4 =	vor.u32 v2, v4  }
0x2b6: {  	_ =	sdelay $0x3  }
0x2b7: {  	s7 =	rddreg [dreg:$0xb];
	s9 =	simm.s32 $0x8000;
	[tilespmem:v4+s4+$0x0] =	vst.idx.msk $0xffff, v3  }
0x2b8: {  	[hbm4b:s7+s28] =	stream.strided.scatter [tilespmem:s4], [sflag:$0x9], $0x800, s9, s28, $0x38;
	[tilespmem:$0x1FA80] =	vst v63  }
0x2b9: {  	_ =	swait.ge [sflag:s13], $0x800  }
0x2ba: {  	s6 =	sadd.s32 $0x1, s6;
	s23 =	rddreg [dreg:$0xc]  }
0x2bb: {  	p0 =	sne.s32 s6, s23  }
.Ltmp16:
0x2bc: {  	_ = 	snop;
	(pc) =	sbr.rel @p0 .LBB2_1-.Ltmp16, $3  }
0x2bd: {  	_ =	sdelay $0x1  }
0x2be: {  	[sflag:s13] =	ssyncset.done $0x0  }
0x2bf: {  	[sflag:s13] =	ssyncadd.s32 $0xFFFFF800  }
0x2c0: {  	_ =	sfence.sel $0x180000  }
0x2c1: {  	[bflag:$0x0] =	sbarrier.arrive $0xFFFF  }
0x2c2: {  	_ =	strace $0x90000047  }
0x2c3: {  	s0 =	stileid.u32;
	[bflag:$0x2] =	sbarrier.arrive $0xFFFF  }
0x2c4: {  	p0 =	sne.s32 s0, $0x0;
	s0 =	rddreg [dreg:$0x6]  }
0x2c5: {  	s0 =	sadd.s32 @!p0 $0x100000, s0  }
0x2c6: {  	[sflag:s0] =	ssyncadd.tile.s32 @!p0 $0x1;
	_ =	shalt  }
.Lfunc_end2:
_tile_overlayer_lowered:
.L_overlay_start_2:
0x2c7: {  	(tag) =	ssettag $0x2  }
0x2c8: {  	s0 =	rddreg [dreg:$0x0];
	s2 =	stileid.u32  }
0x2c9: {  	s1 =	rddreg [dreg:$0x1];
	p0 =	sne.s32 s2, $0x0  }
0x2ca: {  	s3 =	rddreg [dreg:$0x2];
	[bflag:$0x3] =	sbarrier.arrive $0xFFFF;
	s2 =	simm.s32 @!p0 $0x1C09  }
0x2cb: {  	[timem:s3], [sflag:s2] =	dma.local @!p0 [hbm:s0], s1  }
0x2cc: {  	s0 =	simm.s32 @!p0 $0x9  }
0x2cd: {  	_ =	swait.ge @!p0 [sflag:s0], s1  }
0x2ce: {  	s1 =	ssub.s32 @!p0 $0x0, s1;
	[sflag:s0] =	ssyncset.done @!p0 $0x0  }
0x2cf: {  	[sflag:s0] =	ssyncadd.s32 @!p0 s1  }
0x2d0: {  	[bflag:$0x3] =	sbarrier.arrive $0xFFFF  }
0x2d1: {  	_ =	shalt  }

</sc_bundles>
